<compile_context>
chip_gen: v7x
topology: tpu7x:2x2x1
jax: 0.10.2.dev20260603
libtpu: 0.0.44.dev20260713+nightly
codegen_flags: <defaults>
</compile_context>

<pallas_src>
import functools

import jax
import jax.numpy as jnp
from jax import lax
from jax.experimental import pallas as pl
from jax.experimental.pallas import tpu as pltpu
from jax.experimental.pallas import tpu_sc as plsc

N = 10000
E = 320000
D = 128
L = 5
NW = 32
NP = 10240
C = 128
EPT = 10112
EP = EPT * NW
RPT = NP // 16
C0 = 80

_mesh = plsc.VectorSubcoreMesh(core_axis_name="c", subcore_axis_name="s")


@functools.partial(
    pl.kernel,
    mesh=_mesh,
    out_type=jax.ShapeDtypeStruct((NP, D), jnp.float32),
    scratch_types=[
        pltpu.VMEM((C0,), jnp.int32),
        pltpu.VMEM((C0, D), jnp.float32),
        pltpu.SemaphoreType.DMA,
    ],
)
def _emb_gather(x_hbm, emb_hbm, out_hbm, idx_v, rows_v, sem):
    c = lax.axis_index("c")
    s = lax.axis_index("s")
    wid = s * 2 + c
    base = wid * (NP // NW)
    for k in range(NP // NW // C0):
        off = base + k * C0
        pltpu.sync_copy(x_hbm.at[pl.ds(off, C0)], idx_v)
        pltpu.async_copy(emb_hbm.at[idx_v], rows_v, sem).wait()
        pltpu.sync_copy(rows_v, out_hbm.at[pl.ds(off, C0)])


@functools.partial(
    pl.kernel,
    mesh=_mesh,
    out_type=jax.ShapeDtypeStruct((2 * NP, D), jnp.float32),
    scratch_types=[
        pltpu.VMEM((C,), jnp.int32),
        pltpu.VMEM((C,), jnp.int32),
        pltpu.VMEM((C, D), jnp.float32),
        pltpu.VMEM_SHARED((NP, D), jnp.float32),
        pltpu.SemaphoreType.DMA,
    ],
)
def _agg(h_hbm, zeros_hbm, src_hbm, dst_hbm, out_hbm, src_v, dst_v, rows_v,
         acc_sh, sem):
    c = lax.axis_index("c")
    s = lax.axis_index("s")
    rbase = s * RPT

    @pl.when(c == 0)
    def _():
        pltpu.sync_copy(h_hbm.at[pl.ds(rbase, RPT)], acc_sh.at[pl.ds(rbase, RPT)])

    @pl.when(c == 1)
    def _():
        pltpu.sync_copy(zeros_hbm.at[pl.ds(rbase, RPT)], acc_sh.at[pl.ds(rbase, RPT)])

    plsc.subcore_barrier()

    wid = s * 2 + c
    ebase = wid * EPT

    def body(k, carry):
        off = ebase + k * C
        pltpu.sync_copy(src_hbm.at[pl.ds(off, C)], src_v)
        pltpu.sync_copy(dst_hbm.at[pl.ds(off, C)], dst_v)
        pltpu.async_copy(h_hbm.at[src_v], rows_v, sem).wait()
        pltpu.sync_copy(rows_v, acc_sh.at[dst_v], add=True)
        return carry

    lax.fori_loop(0, EPT // C, body, 0)
    plsc.subcore_barrier()
    pltpu.sync_copy(acc_sh.at[pl.ds(rbase, RPT)],
                    out_hbm.at[pl.ds(c * NP + rbase, RPT)])


R = 640


def _mlp_body(last, p_ref, w1_ref, b1_ref, w2_ref, b2_ref, o_ref):
    agg = p_ref[0] + p_ref[1]
    hid = jnp.dot(agg, w1_ref[...], preferred_element_type=jnp.float32)
    hid = jnp.maximum(hid + b1_ref[...], 0.0)
    out = jnp.dot(hid, w2_ref[...], preferred_element_type=jnp.float32)
    out = out + b2_ref[...]
    if not last:
        out = jnp.maximum(out, 0.0)
    rows = R * pl.program_id(0) + lax.broadcasted_iota(jnp.int32, (R, 1), 0)
    o_ref[...] = jnp.where(rows < N, out, 0.0)


def _make_mlp(last):
    return pl.pallas_call(
        functools.partial(_mlp_body, last),
        grid=(NP // R,),
        in_specs=[
            pl.BlockSpec((2, R, D), lambda i: (0, i, 0)),
            pl.BlockSpec((D, 2 * D), lambda i: (0, 0)),
            pl.BlockSpec((1, 2 * D), lambda i: (0, 0)),
            pl.BlockSpec((2 * D, D), lambda i: (0, 0)),
            pl.BlockSpec((1, D), lambda i: (0, 0)),
        ],
        out_specs=pl.BlockSpec((R, D), lambda i: (i, 0)),
        out_shape=jax.ShapeDtypeStruct((NP, D), jnp.float32),
    )


_mlp_mid = _make_mlp(False)
_mlp_last = _make_mlp(True)


def kernel(x, edge_index, emb, W1, b1, W2, b2, gamma, beta):
    inv = jnp.float32(1.0) / jnp.sqrt(jnp.float32(1.0 + 1e-5))
    scale = gamma * inv
    W2p = W2 * scale[:, None, :]
    b2p = b2 * scale + beta

    x_pad = jnp.concatenate([x, jnp.zeros((NP - N,), jnp.int32)])
    src = jnp.concatenate([edge_index[0], jnp.zeros((EP - E,), jnp.int32)])
    dst = jnp.concatenate([edge_index[1], jnp.full((EP - E,), N, jnp.int32)])
    zeros = jnp.zeros((NP, D), jnp.float32)

    h = _emb_gather(x_pad, emb)
    for l in range(L):
        parts = _agg(h, zeros, src, dst).reshape(2, NP, D)
        mlp = _mlp_last if l == L - 1 else _mlp_mid
        h = mlp(parts, W1[l], b1[l].reshape(1, -1), W2p[l], b2p[l].reshape(1, -1))
    return h[:N]

# --- scband reference (transcript-rebuilt; emitter-appended) ---
"""Pipeline reference for scband-gnn-58196806861203 (READ-ONLY COPY).

The authoritative reference and input builder live on the scoring server;
editing this copy changes nothing except your own understanding.
"""

import jax, jax.numpy as jnp
import numpy as np

N = 10000
E = 320000
D = 128
L = 5
NUM_OP = 5
BN_EPS = 1e-5


def setup_inputs(seed: int = 0) -> dict:
    key = jax.random.key(seed)
    ks = jax.random.split(key, 8)
    x = jax.random.randint(ks[0], (N,), 0, NUM_OP, dtype=jnp.int32)
    edge_index = jax.random.randint(ks[1], (2, E), 0, N, dtype=jnp.int32)
    # embedding table (xavier-uniform-ish init)
    bound = float(np.sqrt(6.0 / (NUM_OP + D)))
    emb = jax.random.uniform(ks[2], (NUM_OP, D), dtype=jnp.float32, minval=-bound, maxval=bound)
    # per-layer GIN MLP params: Linear(D, 2D) -> ReLU -> Linear(2D, D)
    W1 = jax.random.normal(ks[3], (L, D, 2 * D), dtype=jnp.float32) * 0.05
    b1 = jnp.zeros((L, 2 * D), dtype=jnp.float32)
    W2 = jax.random.normal(ks[4], (L, 2 * D, D), dtype=jnp.float32) * 0.05
    b2 = jnp.zeros((L, D), dtype=jnp.float32)
    # BatchNorm1d eval-mode affine params (running_mean=0, running_var=1)
    gamma = jnp.ones((L, D), dtype=jnp.float32)
    beta = jnp.zeros((L, D), dtype=jnp.float32)
    return {"x": x, "edge_index": edge_index, "emb": emb, "W1": W1, "b1": b1,
            "W2": W2, "b2": b2, "gamma": gamma, "beta": beta}


def reference(x, edge_index, emb, W1, b1, W2, b2, gamma, beta):
    n = x.shape[0]
    # add self loops
    loop = jnp.arange(n, dtype=edge_index.dtype)
    src = jnp.concatenate([edge_index[0], loop])
    dst = jnp.concatenate([edge_index[1], loop])
    # node feature embedding lookup
    h = jnp.take(emb, x, axis=0)
    for l in range(L):
        # GINConv: message = x_j, aggr='add' at dst, update = MLP
        agg = jax.ops.segment_sum(h[src], dst, num_segments=n)
        hid = jax.nn.relu(agg @ W1[l] + b1[l])
        out = hid @ W2[l] + b2[l]
        # BatchNorm1d in eval mode: (out - 0) / sqrt(1 + eps) * gamma + beta
        out = gamma[l] * out / jnp.sqrt(1.0 + BN_EPS) + beta[l]
        if l == L - 1:
            h = out  # dropout is identity in eval mode
        else:
            h = jax.nn.relu(out)
    # JK == 'last'
    return h

if __name__ == "__main__":
    import jax
    _d = setup_inputs()
    print(jax.jit(kernel)(*tuple(_d.values())))

</pallas_src>

<mosaic_0001>
#map = affine_map<(d0, d1) -> (0, 0)>
#map1 = affine_map<(d0, d1) -> (0)>
module attributes {stable_mosaic.version = 14 : i64} {
  func.func @_agg(%arg0: i32, %arg1: i32, %arg2: memref<10240x128xf32, #tpu.memory_space<hbm>>, %arg3: memref<10240x128xf32, #tpu.memory_space<hbm>>, %arg4: memref<323584xi32, #tpu.memory_space<hbm>>, %arg5: memref<323584xi32, #tpu.memory_space<hbm>>, %arg6: memref<20480x128xf32, #tpu.memory_space<hbm>>, %arg7: memref<128xi32, #tpu.memory_space<vmem>>, %arg8: memref<128xi32, #tpu.memory_space<vmem>>, %arg9: memref<128x128xf32, #tpu.memory_space<vmem>>, %arg10: memref<10240x128xf32, #tpu.memory_space<vmem_shared>>, %arg11: memref<!tpu.dma_semaphore, #tpu.memory_space<semaphore_mem>>) attributes {dimension_semantics = [#tpu.dimension_semantics<core_parallel>, #tpu.dimension_semantics<subcore_parallel>], iteration_bounds = array<i64: 2, 16>, scalar_prefetch = 0 : i64, scratch_operands = 5 : i64, tpu.core_type = #tpu.core_type<sc_vector_subcore>, window_params = [{transform_indices = #map}, {transform_indices = #map}, {transform_indices = #map1}, {transform_indices = #map1}, {transform_indices = #map}]} {
    %mul3A = arith.constant 640 : i32
    %mul3A_0 = arith.muli %arg1, %mul3A : i32
    %eq3A = arith.constant 0 : i32
    %eq3A_1 = arith.cmpi eq, %arg0, %eq3A : i32
    %convert_element_type3A = arith.extui %eq3A_1 : i1 to i32
    %cond3A = arith.constant 0 : i32
    %cond3A_2 = arith.cmpi ne, %convert_element_type3A, %cond3A : i32
    scf.if %cond3A_2 {
      "tpu.region"() ({
        %run_scoped3A = tpu.sem_alloc : memref<!tpu.dma_semaphore, #tpu.memory_space<semaphore_mem>>
        %dma_start3A = arith.constant 0 : i32
        %dma_start3A_21 = tpu.memref_slice %arg10[%mul3A_0, %dma_start3A] : memref<10240x128xf32, #tpu.memory_space<vmem_shared>> -> memref<640x128xf32, #tpu.memory_space<vmem_shared>>
        %dma_start3A_22 = arith.constant 0 : i32
        %dma_start3A_23 = tpu.memref_slice %arg2[%mul3A_0, %dma_start3A_22] : memref<10240x128xf32, #tpu.memory_space<hbm>> -> memref<640x128xf32, #tpu.memory_space<hbm>>
        tpu.enqueue_dma source(%dma_start3A_23 : memref<640x128xf32, #tpu.memory_space<hbm>>) target(%dma_start3A_21 : memref<640x128xf32, #tpu.memory_space<vmem_shared>>) target_semaphore(%run_scoped3A : memref<!tpu.dma_semaphore, #tpu.memory_space<semaphore_mem>>)
        %dma_wait3A = arith.constant 0 : i32
        %dma_wait3A_24 = tpu.memref_slice %arg10[%mul3A_0, %dma_wait3A] : memref<10240x128xf32, #tpu.memory_space<vmem_shared>> -> memref<640x128xf32, #tpu.memory_space<vmem_shared>>
        %dma_wait3A_25 = arith.constant 0 : i32
        %dma_wait3A_26 = tpu.memref_slice %arg2[%mul3A_0, %dma_wait3A_25] : memref<10240x128xf32, #tpu.memory_space<hbm>> -> memref<640x128xf32, #tpu.memory_space<hbm>>
        tpu.wait_dma2 semaphore(%run_scoped3A : memref<!tpu.dma_semaphore, #tpu.memory_space<semaphore_mem>>) src(%dma_wait3A_26 : memref<640x128xf32, #tpu.memory_space<hbm>>) dst(%dma_wait3A_24 : memref<640x128xf32, #tpu.memory_space<vmem_shared>>)
        tpu.yield
      }) : () -> ()
    } else {
    }
    %eq3A_3 = arith.constant 1 : i32
    %eq3A_4 = arith.cmpi eq, %arg0, %eq3A_3 : i32
    %convert_element_type3A_5 = arith.extui %eq3A_4 : i1 to i32
    %cond3A_6 = arith.constant 0 : i32
    %cond3A_7 = arith.cmpi ne, %convert_element_type3A_5, %cond3A_6 : i32
    scf.if %cond3A_7 {
      "tpu.region"() ({
        %run_scoped3A = tpu.sem_alloc : memref<!tpu.dma_semaphore, #tpu.memory_space<semaphore_mem>>
        %dma_start3A = arith.constant 0 : i32
        %dma_start3A_21 = tpu.memref_slice %arg10[%mul3A_0, %dma_start3A] : memref<10240x128xf32, #tpu.memory_space<vmem_shared>> -> memref<640x128xf32, #tpu.memory_space<vmem_shared>>
        %dma_start3A_22 = arith.constant 0 : i32
        %dma_start3A_23 = tpu.memref_slice %arg3[%mul3A_0, %dma_start3A_22] : memref<10240x128xf32, #tpu.memory_space<hbm>> -> memref<640x128xf32, #tpu.memory_space<hbm>>
        tpu.enqueue_dma source(%dma_start3A_23 : memref<640x128xf32, #tpu.memory_space<hbm>>) target(%dma_start3A_21 : memref<640x128xf32, #tpu.memory_space<vmem_shared>>) target_semaphore(%run_scoped3A : memref<!tpu.dma_semaphore, #tpu.memory_space<semaphore_mem>>)
        %dma_wait3A = arith.constant 0 : i32
        %dma_wait3A_24 = tpu.memref_slice %arg10[%mul3A_0, %dma_wait3A] : memref<10240x128xf32, #tpu.memory_space<vmem_shared>> -> memref<640x128xf32, #tpu.memory_space<vmem_shared>>
        %dma_wait3A_25 = arith.constant 0 : i32
        %dma_wait3A_26 = tpu.memref_slice %arg3[%mul3A_0, %dma_wait3A_25] : memref<10240x128xf32, #tpu.memory_space<hbm>> -> memref<640x128xf32, #tpu.memory_space<hbm>>
        tpu.wait_dma2 semaphore(%run_scoped3A : memref<!tpu.dma_semaphore, #tpu.memory_space<semaphore_mem>>) src(%dma_wait3A_26 : memref<640x128xf32, #tpu.memory_space<hbm>>) dst(%dma_wait3A_24 : memref<640x128xf32, #tpu.memory_space<vmem_shared>>)
        tpu.yield
      }) : () -> ()
    } else {
    }
    %barrier3A = arith.constant 0 : index
    tpu.barrier barrier_id(%barrier3A)
    %mul3A_8 = arith.constant 2 : i32
    %mul3A_9 = arith.muli %arg1, %mul3A_8 : i32
    %add3A = arith.addi %mul3A_9, %arg0 : i32
    %mul3A_10 = arith.constant 10112 : i32
    %mul3A_11 = arith.muli %add3A, %mul3A_10 : i32
    %scan3A = arith.constant 0 : i32
    %scan3A_12 = arith.constant 0 : i32
    %scan3A_13 = arith.constant 79 : i32
    %scan3A_14 = arith.addi %scan3A_12, %scan3A_13 : i32
    %scan3A_15 = arith.constant 1 : i32
    scf.for %scan3A_21 = %scan3A_12 to %scan3A_14 step %scan3A_15  : i32 {
      %mul3A_22 = arith.constant 128 : i32
      %mul3A_23 = arith.muli %scan3A_21, %mul3A_22 : i32
      %add3A_24 = arith.addi %mul3A_11, %mul3A_23 : i32
      "tpu.region"() ({
        %run_scoped3A = tpu.sem_alloc : memref<!tpu.dma_semaphore, #tpu.memory_space<semaphore_mem>>
        %dma_start3A_29 = tpu.memref_slice %arg4[%add3A_24] : memref<323584xi32, #tpu.memory_space<hbm>> -> memref<128xi32, #tpu.memory_space<hbm>>
        %dma_start3A_30 = tpu.memref_slice %arg4[%add3A_24] : memref<323584xi32, #tpu.memory_space<hbm>> -> memref<128xi32, #tpu.memory_space<hbm>>
        tpu.enqueue_dma source(%dma_start3A_30 : memref<128xi32, #tpu.memory_space<hbm>>) target(%arg7 : memref<128xi32, #tpu.memory_space<vmem>>) target_semaphore(%run_scoped3A : memref<!tpu.dma_semaphore, #tpu.memory_space<semaphore_mem>>)
        %dma_wait3A_31 = tpu.memref_slice %arg4[%add3A_24] : memref<323584xi32, #tpu.memory_space<hbm>> -> memref<128xi32, #tpu.memory_space<hbm>>
        %dma_wait3A_32 = tpu.memref_slice %arg4[%add3A_24] : memref<323584xi32, #tpu.memory_space<hbm>> -> memref<128xi32, #tpu.memory_space<hbm>>
        tpu.wait_dma2 semaphore(%run_scoped3A : memref<!tpu.dma_semaphore, #tpu.memory_space<semaphore_mem>>) src(%dma_wait3A_32 : memref<128xi32, #tpu.memory_space<hbm>>) dst(%arg7 : memref<128xi32, #tpu.memory_space<vmem>>)
        tpu.yield
      }) : () -> ()
      "tpu.region"() ({
        %run_scoped3A = tpu.sem_alloc : memref<!tpu.dma_semaphore, #tpu.memory_space<semaphore_mem>>
        %dma_start3A_29 = tpu.memref_slice %arg5[%add3A_24] : memref<323584xi32, #tpu.memory_space<hbm>> -> memref<128xi32, #tpu.memory_space<hbm>>
        %dma_start3A_30 = tpu.memref_slice %arg5[%add3A_24] : memref<323584xi32, #tpu.memory_space<hbm>> -> memref<128xi32, #tpu.memory_space<hbm>>
        tpu.enqueue_dma source(%dma_start3A_30 : memref<128xi32, #tpu.memory_space<hbm>>) target(%arg8 : memref<128xi32, #tpu.memory_space<vmem>>) target_semaphore(%run_scoped3A : memref<!tpu.dma_semaphore, #tpu.memory_space<semaphore_mem>>)
        %dma_wait3A_31 = tpu.memref_slice %arg5[%add3A_24] : memref<323584xi32, #tpu.memory_space<hbm>> -> memref<128xi32, #tpu.memory_space<hbm>>
        %dma_wait3A_32 = tpu.memref_slice %arg5[%add3A_24] : memref<323584xi32, #tpu.memory_space<hbm>> -> memref<128xi32, #tpu.memory_space<hbm>>
        tpu.wait_dma2 semaphore(%run_scoped3A : memref<!tpu.dma_semaphore, #tpu.memory_space<semaphore_mem>>) src(%dma_wait3A_32 : memref<128xi32, #tpu.memory_space<hbm>>) dst(%arg8 : memref<128xi32, #tpu.memory_space<vmem>>)
        tpu.yield
      }) : () -> ()
      %dma_start3A = arith.constant 0 : i32
      %dma_start3A_25 = arith.constant 0 : i32
      %dma_start3A_26 = tpu.memref_slice %arg2[%dma_start3A, %dma_start3A_25] : memref<10240x128xf32, #tpu.memory_space<hbm>> -> memref<10240x128xf32, #tpu.memory_space<hbm>>
      tpu.enqueue_indirect_dma source(%dma_start3A_26 : memref<10240x128xf32, #tpu.memory_space<hbm>>) target(%arg9 : memref<128x128xf32, #tpu.memory_space<vmem>>) offsets(%arg7 : memref<128xi32, #tpu.memory_space<vmem>>) semaphore(%arg11 : memref<!tpu.dma_semaphore, #tpu.memory_space<semaphore_mem>>)
      %dma_wait3A = arith.constant 0 : i32
      %dma_wait3A_27 = arith.constant 0 : i32
      %dma_wait3A_28 = tpu.memref_slice %arg2[%dma_wait3A, %dma_wait3A_27] : memref<10240x128xf32, #tpu.memory_space<hbm>> -> memref<10240x128xf32, #tpu.memory_space<hbm>>
      tpu.wait_indirect_dma semaphore(%arg11 : memref<!tpu.dma_semaphore, #tpu.memory_space<semaphore_mem>>) src(%dma_wait3A_28 : memref<10240x128xf32, #tpu.memory_space<hbm>>) dst(%arg9 : memref<128x128xf32, #tpu.memory_space<vmem>>)
      "tpu.region"() ({
        %run_scoped3A = tpu.sem_alloc : memref<!tpu.dma_semaphore, #tpu.memory_space<semaphore_mem>>
        %dma_start3A_29 = arith.constant 0 : i32
        %dma_start3A_30 = arith.constant 0 : i32
        %dma_start3A_31 = tpu.memref_slice %arg10[%dma_start3A_29, %dma_start3A_30] : memref<10240x128xf32, #tpu.memory_space<vmem_shared>> -> memref<10240x128xf32, #tpu.memory_space<vmem_shared>>
        tpu.enqueue_indirect_dma source(%arg9 : memref<128x128xf32, #tpu.memory_space<vmem>>) target(%dma_start3A_31 : memref<10240x128xf32, #tpu.memory_space<vmem_shared>>) offsets(%arg8 : memref<128xi32, #tpu.memory_space<vmem>>) semaphore(%run_scoped3A : memref<!tpu.dma_semaphore, #tpu.memory_space<semaphore_mem>>) {add = true}
        %dma_wait3A_32 = arith.constant 0 : i32
        %dma_wait3A_33 = arith.constant 0 : i32
        %dma_wait3A_34 = tpu.memref_slice %arg10[%dma_wait3A_32, %dma_wait3A_33] : memref<10240x128xf32, #tpu.memory_space<vmem_shared>> -> memref<10240x128xf32, #tpu.memory_space<vmem_shared>>
        tpu.wait_indirect_dma semaphore(%run_scoped3A : memref<!tpu.dma_semaphore, #tpu.memory_space<semaphore_mem>>) src(%arg9 : memref<128x128xf32, #tpu.memory_space<vmem>>) dst(%dma_wait3A_34 : memref<10240x128xf32, #tpu.memory_space<vmem_shared>>)
        tpu.yield
      }) : () -> ()
    }
    %scan3A_16 = arith.constant 79 : i32
    %barrier3A_17 = arith.constant 0 : index
    tpu.barrier barrier_id(%barrier3A_17)
    %mul3A_18 = arith.constant 10240 : i32
    %mul3A_19 = arith.muli %arg0, %mul3A_18 : i32
    %add3A_20 = arith.addi %mul3A_19, %mul3A_0 : i32
    "tpu.region"() ({
      %run_scoped3A = tpu.sem_alloc : memref<!tpu.dma_semaphore, #tpu.memory_space<semaphore_mem>>
      %dma_start3A = arith.constant 0 : i32
      %dma_start3A_21 = tpu.memref_slice %arg6[%add3A_20, %dma_start3A] : memref<20480x128xf32, #tpu.memory_space<hbm>> -> memref<640x128xf32, #tpu.memory_space<hbm>>
      %dma_start3A_22 = arith.constant 0 : i32
      %dma_start3A_23 = tpu.memref_slice %arg10[%mul3A_0, %dma_start3A_22] : memref<10240x128xf32, #tpu.memory_space<vmem_shared>> -> memref<640x128xf32, #tpu.memory_space<vmem_shared>>
      tpu.enqueue_dma source(%dma_start3A_23 : memref<640x128xf32, #tpu.memory_space<vmem_shared>>) target(%dma_start3A_21 : memref<640x128xf32, #tpu.memory_space<hbm>>) target_semaphore(%run_scoped3A : memref<!tpu.dma_semaphore, #tpu.memory_space<semaphore_mem>>)
      %dma_wait3A = arith.constant 0 : i32
      %dma_wait3A_24 = tpu.memref_slice %arg6[%add3A_20, %dma_wait3A] : memref<20480x128xf32, #tpu.memory_space<hbm>> -> memref<640x128xf32, #tpu.memory_space<hbm>>
      %dma_wait3A_25 = arith.constant 0 : i32
      %dma_wait3A_26 = tpu.memref_slice %arg10[%mul3A_0, %dma_wait3A_25] : memref<10240x128xf32, #tpu.memory_space<vmem_shared>> -> memref<640x128xf32, #tpu.memory_space<vmem_shared>>
      tpu.wait_dma2 semaphore(%run_scoped3A : memref<!tpu.dma_semaphore, #tpu.memory_space<semaphore_mem>>) src(%dma_wait3A_26 : memref<640x128xf32, #tpu.memory_space<vmem_shared>>) dst(%dma_wait3A_24 : memref<640x128xf32, #tpu.memory_space<hbm>>)
      tpu.yield
    }) : () -> ()
    return
  }
}

#map = affine_map<(d0, d1) -> (0, 0)>
#map1 = affine_map<(d0, d1) -> (0)>
module attributes {stable_mosaic.version = 14 : i64} {
  func.func @_agg(%arg0: i32, %arg1: i32, %arg2: memref<10240x128xf32, #tpu.memory_space<hbm>>, %arg3: memref<10240x128xf32, #tpu.memory_space<hbm>>, %arg4: memref<323584xi32, #tpu.memory_space<hbm>>, %arg5: memref<323584xi32, #tpu.memory_space<hbm>>, %arg6: memref<20480x128xf32, #tpu.memory_space<hbm>>, %arg7: memref<128xi32, #tpu.memory_space<vmem>>, %arg8: memref<128xi32, #tpu.memory_space<vmem>>, %arg9: memref<128x128xf32, #tpu.memory_space<vmem>>, %arg10: memref<10240x128xf32, #tpu.memory_space<vmem_shared>>, %arg11: memref<!tpu.dma_semaphore, #tpu.memory_space<semaphore_mem>>) attributes {dimension_semantics = [#tpu.dimension_semantics<core_parallel>, #tpu.dimension_semantics<subcore_parallel>], iteration_bounds = array<i64: 2, 16>, scalar_prefetch = 0 : i64, scratch_operands = 5 : i64, tpu.core_type = #tpu.core_type<sc_vector_subcore>, window_params = [{transform_indices = #map}, {transform_indices = #map}, {transform_indices = #map1}, {transform_indices = #map1}, {transform_indices = #map}]} {
    %mul3A = arith.constant 640 : i32
    %mul3A_0 = arith.muli %arg1, %mul3A : i32
    %eq3A = arith.constant 0 : i32
    %eq3A_1 = arith.cmpi eq, %arg0, %eq3A : i32
    %convert_element_type3A = arith.extui %eq3A_1 : i1 to i32
    %cond3A = arith.constant 0 : i32
    %cond3A_2 = arith.cmpi ne, %convert_element_type3A, %cond3A : i32
    scf.if %cond3A_2 {
      "tpu.region"() ({
        %run_scoped3A = tpu.sem_alloc : memref<!tpu.dma_semaphore, #tpu.memory_space<semaphore_mem>>
        %dma_start3A = arith.constant 0 : i32
        %dma_start3A_21 = tpu.memref_slice %arg10[%mul3A_0, %dma_start3A] : memref<10240x128xf32, #tpu.memory_space<vmem_shared>> -> memref<640x128xf32, #tpu.memory_space<vmem_shared>>
        %dma_start3A_22 = arith.constant 0 : i32
        %dma_start3A_23 = tpu.memref_slice %arg2[%mul3A_0, %dma_start3A_22] : memref<10240x128xf32, #tpu.memory_space<hbm>> -> memref<640x128xf32, #tpu.memory_space<hbm>>
        tpu.enqueue_dma source(%dma_start3A_23 : memref<640x128xf32, #tpu.memory_space<hbm>>) target(%dma_start3A_21 : memref<640x128xf32, #tpu.memory_space<vmem_shared>>) target_semaphore(%run_scoped3A : memref<!tpu.dma_semaphore, #tpu.memory_space<semaphore_mem>>)
        %dma_wait3A = arith.constant 0 : i32
        %dma_wait3A_24 = tpu.memref_slice %arg10[%mul3A_0, %dma_wait3A] : memref<10240x128xf32, #tpu.memory_space<vmem_shared>> -> memref<640x128xf32, #tpu.memory_space<vmem_shared>>
        %dma_wait3A_25 = arith.constant 0 : i32
        %dma_wait3A_26 = tpu.memref_slice %arg2[%mul3A_0, %dma_wait3A_25] : memref<10240x128xf32, #tpu.memory_space<hbm>> -> memref<640x128xf32, #tpu.memory_space<hbm>>
        tpu.wait_dma2 semaphore(%run_scoped3A : memref<!tpu.dma_semaphore, #tpu.memory_space<semaphore_mem>>) src(%dma_wait3A_26 : memref<640x128xf32, #tpu.memory_space<hbm>>) dst(%dma_wait3A_24 : memref<640x128xf32, #tpu.memory_space<vmem_shared>>)
        tpu.yield
      }) : () -> ()
    } else {
    }
    %eq3A_3 = arith.constant 1 : i32
    %eq3A_4 = arith.cmpi eq, %arg0, %eq3A_3 : i32
    %convert_element_type3A_5 = arith.extui %eq3A_4 : i1 to i32
    %cond3A_6 = arith.constant 0 : i32
    %cond3A_7 = arith.cmpi ne, %convert_element_type3A_5, %cond3A_6 : i32
    scf.if %cond3A_7 {
      "tpu.region"() ({
        %run_scoped3A = tpu.sem_alloc : memref<!tpu.dma_semaphore, #tpu.memory_space<semaphore_mem>>
        %dma_start3A = arith.constant 0 : i32
        %dma_start3A_21 = tpu.memref_slice %arg10[%mul3A_0, %dma_start3A] : memref<10240x128xf32, #tpu.memory_space<vmem_shared>> -> memref<640x128xf32, #tpu.memory_space<vmem_shared>>
        %dma_start3A_22 = arith.constant 0 : i32
        %dma_start3A_23 = tpu.memref_slice %arg3[%mul3A_0, %dma_start3A_22] : memref<10240x128xf32, #tpu.memory_space<hbm>> -> memref<640x128xf32, #tpu.memory_space<hbm>>
        tpu.enqueue_dma source(%dma_start3A_23 : memref<640x128xf32, #tpu.memory_space<hbm>>) target(%dma_start3A_21 : memref<640x128xf32, #tpu.memory_space<vmem_shared>>) target_semaphore(%run_scoped3A : memref<!tpu.dma_semaphore, #tpu.memory_space<semaphore_mem>>)
        %dma_wait3A = arith.constant 0 : i32
        %dma_wait3A_24 = tpu.memref_slice %arg10[%mul3A_0, %dma_wait3A] : memref<10240x128xf32, #tpu.memory_space<vmem_shared>> -> memref<640x128xf32, #tpu.memory_space<vmem_shared>>
        %dma_wait3A_25 = arith.constant 0 : i32
        %dma_wait3A_26 = tpu.memref_slice %arg3[%mul3A_0, %dma_wait3A_25] : memref<10240x128xf32, #tpu.memory_space<hbm>> -> memref<640x128xf32, #tpu.memory_space<hbm>>
        tpu.wait_dma2 semaphore(%run_scoped3A : memref<!tpu.dma_semaphore, #tpu.memory_space<semaphore_mem>>) src(%dma_wait3A_26 : memref<640x128xf32, #tpu.memory_space<hbm>>) dst(%dma_wait3A_24 : memref<640x128xf32, #tpu.memory_space<vmem_shared>>)
        tpu.yield
      }) : () -> ()
    } else {
    }
    %barrier3A = arith.constant 0 : index
    tpu.barrier barrier_id(%barrier3A)
    %mul3A_8 = arith.constant 2 : i32
    %mul3A_9 = arith.muli %arg1, %mul3A_8 : i32
    %add3A = arith.addi %mul3A_9, %arg0 : i32
    %mul3A_10 = arith.constant 10112 : i32
    %mul3A_11 = arith.muli %add3A, %mul3A_10 : i32
    %scan3A = arith.constant 0 : i32
    %scan3A_12 = arith.constant 0 : i32
    %scan3A_13 = arith.constant 79 : i32
    %scan3A_14 = arith.addi %scan3A_12, %scan3A_13 : i32
    %scan3A_15 = arith.constant 1 : i32
    scf.for %scan3A_21 = %scan3A_12 to %scan3A_14 step %scan3A_15  : i32 {
      %mul3A_22 = arith.constant 128 : i32
      %mul3A_23 = arith.muli %scan3A_21, %mul3A_22 : i32
      %add3A_24 = arith.addi %mul3A_11, %mul3A_23 : i32
      "tpu.region"() ({
        %run_scoped3A = tpu.sem_alloc : memref<!tpu.dma_semaphore, #tpu.memory_space<semaphore_mem>>
        %dma_start3A_29 = tpu.memref_slice %arg4[%add3A_24] : memref<323584xi32, #tpu.memory_space<hbm>> -> memref<128xi32, #tpu.memory_space<hbm>>
        %dma_start3A_30 = tpu.memref_slice %arg4[%add3A_24] : memref<323584xi32, #tpu.memory_space<hbm>> -> memref<128xi32, #tpu.memory_space<hbm>>
        tpu.enqueue_dma source(%dma_start3A_30 : memref<128xi32, #tpu.memory_space<hbm>>) target(%arg7 : memref<128xi32, #tpu.memory_space<vmem>>) target_semaphore(%run_scoped3A : memref<!tpu.dma_semaphore, #tpu.memory_space<semaphore_mem>>)
        %dma_wait3A_31 = tpu.memref_slice %arg4[%add3A_24] : memref<323584xi32, #tpu.memory_space<hbm>> -> memref<128xi32, #tpu.memory_space<hbm>>
        %dma_wait3A_32 = tpu.memref_slice %arg4[%add3A_24] : memref<323584xi32, #tpu.memory_space<hbm>> -> memref<128xi32, #tpu.memory_space<hbm>>
        tpu.wait_dma2 semaphore(%run_scoped3A : memref<!tpu.dma_semaphore, #tpu.memory_space<semaphore_mem>>) src(%dma_wait3A_32 : memref<128xi32, #tpu.memory_space<hbm>>) dst(%arg7 : memref<128xi32, #tpu.memory_space<vmem>>)
        tpu.yield
      }) : () -> ()
      "tpu.region"() ({
        %run_scoped3A = tpu.sem_alloc : memref<!tpu.dma_semaphore, #tpu.memory_space<semaphore_mem>>
        %dma_start3A_29 = tpu.memref_slice %arg5[%add3A_24] : memref<323584xi32, #tpu.memory_space<hbm>> -> memref<128xi32, #tpu.memory_space<hbm>>
        %dma_start3A_30 = tpu.memref_slice %arg5[%add3A_24] : memref<323584xi32, #tpu.memory_space<hbm>> -> memref<128xi32, #tpu.memory_space<hbm>>
        tpu.enqueue_dma source(%dma_start3A_30 : memref<128xi32, #tpu.memory_space<hbm>>) target(%arg8 : memref<128xi32, #tpu.memory_space<vmem>>) target_semaphore(%run_scoped3A : memref<!tpu.dma_semaphore, #tpu.memory_space<semaphore_mem>>)
        %dma_wait3A_31 = tpu.memref_slice %arg5[%add3A_24] : memref<323584xi32, #tpu.memory_space<hbm>> -> memref<128xi32, #tpu.memory_space<hbm>>
        %dma_wait3A_32 = tpu.memref_slice %arg5[%add3A_24] : memref<323584xi32, #tpu.memory_space<hbm>> -> memref<128xi32, #tpu.memory_space<hbm>>
        tpu.wait_dma2 semaphore(%run_scoped3A : memref<!tpu.dma_semaphore, #tpu.memory_space<semaphore_mem>>) src(%dma_wait3A_32 : memref<128xi32, #tpu.memory_space<hbm>>) dst(%arg8 : memref<128xi32, #tpu.memory_space<vmem>>)
        tpu.yield
      }) : () -> ()
      %dma_start3A = arith.constant 0 : i32
      %dma_start3A_25 = arith.constant 0 : i32
      %dma_start3A_26 = tpu.memref_slice %arg2[%dma_start3A, %dma_start3A_25] : memref<10240x128xf32, #tpu.memory_space<hbm>> -> memref<10240x128xf32, #tpu.memory_space<hbm>>
      tpu.enqueue_indirect_dma source(%dma_start3A_26 : memref<10240x128xf32, #tpu.memory_space<hbm>>) target(%arg9 : memref<128x128xf32, #tpu.memory_space<vmem>>) offsets(%arg7 : memref<128xi32, #tpu.memory_space<vmem>>) semaphore(%arg11 : memref<!tpu.dma_semaphore, #tpu.memory_space<semaphore_mem>>)
      %dma_wait3A = arith.constant 0 : i32
      %dma_wait3A_27 = arith.constant 0 : i32
      %dma_wait3A_28 = tpu.memref_slice %arg2[%dma_wait3A, %dma_wait3A_27] : memref<10240x128xf32, #tpu.memory_space<hbm>> -> memref<10240x128xf32, #tpu.memory_space<hbm>>
      tpu.wait_indirect_dma semaphore(%arg11 : memref<!tpu.dma_semaphore, #tpu.memory_space<semaphore_mem>>) src(%dma_wait3A_28 : memref<10240x128xf32, #tpu.memory_space<hbm>>) dst(%arg9 : memref<128x128xf32, #tpu.memory_space<vmem>>)
      "tpu.region"() ({
        %run_scoped3A = tpu.sem_alloc : memref<!tpu.dma_semaphore, #tpu.memory_space<semaphore_mem>>
        %dma_start3A_29 = arith.constant 0 : i32
        %dma_start3A_30 = arith.constant 0 : i32
        %dma_start3A_31 = tpu.memref_slice %arg10[%dma_start3A_29, %dma_start3A_30] : memref<10240x128xf32, #tpu.memory_space<vmem_shared>> -> memref<10240x128xf32, #tpu.memory_space<vmem_shared>>
        tpu.enqueue_indirect_dma source(%arg9 : memref<128x128xf32, #tpu.memory_space<vmem>>) target(%dma_start3A_31 : memref<10240x128xf32, #tpu.memory_space<vmem_shared>>) offsets(%arg8 : memref<128xi32, #tpu.memory_space<vmem>>) semaphore(%run_scoped3A : memref<!tpu.dma_semaphore, #tpu.memory_space<semaphore_mem>>) {add = true}
        %dma_wait3A_32 = arith.constant 0 : i32
        %dma_wait3A_33 = arith.constant 0 : i32
        %dma_wait3A_34 = tpu.memref_slice %arg10[%dma_wait3A_32, %dma_wait3A_33] : memref<10240x128xf32, #tpu.memory_space<vmem_shared>> -> memref<10240x128xf32, #tpu.memory_space<vmem_shared>>
        tpu.wait_indirect_dma semaphore(%run_scoped3A : memref<!tpu.dma_semaphore, #tpu.memory_space<semaphore_mem>>) src(%arg9 : memref<128x128xf32, #tpu.memory_space<vmem>>) dst(%dma_wait3A_34 : memref<10240x128xf32, #tpu.memory_space<vmem_shared>>)
        tpu.yield
      }) : () -> ()
    }
    %scan3A_16 = arith.constant 79 : i32
    %barrier3A_17 = arith.constant 0 : index
    tpu.barrier barrier_id(%barrier3A_17)
    %mul3A_18 = arith.constant 10240 : i32
    %mul3A_19 = arith.muli %arg0, %mul3A_18 : i32
    %add3A_20 = arith.addi %mul3A_19, %mul3A_0 : i32
    "tpu.region"() ({
      %run_scoped3A = tpu.sem_alloc : memref<!tpu.dma_semaphore, #tpu.memory_space<semaphore_mem>>
      %dma_start3A = arith.constant 0 : i32
      %dma_start3A_21 = tpu.memref_slice %arg6[%add3A_20, %dma_start3A] : memref<20480x128xf32, #tpu.memory_space<hbm>> -> memref<640x128xf32, #tpu.memory_space<hbm>>
      %dma_start3A_22 = arith.constant 0 : i32
      %dma_start3A_23 = tpu.memref_slice %arg10[%mul3A_0, %dma_start3A_22] : memref<10240x128xf32, #tpu.memory_space<vmem_shared>> -> memref<640x128xf32, #tpu.memory_space<vmem_shared>>
      tpu.enqueue_dma source(%dma_start3A_23 : memref<640x128xf32, #tpu.memory_space<vmem_shared>>) target(%dma_start3A_21 : memref<640x128xf32, #tpu.memory_space<hbm>>) target_semaphore(%run_scoped3A : memref<!tpu.dma_semaphore, #tpu.memory_space<semaphore_mem>>)
      %dma_wait3A = arith.constant 0 : i32
      %dma_wait3A_24 = tpu.memref_slice %arg6[%add3A_20, %dma_wait3A] : memref<20480x128xf32, #tpu.memory_space<hbm>> -> memref<640x128xf32, #tpu.memory_space<hbm>>
      %dma_wait3A_25 = arith.constant 0 : i32
      %dma_wait3A_26 = tpu.memref_slice %arg10[%mul3A_0, %dma_wait3A_25] : memref<10240x128xf32, #tpu.memory_space<vmem_shared>> -> memref<640x128xf32, #tpu.memory_space<vmem_shared>>
      tpu.wait_dma2 semaphore(%run_scoped3A : memref<!tpu.dma_semaphore, #tpu.memory_space<semaphore_mem>>) src(%dma_wait3A_26 : memref<640x128xf32, #tpu.memory_space<vmem_shared>>) dst(%dma_wait3A_24 : memref<640x128xf32, #tpu.memory_space<hbm>>)
      tpu.yield
    }) : () -> ()
    return
  }
}

#map = affine_map<(d0, d1) -> (0)>
#map1 = affine_map<(d0, d1) -> (0, 0)>
module attributes {stable_mosaic.version = 14 : i64} {
  func.func @_emb_gather(%arg0: i32, %arg1: i32, %arg2: memref<10240xi32, #tpu.memory_space<hbm>>, %arg3: memref<5x128xf32, #tpu.memory_space<hbm>>, %arg4: memref<10240x128xf32, #tpu.memory_space<hbm>>, %arg5: memref<80xi32, #tpu.memory_space<vmem>>, %arg6: memref<80x128xf32, #tpu.memory_space<vmem>>, %arg7: memref<!tpu.dma_semaphore, #tpu.memory_space<semaphore_mem>>) attributes {dimension_semantics = [#tpu.dimension_semantics<core_parallel>, #tpu.dimension_semantics<subcore_parallel>], iteration_bounds = array<i64: 2, 16>, scalar_prefetch = 0 : i64, scratch_operands = 3 : i64, tpu.core_type = #tpu.core_type<sc_vector_subcore>, window_params = [{transform_indices = #map}, {transform_indices = #map1}, {transform_indices = #map1}]} {
    %mul3A = arith.constant 2 : i32
    %mul3A_0 = arith.muli %arg1, %mul3A : i32
    %add3A = arith.addi %mul3A_0, %arg0 : i32
    %mul3A_1 = arith.constant 320 : i32
    %mul3A_2 = arith.muli %add3A, %mul3A_1 : i32
    %add3A_3 = arith.constant 0 : i32
    %add3A_4 = arith.addi %mul3A_2, %add3A_3 : i32
    "tpu.region"() ({
      %run_scoped3A = tpu.sem_alloc : memref<!tpu.dma_semaphore, #tpu.memory_space<semaphore_mem>>
      %dma_start3A_33 = tpu.memref_slice %arg2[%add3A_4] : memref<10240xi32, #tpu.memory_space<hbm>> -> memref<80xi32, #tpu.memory_space<hbm>>
      %dma_start3A_34 = tpu.memref_slice %arg2[%add3A_4] : memref<10240xi32, #tpu.memory_space<hbm>> -> memref<80xi32, #tpu.memory_space<hbm>>
      tpu.enqueue_dma source(%dma_start3A_34 : memref<80xi32, #tpu.memory_space<hbm>>) target(%arg5 : memref<80xi32, #tpu.memory_space<vmem>>) target_semaphore(%run_scoped3A : memref<!tpu.dma_semaphore, #tpu.memory_space<semaphore_mem>>)
      %dma_wait3A_35 = tpu.memref_slice %arg2[%add3A_4] : memref<10240xi32, #tpu.memory_space<hbm>> -> memref<80xi32, #tpu.memory_space<hbm>>
      %dma_wait3A_36 = tpu.memref_slice %arg2[%add3A_4] : memref<10240xi32, #tpu.memory_space<hbm>> -> memref<80xi32, #tpu.memory_space<hbm>>
      tpu.wait_dma2 semaphore(%run_scoped3A : memref<!tpu.dma_semaphore, #tpu.memory_space<semaphore_mem>>) src(%dma_wait3A_36 : memref<80xi32, #tpu.memory_space<hbm>>) dst(%arg5 : memref<80xi32, #tpu.memory_space<vmem>>)
      tpu.yield
    }) : () -> ()
    %dma_start3A = arith.constant 0 : i32
    %dma_start3A_5 = arith.constant 0 : i32
    %dma_start3A_6 = tpu.memref_slice %arg3[%dma_start3A, %dma_start3A_5] : memref<5x128xf32, #tpu.memory_space<hbm>> -> memref<5x128xf32, #tpu.memory_space<hbm>>
    tpu.enqueue_indirect_dma source(%dma_start3A_6 : memref<5x128xf32, #tpu.memory_space<hbm>>) target(%arg6 : memref<80x128xf32, #tpu.memory_space<vmem>>) offsets(%arg5 : memref<80xi32, #tpu.memory_space<vmem>>) semaphore(%arg7 : memref<!tpu.dma_semaphore, #tpu.memory_space<semaphore_mem>>)
    %dma_wait3A = arith.constant 0 : i32
    %dma_wait3A_7 = arith.constant 0 : i32
    %dma_wait3A_8 = tpu.memref_slice %arg3[%dma_wait3A, %dma_wait3A_7] : memref<5x128xf32, #tpu.memory_space<hbm>> -> memref<5x128xf32, #tpu.memory_space<hbm>>
    tpu.wait_indirect_dma semaphore(%arg7 : memref<!tpu.dma_semaphore, #tpu.memory_space<semaphore_mem>>) src(%dma_wait3A_8 : memref<5x128xf32, #tpu.memory_space<hbm>>) dst(%arg6 : memref<80x128xf32, #tpu.memory_space<vmem>>)
    "tpu.region"() ({
      %run_scoped3A = tpu.sem_alloc : memref<!tpu.dma_semaphore, #tpu.memory_space<semaphore_mem>>
      %dma_start3A_33 = arith.constant 0 : i32
      %dma_start3A_34 = tpu.memref_slice %arg4[%add3A_4, %dma_start3A_33] : memref<10240x128xf32, #tpu.memory_space<hbm>> -> memref<80x128xf32, #tpu.memory_space<hbm>>
      %dma_start3A_35 = arith.constant 0 : i32
      %dma_start3A_36 = tpu.memref_slice %arg4[%add3A_4, %dma_start3A_35] : memref<10240x128xf32, #tpu.memory_space<hbm>> -> memref<80x128xf32, #tpu.memory_space<hbm>>
      tpu.enqueue_dma source(%arg6 : memref<80x128xf32, #tpu.memory_space<vmem>>) target(%dma_start3A_36 : memref<80x128xf32, #tpu.memory_space<hbm>>) target_semaphore(%run_scoped3A : memref<!tpu.dma_semaphore, #tpu.memory_space<semaphore_mem>>)
      %dma_wait3A_37 = arith.constant 0 : i32
      %dma_wait3A_38 = tpu.memref_slice %arg4[%add3A_4, %dma_wait3A_37] : memref<10240x128xf32, #tpu.memory_space<hbm>> -> memref<80x128xf32, #tpu.memory_space<hbm>>
      %dma_wait3A_39 = arith.constant 0 : i32
      %dma_wait3A_40 = tpu.memref_slice %arg4[%add3A_4, %dma_wait3A_39] : memref<10240x128xf32, #tpu.memory_space<hbm>> -> memref<80x128xf32, #tpu.memory_space<hbm>>
      tpu.wait_dma2 semaphore(%run_scoped3A : memref<!tpu.dma_semaphore, #tpu.memory_space<semaphore_mem>>) src(%arg6 : memref<80x128xf32, #tpu.memory_space<vmem>>) dst(%dma_wait3A_40 : memref<80x128xf32, #tpu.memory_space<hbm>>)
      tpu.yield
    }) : () -> ()
    %add3A_9 = arith.constant 80 : i32
    %add3A_10 = arith.addi %mul3A_2, %add3A_9 : i32
    "tpu.region"() ({
      %run_scoped3A = tpu.sem_alloc : memref<!tpu.dma_semaphore, #tpu.memory_space<semaphore_mem>>
      %dma_start3A_33 = tpu.memref_slice %arg2[%add3A_10] : memref<10240xi32, #tpu.memory_space<hbm>> -> memref<80xi32, #tpu.memory_space<hbm>>
      %dma_start3A_34 = tpu.memref_slice %arg2[%add3A_10] : memref<10240xi32, #tpu.memory_space<hbm>> -> memref<80xi32, #tpu.memory_space<hbm>>
      tpu.enqueue_dma source(%dma_start3A_34 : memref<80xi32, #tpu.memory_space<hbm>>) target(%arg5 : memref<80xi32, #tpu.memory_space<vmem>>) target_semaphore(%run_scoped3A : memref<!tpu.dma_semaphore, #tpu.memory_space<semaphore_mem>>)
      %dma_wait3A_35 = tpu.memref_slice %arg2[%add3A_10] : memref<10240xi32, #tpu.memory_space<hbm>> -> memref<80xi32, #tpu.memory_space<hbm>>
      %dma_wait3A_36 = tpu.memref_slice %arg2[%add3A_10] : memref<10240xi32, #tpu.memory_space<hbm>> -> memref<80xi32, #tpu.memory_space<hbm>>
      tpu.wait_dma2 semaphore(%run_scoped3A : memref<!tpu.dma_semaphore, #tpu.memory_space<semaphore_mem>>) src(%dma_wait3A_36 : memref<80xi32, #tpu.memory_space<hbm>>) dst(%arg5 : memref<80xi32, #tpu.memory_space<vmem>>)
      tpu.yield
    }) : () -> ()
    %dma_start3A_11 = arith.constant 0 : i32
    %dma_start3A_12 = arith.constant 0 : i32
    %dma_start3A_13 = tpu.memref_slice %arg3[%dma_start3A_11, %dma_start3A_12] : memref<5x128xf32, #tpu.memory_space<hbm>> -> memref<5x128xf32, #tpu.memory_space<hbm>>
    tpu.enqueue_indirect_dma source(%dma_start3A_13 : memref<5x128xf32, #tpu.memory_space<hbm>>) target(%arg6 : memref<80x128xf32, #tpu.memory_space<vmem>>) offsets(%arg5 : memref<80xi32, #tpu.memory_space<vmem>>) semaphore(%arg7 : memref<!tpu.dma_semaphore, #tpu.memory_space<semaphore_mem>>)
    %dma_wait3A_14 = arith.constant 0 : i32
    %dma_wait3A_15 = arith.constant 0 : i32
    %dma_wait3A_16 = tpu.memref_slice %arg3[%dma_wait3A_14, %dma_wait3A_15] : memref<5x128xf32, #tpu.memory_space<hbm>> -> memref<5x128xf32, #tpu.memory_space<hbm>>
    tpu.wait_indirect_dma semaphore(%arg7 : memref<!tpu.dma_semaphore, #tpu.memory_space<semaphore_mem>>) src(%dma_wait3A_16 : memref<5x128xf32, #tpu.memory_space<hbm>>) dst(%arg6 : memref<80x128xf32, #tpu.memory_space<vmem>>)
    "tpu.region"() ({
      %run_scoped3A = tpu.sem_alloc : memref<!tpu.dma_semaphore, #tpu.memory_space<semaphore_mem>>
      %dma_start3A_33 = arith.constant 0 : i32
      %dma_start3A_34 = tpu.memref_slice %arg4[%add3A_10, %dma_start3A_33] : memref<10240x128xf32, #tpu.memory_space<hbm>> -> memref<80x128xf32, #tpu.memory_space<hbm>>
      %dma_start3A_35 = arith.constant 0 : i32
      %dma_start3A_36 = tpu.memref_slice %arg4[%add3A_10, %dma_start3A_35] : memref<10240x128xf32, #tpu.memory_space<hbm>> -> memref<80x128xf32, #tpu.memory_space<hbm>>
      tpu.enqueue_dma source(%arg6 : memref<80x128xf32, #tpu.memory_space<vmem>>) target(%dma_start3A_36 : memref<80x128xf32, #tpu.memory_space<hbm>>) target_semaphore(%run_scoped3A : memref<!tpu.dma_semaphore, #tpu.memory_space<semaphore_mem>>)
      %dma_wait3A_37 = arith.constant 0 : i32
      %dma_wait3A_38 = tpu.memref_slice %arg4[%add3A_10, %dma_wait3A_37] : memref<10240x128xf32, #tpu.memory_space<hbm>> -> memref<80x128xf32, #tpu.memory_space<hbm>>
      %dma_wait3A_39 = arith.constant 0 : i32
      %dma_wait3A_40 = tpu.memref_slice %arg4[%add3A_10, %dma_wait3A_39] : memref<10240x128xf32, #tpu.memory_space<hbm>> -> memref<80x128xf32, #tpu.memory_space<hbm>>
      tpu.wait_dma2 semaphore(%run_scoped3A : memref<!tpu.dma_semaphore, #tpu.memory_space<semaphore_mem>>) src(%arg6 : memref<80x128xf32, #tpu.memory_space<vmem>>) dst(%dma_wait3A_40 : memref<80x128xf32, #tpu.memory_space<hbm>>)
      tpu.yield
    }) : () -> ()
    %add3A_17 = arith.constant 160 : i32
    %add3A_18 = arith.addi %mul3A_2, %add3A_17 : i32
    "tpu.region"() ({
      %run_scoped3A = tpu.sem_alloc : memref<!tpu.dma_semaphore, #tpu.memory_space<semaphore_mem>>
      %dma_start3A_33 = tpu.memref_slice %arg2[%add3A_18] : memref<10240xi32, #tpu.memory_space<hbm>> -> memref<80xi32, #tpu.memory_space<hbm>>
      %dma_start3A_34 = tpu.memref_slice %arg2[%add3A_18] : memref<10240xi32, #tpu.memory_space<hbm>> -> memref<80xi32, #tpu.memory_space<hbm>>
      tpu.enqueue_dma source(%dma_start3A_34 : memref<80xi32, #tpu.memory_space<hbm>>) target(%arg5 : memref<80xi32, #tpu.memory_space<vmem>>) target_semaphore(%run_scoped3A : memref<!tpu.dma_semaphore, #tpu.memory_space<semaphore_mem>>)
      %dma_wait3A_35 = tpu.memref_slice %arg2[%add3A_18] : memref<10240xi32, #tpu.memory_space<hbm>> -> memref<80xi32, #tpu.memory_space<hbm>>
      %dma_wait3A_36 = tpu.memref_slice %arg2[%add3A_18] : memref<10240xi32, #tpu.memory_space<hbm>> -> memref<80xi32, #tpu.memory_space<hbm>>
      tpu.wait_dma2 semaphore(%run_scoped3A : memref<!tpu.dma_semaphore, #tpu.memory_space<semaphore_mem>>) src(%dma_wait3A_36 : memref<80xi32, #tpu.memory_space<hbm>>) dst(%arg5 : memref<80xi32, #tpu.memory_space<vmem>>)
      tpu.yield
    }) : () -> ()
    %dma_start3A_19 = arith.constant 0 : i32
    %dma_start3A_20 = arith.constant 0 : i32
    %dma_start3A_21 = tpu.memref_slice %arg3[%dma_start3A_19, %dma_start3A_20] : memref<5x128xf32, #tpu.memory_space<hbm>> -> memref<5x128xf32, #tpu.memory_space<hbm>>
    tpu.enqueue_indirect_dma source(%dma_start3A_21 : memref<5x128xf32, #tpu.memory_space<hbm>>) target(%arg6 : memref<80x128xf32, #tpu.memory_space<vmem>>) offsets(%arg5 : memref<80xi32, #tpu.memory_space<vmem>>) semaphore(%arg7 : memref<!tpu.dma_semaphore, #tpu.memory_space<semaphore_mem>>)
    %dma_wait3A_22 = arith.constant 0 : i32
    %dma_wait3A_23 = arith.constant 0 : i32
    %dma_wait3A_24 = tpu.memref_slice %arg3[%dma_wait3A_22, %dma_wait3A_23] : memref<5x128xf32, #tpu.memory_space<hbm>> -> memref<5x128xf32, #tpu.memory_space<hbm>>
    tpu.wait_indirect_dma semaphore(%arg7 : memref<!tpu.dma_semaphore, #tpu.memory_space<semaphore_mem>>) src(%dma_wait3A_24 : memref<5x128xf32, #tpu.memory_space<hbm>>) dst(%arg6 : memref<80x128xf32, #tpu.memory_space<vmem>>)
    "tpu.region"() ({
      %run_scoped3A = tpu.sem_alloc : memref<!tpu.dma_semaphore, #tpu.memory_space<semaphore_mem>>
      %dma_start3A_33 = arith.constant 0 : i32
      %dma_start3A_34 = tpu.memref_slice %arg4[%add3A_18, %dma_start3A_33] : memref<10240x128xf32, #tpu.memory_space<hbm>> -> memref<80x128xf32, #tpu.memory_space<hbm>>
      %dma_start3A_35 = arith.constant 0 : i32
      %dma_start3A_36 = tpu.memref_slice %arg4[%add3A_18, %dma_start3A_35] : memref<10240x128xf32, #tpu.memory_space<hbm>> -> memref<80x128xf32, #tpu.memory_space<hbm>>
      tpu.enqueue_dma source(%arg6 : memref<80x128xf32, #tpu.memory_space<vmem>>) target(%dma_start3A_36 : memref<80x128xf32, #tpu.memory_space<hbm>>) target_semaphore(%run_scoped3A : memref<!tpu.dma_semaphore, #tpu.memory_space<semaphore_mem>>)
      %dma_wait3A_37 = arith.constant 0 : i32
      %dma_wait3A_38 = tpu.memref_slice %arg4[%add3A_18, %dma_wait3A_37] : memref<10240x128xf32, #tpu.memory_space<hbm>> -> memref<80x128xf32, #tpu.memory_space<hbm>>
      %dma_wait3A_39 = arith.constant 0 : i32
      %dma_wait3A_40 = tpu.memref_slice %arg4[%add3A_18, %dma_wait3A_39] : memref<10240x128xf32, #tpu.memory_space<hbm>> -> memref<80x128xf32, #tpu.memory_space<hbm>>
      tpu.wait_dma2 semaphore(%run_scoped3A : memref<!tpu.dma_semaphore, #tpu.memory_space<semaphore_mem>>) src(%arg6 : memref<80x128xf32, #tpu.memory_space<vmem>>) dst(%dma_wait3A_40 : memref<80x128xf32, #tpu.memory_space<hbm>>)
      tpu.yield
    }) : () -> ()
    %add3A_25 = arith.constant 240 : i32
    %add3A_26 = arith.addi %mul3A_2, %add3A_25 : i32
    "tpu.region"() ({
      %run_scoped3A = tpu.sem_alloc : memref<!tpu.dma_semaphore, #tpu.memory_space<semaphore_mem>>
      %dma_start3A_33 = tpu.memref_slice %arg2[%add3A_26] : memref<10240xi32, #tpu.memory_space<hbm>> -> memref<80xi32, #tpu.memory_space<hbm>>
      %dma_start3A_34 = tpu.memref_slice %arg2[%add3A_26] : memref<10240xi32, #tpu.memory_space<hbm>> -> memref<80xi32, #tpu.memory_space<hbm>>
      tpu.enqueue_dma source(%dma_start3A_34 : memref<80xi32, #tpu.memory_space<hbm>>) target(%arg5 : memref<80xi32, #tpu.memory_space<vmem>>) target_semaphore(%run_scoped3A : memref<!tpu.dma_semaphore, #tpu.memory_space<semaphore_mem>>)
      %dma_wait3A_35 = tpu.memref_slice %arg2[%add3A_26] : memref<10240xi32, #tpu.memory_space<hbm>> -> memref<80xi32, #tpu.memory_space<hbm>>
      %dma_wait3A_36 = tpu.memref_slice %arg2[%add3A_26] : memref<10240xi32, #tpu.memory_space<hbm>> -> memref<80xi32, #tpu.memory_space<hbm>>
      tpu.wait_dma2 semaphore(%run_scoped3A : memref<!tpu.dma_semaphore, #tpu.memory_space<semaphore_mem>>) src(%dma_wait3A_36 : memref<80xi32, #tpu.memory_space<hbm>>) dst(%arg5 : memref<80xi32, #tpu.memory_space<vmem>>)
      tpu.yield
    }) : () -> ()
    %dma_start3A_27 = arith.constant 0 : i32
    %dma_start3A_28 = arith.constant 0 : i32
    %dma_start3A_29 = tpu.memref_slice %arg3[%dma_start3A_27, %dma_start3A_28] : memref<5x128xf32, #tpu.memory_space<hbm>> -> memref<5x128xf32, #tpu.memory_space<hbm>>
    tpu.enqueue_indirect_dma source(%dma_start3A_29 : memref<5x128xf32, #tpu.memory_space<hbm>>) target(%arg6 : memref<80x128xf32, #tpu.memory_space<vmem>>) offsets(%arg5 : memref<80xi32, #tpu.memory_space<vmem>>) semaphore(%arg7 : memref<!tpu.dma_semaphore, #tpu.memory_space<semaphore_mem>>)
    %dma_wait3A_30 = arith.constant 0 : i32
    %dma_wait3A_31 = arith.constant 0 : i32
    %dma_wait3A_32 = tpu.memref_slice %arg3[%dma_wait3A_30, %dma_wait3A_31] : memref<5x128xf32, #tpu.memory_space<hbm>> -> memref<5x128xf32, #tpu.memory_space<hbm>>
    tpu.wait_indirect_dma semaphore(%arg7 : memref<!tpu.dma_semaphore, #tpu.memory_space<semaphore_mem>>) src(%dma_wait3A_32 : memref<5x128xf32, #tpu.memory_space<hbm>>) dst(%arg6 : memref<80x128xf32, #tpu.memory_space<vmem>>)
    "tpu.region"() ({
      %run_scoped3A = tpu.sem_alloc : memref<!tpu.dma_semaphore, #tpu.memory_space<semaphore_mem>>
      %dma_start3A_33 = arith.constant 0 : i32
      %dma_start3A_34 = tpu.memref_slice %arg4[%add3A_26, %dma_start3A_33] : memref<10240x128xf32, #tpu.memory_space<hbm>> -> memref<80x128xf32, #tpu.memory_space<hbm>>
      %dma_start3A_35 = arith.constant 0 : i32
      %dma_start3A_36 = tpu.memref_slice %arg4[%add3A_26, %dma_start3A_35] : memref<10240x128xf32, #tpu.memory_space<hbm>> -> memref<80x128xf32, #tpu.memory_space<hbm>>
      tpu.enqueue_dma source(%arg6 : memref<80x128xf32, #tpu.memory_space<vmem>>) target(%dma_start3A_36 : memref<80x128xf32, #tpu.memory_space<hbm>>) target_semaphore(%run_scoped3A : memref<!tpu.dma_semaphore, #tpu.memory_space<semaphore_mem>>)
      %dma_wait3A_37 = arith.constant 0 : i32
      %dma_wait3A_38 = tpu.memref_slice %arg4[%add3A_26, %dma_wait3A_37] : memref<10240x128xf32, #tpu.memory_space<hbm>> -> memref<80x128xf32, #tpu.memory_space<hbm>>
      %dma_wait3A_39 = arith.constant 0 : i32
      %dma_wait3A_40 = tpu.memref_slice %arg4[%add3A_26, %dma_wait3A_39] : memref<10240x128xf32, #tpu.memory_space<hbm>> -> memref<80x128xf32, #tpu.memory_space<hbm>>
      tpu.wait_dma2 semaphore(%run_scoped3A : memref<!tpu.dma_semaphore, #tpu.memory_space<semaphore_mem>>) src(%arg6 : memref<80x128xf32, #tpu.memory_space<vmem>>) dst(%dma_wait3A_40 : memref<80x128xf32, #tpu.memory_space<hbm>>)
      tpu.yield
    }) : () -> ()
    return
  }
}

#map = affine_map<(d0, d1) -> (0, 0)>
#map1 = affine_map<(d0, d1) -> (0)>
module attributes {stable_mosaic.version = 14 : i64} {
  func.func @_agg(%arg0: i32, %arg1: i32, %arg2: memref<10240x128xf32, #tpu.memory_space<hbm>>, %arg3: memref<10240x128xf32, #tpu.memory_space<hbm>>, %arg4: memref<323584xi32, #tpu.memory_space<hbm>>, %arg5: memref<323584xi32, #tpu.memory_space<hbm>>, %arg6: memref<20480x128xf32, #tpu.memory_space<hbm>>, %arg7: memref<128xi32, #tpu.memory_space<vmem>>, %arg8: memref<128xi32, #tpu.memory_space<vmem>>, %arg9: memref<128x128xf32, #tpu.memory_space<vmem>>, %arg10: memref<10240x128xf32, #tpu.memory_space<vmem_shared>>, %arg11: memref<!tpu.dma_semaphore, #tpu.memory_space<semaphore_mem>>) attributes {dimension_semantics = [#tpu.dimension_semantics<core_parallel>, #tpu.dimension_semantics<subcore_parallel>], iteration_bounds = array<i64: 2, 16>, scalar_prefetch = 0 : i64, scratch_operands = 5 : i64, tpu.core_type = #tpu.core_type<sc_vector_subcore>, window_params = [{transform_indices = #map}, {transform_indices = #map}, {transform_indices = #map1}, {transform_indices = #map1}, {transform_indices = #map}]} {
    %mul3A = arith.constant 640 : i32
    %mul3A_0 = arith.muli %arg1, %mul3A : i32
    %eq3A = arith.constant 0 : i32
    %eq3A_1 = arith.cmpi eq, %arg0, %eq3A : i32
    %convert_element_type3A = arith.extui %eq3A_1 : i1 to i32
    %cond3A = arith.constant 0 : i32
    %cond3A_2 = arith.cmpi ne, %convert_element_type3A, %cond3A : i32
    scf.if %cond3A_2 {
      "tpu.region"() ({
        %run_scoped3A = tpu.sem_alloc : memref<!tpu.dma_semaphore, #tpu.memory_space<semaphore_mem>>
        %dma_start3A = arith.constant 0 : i32
        %dma_start3A_21 = tpu.memref_slice %arg10[%mul3A_0, %dma_start3A] : memref<10240x128xf32, #tpu.memory_space<vmem_shared>> -> memref<640x128xf32, #tpu.memory_space<vmem_shared>>
        %dma_start3A_22 = arith.constant 0 : i32
        %dma_start3A_23 = tpu.memref_slice %arg2[%mul3A_0, %dma_start3A_22] : memref<10240x128xf32, #tpu.memory_space<hbm>> -> memref<640x128xf32, #tpu.memory_space<hbm>>
        tpu.enqueue_dma source(%dma_start3A_23 : memref<640x128xf32, #tpu.memory_space<hbm>>) target(%dma_start3A_21 : memref<640x128xf32, #tpu.memory_space<vmem_shared>>) target_semaphore(%run_scoped3A : memref<!tpu.dma_semaphore, #tpu.memory_space<semaphore_mem>>)
        %dma_wait3A = arith.constant 0 : i32
        %dma_wait3A_24 = tpu.memref_slice %arg10[%mul3A_0, %dma_wait3A] : memref<10240x128xf32, #tpu.memory_space<vmem_shared>> -> memref<640x128xf32, #tpu.memory_space<vmem_shared>>
        %dma_wait3A_25 = arith.constant 0 : i32
        %dma_wait3A_26 = tpu.memref_slice %arg2[%mul3A_0, %dma_wait3A_25] : memref<10240x128xf32, #tpu.memory_space<hbm>> -> memref<640x128xf32, #tpu.memory_space<hbm>>
        tpu.wait_dma2 semaphore(%run_scoped3A : memref<!tpu.dma_semaphore, #tpu.memory_space<semaphore_mem>>) src(%dma_wait3A_26 : memref<640x128xf32, #tpu.memory_space<hbm>>) dst(%dma_wait3A_24 : memref<640x128xf32, #tpu.memory_space<vmem_shared>>)
        tpu.yield
      }) : () -> ()
    } else {
    }
    %eq3A_3 = arith.constant 1 : i32
    %eq3A_4 = arith.cmpi eq, %arg0, %eq3A_3 : i32
    %convert_element_type3A_5 = arith.extui %eq3A_4 : i1 to i32
    %cond3A_6 = arith.constant 0 : i32
    %cond3A_7 = arith.cmpi ne, %convert_element_type3A_5, %cond3A_6 : i32
    scf.if %cond3A_7 {
      "tpu.region"() ({
        %run_scoped3A = tpu.sem_alloc : memref<!tpu.dma_semaphore, #tpu.memory_space<semaphore_mem>>
        %dma_start3A = arith.constant 0 : i32
        %dma_start3A_21 = tpu.memref_slice %arg10[%mul3A_0, %dma_start3A] : memref<10240x128xf32, #tpu.memory_space<vmem_shared>> -> memref<640x128xf32, #tpu.memory_space<vmem_shared>>
        %dma_start3A_22 = arith.constant 0 : i32
        %dma_start3A_23 = tpu.memref_slice %arg3[%mul3A_0, %dma_start3A_22] : memref<10240x128xf32, #tpu.memory_space<hbm>> -> memref<640x128xf32, #tpu.memory_space<hbm>>
        tpu.enqueue_dma source(%dma_start3A_23 : memref<640x128xf32, #tpu.memory_space<hbm>>) target(%dma_start3A_21 : memref<640x128xf32, #tpu.memory_space<vmem_shared>>) target_semaphore(%run_scoped3A : memref<!tpu.dma_semaphore, #tpu.memory_space<semaphore_mem>>)
        %dma_wait3A = arith.constant 0 : i32
        %dma_wait3A_24 = tpu.memref_slice %arg10[%mul3A_0, %dma_wait3A] : memref<10240x128xf32, #tpu.memory_space<vmem_shared>> -> memref<640x128xf32, #tpu.memory_space<vmem_shared>>
        %dma_wait3A_25 = arith.constant 0 : i32
        %dma_wait3A_26 = tpu.memref_slice %arg3[%mul3A_0, %dma_wait3A_25] : memref<10240x128xf32, #tpu.memory_space<hbm>> -> memref<640x128xf32, #tpu.memory_space<hbm>>
        tpu.wait_dma2 semaphore(%run_scoped3A : memref<!tpu.dma_semaphore, #tpu.memory_space<semaphore_mem>>) src(%dma_wait3A_26 : memref<640x128xf32, #tpu.memory_space<hbm>>) dst(%dma_wait3A_24 : memref<640x128xf32, #tpu.memory_space<vmem_shared>>)
        tpu.yield
      }) : () -> ()
    } else {
    }
    %barrier3A = arith.constant 0 : index
    tpu.barrier barrier_id(%barrier3A)
    %mul3A_8 = arith.constant 2 : i32
    %mul3A_9 = arith.muli %arg1, %mul3A_8 : i32
    %add3A = arith.addi %mul3A_9, %arg0 : i32
    %mul3A_10 = arith.constant 10112 : i32
    %mul3A_11 = arith.muli %add3A, %mul3A_10 : i32
    %scan3A = arith.constant 0 : i32
    %scan3A_12 = arith.constant 0 : i32
    %scan3A_13 = arith.constant 79 : i32
    %scan3A_14 = arith.addi %scan3A_12, %scan3A_13 : i32
    %scan3A_15 = arith.constant 1 : i32
    scf.for %scan3A_21 = %scan3A_12 to %scan3A_14 step %scan3A_15  : i32 {
      %mul3A_22 = arith.constant 128 : i32
      %mul3A_23 = arith.muli %scan3A_21, %mul3A_22 : i32
      %add3A_24 = arith.addi %mul3A_11, %mul3A_23 : i32
      "tpu.region"() ({
        %run_scoped3A = tpu.sem_alloc : memref<!tpu.dma_semaphore, #tpu.memory_space<semaphore_mem>>
        %dma_start3A_29 = tpu.memref_slice %arg4[%add3A_24] : memref<323584xi32, #tpu.memory_space<hbm>> -> memref<128xi32, #tpu.memory_space<hbm>>
        %dma_start3A_30 = tpu.memref_slice %arg4[%add3A_24] : memref<323584xi32, #tpu.memory_space<hbm>> -> memref<128xi32, #tpu.memory_space<hbm>>
        tpu.enqueue_dma source(%dma_start3A_30 : memref<128xi32, #tpu.memory_space<hbm>>) target(%arg7 : memref<128xi32, #tpu.memory_space<vmem>>) target_semaphore(%run_scoped3A : memref<!tpu.dma_semaphore, #tpu.memory_space<semaphore_mem>>)
        %dma_wait3A_31 = tpu.memref_slice %arg4[%add3A_24] : memref<323584xi32, #tpu.memory_space<hbm>> -> memref<128xi32, #tpu.memory_space<hbm>>
        %dma_wait3A_32 = tpu.memref_slice %arg4[%add3A_24] : memref<323584xi32, #tpu.memory_space<hbm>> -> memref<128xi32, #tpu.memory_space<hbm>>
        tpu.wait_dma2 semaphore(%run_scoped3A : memref<!tpu.dma_semaphore, #tpu.memory_space<semaphore_mem>>) src(%dma_wait3A_32 : memref<128xi32, #tpu.memory_space<hbm>>) dst(%arg7 : memref<128xi32, #tpu.memory_space<vmem>>)
        tpu.yield
      }) : () -> ()
      "tpu.region"() ({
        %run_scoped3A = tpu.sem_alloc : memref<!tpu.dma_semaphore, #tpu.memory_space<semaphore_mem>>
        %dma_start3A_29 = tpu.memref_slice %arg5[%add3A_24] : memref<323584xi32, #tpu.memory_space<hbm>> -> memref<128xi32, #tpu.memory_space<hbm>>
        %dma_start3A_30 = tpu.memref_slice %arg5[%add3A_24] : memref<323584xi32, #tpu.memory_space<hbm>> -> memref<128xi32, #tpu.memory_space<hbm>>
        tpu.enqueue_dma source(%dma_start3A_30 : memref<128xi32, #tpu.memory_space<hbm>>) target(%arg8 : memref<128xi32, #tpu.memory_space<vmem>>) target_semaphore(%run_scoped3A : memref<!tpu.dma_semaphore, #tpu.memory_space<semaphore_mem>>)
        %dma_wait3A_31 = tpu.memref_slice %arg5[%add3A_24] : memref<323584xi32, #tpu.memory_space<hbm>> -> memref<128xi32, #tpu.memory_space<hbm>>
        %dma_wait3A_32 = tpu.memref_slice %arg5[%add3A_24] : memref<323584xi32, #tpu.memory_space<hbm>> -> memref<128xi32, #tpu.memory_space<hbm>>
        tpu.wait_dma2 semaphore(%run_scoped3A : memref<!tpu.dma_semaphore, #tpu.memory_space<semaphore_mem>>) src(%dma_wait3A_32 : memref<128xi32, #tpu.memory_space<hbm>>) dst(%arg8 : memref<128xi32, #tpu.memory_space<vmem>>)
        tpu.yield
      }) : () -> ()
      %dma_start3A = arith.constant 0 : i32
      %dma_start3A_25 = arith.constant 0 : i32
      %dma_start3A_26 = tpu.memref_slice %arg2[%dma_start3A, %dma_start3A_25] : memref<10240x128xf32, #tpu.memory_space<hbm>> -> memref<10240x128xf32, #tpu.memory_space<hbm>>
      tpu.enqueue_indirect_dma source(%dma_start3A_26 : memref<10240x128xf32, #tpu.memory_space<hbm>>) target(%arg9 : memref<128x128xf32, #tpu.memory_space<vmem>>) offsets(%arg7 : memref<128xi32, #tpu.memory_space<vmem>>) semaphore(%arg11 : memref<!tpu.dma_semaphore, #tpu.memory_space<semaphore_mem>>)
      %dma_wait3A = arith.constant 0 : i32
      %dma_wait3A_27 = arith.constant 0 : i32
      %dma_wait3A_28 = tpu.memref_slice %arg2[%dma_wait3A, %dma_wait3A_27] : memref<10240x128xf32, #tpu.memory_space<hbm>> -> memref<10240x128xf32, #tpu.memory_space<hbm>>
      tpu.wait_indirect_dma semaphore(%arg11 : memref<!tpu.dma_semaphore, #tpu.memory_space<semaphore_mem>>) src(%dma_wait3A_28 : memref<10240x128xf32, #tpu.memory_space<hbm>>) dst(%arg9 : memref<128x128xf32, #tpu.memory_space<vmem>>)
      "tpu.region"() ({
        %run_scoped3A = tpu.sem_alloc : memref<!tpu.dma_semaphore, #tpu.memory_space<semaphore_mem>>
        %dma_start3A_29 = arith.constant 0 : i32
        %dma_start3A_30 = arith.constant 0 : i32
        %dma_start3A_31 = tpu.memref_slice %arg10[%dma_start3A_29, %dma_start3A_30] : memref<10240x128xf32, #tpu.memory_space<vmem_shared>> -> memref<10240x128xf32, #tpu.memory_space<vmem_shared>>
        tpu.enqueue_indirect_dma source(%arg9 : memref<128x128xf32, #tpu.memory_space<vmem>>) target(%dma_start3A_31 : memref<10240x128xf32, #tpu.memory_space<vmem_shared>>) offsets(%arg8 : memref<128xi32, #tpu.memory_space<vmem>>) semaphore(%run_scoped3A : memref<!tpu.dma_semaphore, #tpu.memory_space<semaphore_mem>>) {add = true}
        %dma_wait3A_32 = arith.constant 0 : i32
        %dma_wait3A_33 = arith.constant 0 : i32
        %dma_wait3A_34 = tpu.memref_slice %arg10[%dma_wait3A_32, %dma_wait3A_33] : memref<10240x128xf32, #tpu.memory_space<vmem_shared>> -> memref<10240x128xf32, #tpu.memory_space<vmem_shared>>
        tpu.wait_indirect_dma semaphore(%run_scoped3A : memref<!tpu.dma_semaphore, #tpu.memory_space<semaphore_mem>>) src(%arg9 : memref<128x128xf32, #tpu.memory_space<vmem>>) dst(%dma_wait3A_34 : memref<10240x128xf32, #tpu.memory_space<vmem_shared>>)
        tpu.yield
      }) : () -> ()
    }
    %scan3A_16 = arith.constant 79 : i32
    %barrier3A_17 = arith.constant 0 : index
    tpu.barrier barrier_id(%barrier3A_17)
    %mul3A_18 = arith.constant 10240 : i32
    %mul3A_19 = arith.muli %arg0, %mul3A_18 : i32
    %add3A_20 = arith.addi %mul3A_19, %mul3A_0 : i32
    "tpu.region"() ({
      %run_scoped3A = tpu.sem_alloc : memref<!tpu.dma_semaphore, #tpu.memory_space<semaphore_mem>>
      %dma_start3A = arith.constant 0 : i32
      %dma_start3A_21 = tpu.memref_slice %arg6[%add3A_20, %dma_start3A] : memref<20480x128xf32, #tpu.memory_space<hbm>> -> memref<640x128xf32, #tpu.memory_space<hbm>>
      %dma_start3A_22 = arith.constant 0 : i32
      %dma_start3A_23 = tpu.memref_slice %arg10[%mul3A_0, %dma_start3A_22] : memref<10240x128xf32, #tpu.memory_space<vmem_shared>> -> memref<640x128xf32, #tpu.memory_space<vmem_shared>>
      tpu.enqueue_dma source(%dma_start3A_23 : memref<640x128xf32, #tpu.memory_space<vmem_shared>>) target(%dma_start3A_21 : memref<640x128xf32, #tpu.memory_space<hbm>>) target_semaphore(%run_scoped3A : memref<!tpu.dma_semaphore, #tpu.memory_space<semaphore_mem>>)
      %dma_wait3A = arith.constant 0 : i32
      %dma_wait3A_24 = tpu.memref_slice %arg6[%add3A_20, %dma_wait3A] : memref<20480x128xf32, #tpu.memory_space<hbm>> -> memref<640x128xf32, #tpu.memory_space<hbm>>
      %dma_wait3A_25 = arith.constant 0 : i32
      %dma_wait3A_26 = tpu.memref_slice %arg10[%mul3A_0, %dma_wait3A_25] : memref<10240x128xf32, #tpu.memory_space<vmem_shared>> -> memref<640x128xf32, #tpu.memory_space<vmem_shared>>
      tpu.wait_dma2 semaphore(%run_scoped3A : memref<!tpu.dma_semaphore, #tpu.memory_space<semaphore_mem>>) src(%dma_wait3A_26 : memref<640x128xf32, #tpu.memory_space<vmem_shared>>) dst(%dma_wait3A_24 : memref<640x128xf32, #tpu.memory_space<hbm>>)
      tpu.yield
    }) : () -> ()
    return
  }
}

#map = affine_map<(d0, d1) -> (0, 0)>
#map1 = affine_map<(d0, d1) -> (0)>
module attributes {stable_mosaic.version = 14 : i64} {
  func.func @_agg(%arg0: i32, %arg1: i32, %arg2: memref<10240x128xf32, #tpu.memory_space<hbm>>, %arg3: memref<10240x128xf32, #tpu.memory_space<hbm>>, %arg4: memref<323584xi32, #tpu.memory_space<hbm>>, %arg5: memref<323584xi32, #tpu.memory_space<hbm>>, %arg6: memref<20480x128xf32, #tpu.memory_space<hbm>>, %arg7: memref<128xi32, #tpu.memory_space<vmem>>, %arg8: memref<128xi32, #tpu.memory_space<vmem>>, %arg9: memref<128x128xf32, #tpu.memory_space<vmem>>, %arg10: memref<10240x128xf32, #tpu.memory_space<vmem_shared>>, %arg11: memref<!tpu.dma_semaphore, #tpu.memory_space<semaphore_mem>>) attributes {dimension_semantics = [#tpu.dimension_semantics<core_parallel>, #tpu.dimension_semantics<subcore_parallel>], iteration_bounds = array<i64: 2, 16>, scalar_prefetch = 0 : i64, scratch_operands = 5 : i64, tpu.core_type = #tpu.core_type<sc_vector_subcore>, window_params = [{transform_indices = #map}, {transform_indices = #map}, {transform_indices = #map1}, {transform_indices = #map1}, {transform_indices = #map}]} {
    %mul3A = arith.constant 640 : i32
    %mul3A_0 = arith.muli %arg1, %mul3A : i32
    %eq3A = arith.constant 0 : i32
    %eq3A_1 = arith.cmpi eq, %arg0, %eq3A : i32
    %convert_element_type3A = arith.extui %eq3A_1 : i1 to i32
    %cond3A = arith.constant 0 : i32
    %cond3A_2 = arith.cmpi ne, %convert_element_type3A, %cond3A : i32
    scf.if %cond3A_2 {
      "tpu.region"() ({
        %run_scoped3A = tpu.sem_alloc : memref<!tpu.dma_semaphore, #tpu.memory_space<semaphore_mem>>
        %dma_start3A = arith.constant 0 : i32
        %dma_start3A_21 = tpu.memref_slice %arg10[%mul3A_0, %dma_start3A] : memref<10240x128xf32, #tpu.memory_space<vmem_shared>> -> memref<640x128xf32, #tpu.memory_space<vmem_shared>>
        %dma_start3A_22 = arith.constant 0 : i32
        %dma_start3A_23 = tpu.memref_slice %arg2[%mul3A_0, %dma_start3A_22] : memref<10240x128xf32, #tpu.memory_space<hbm>> -> memref<640x128xf32, #tpu.memory_space<hbm>>
        tpu.enqueue_dma source(%dma_start3A_23 : memref<640x128xf32, #tpu.memory_space<hbm>>) target(%dma_start3A_21 : memref<640x128xf32, #tpu.memory_space<vmem_shared>>) target_semaphore(%run_scoped3A : memref<!tpu.dma_semaphore, #tpu.memory_space<semaphore_mem>>)
        %dma_wait3A = arith.constant 0 : i32
        %dma_wait3A_24 = tpu.memref_slice %arg10[%mul3A_0, %dma_wait3A] : memref<10240x128xf32, #tpu.memory_space<vmem_shared>> -> memref<640x128xf32, #tpu.memory_space<vmem_shared>>
        %dma_wait3A_25 = arith.constant 0 : i32
        %dma_wait3A_26 = tpu.memref_slice %arg2[%mul3A_0, %dma_wait3A_25] : memref<10240x128xf32, #tpu.memory_space<hbm>> -> memref<640x128xf32, #tpu.memory_space<hbm>>
        tpu.wait_dma2 semaphore(%run_scoped3A : memref<!tpu.dma_semaphore, #tpu.memory_space<semaphore_mem>>) src(%dma_wait3A_26 : memref<640x128xf32, #tpu.memory_space<hbm>>) dst(%dma_wait3A_24 : memref<640x128xf32, #tpu.memory_space<vmem_shared>>)
        tpu.yield
      }) : () -> ()
    } else {
    }
    %eq3A_3 = arith.constant 1 : i32
    %eq3A_4 = arith.cmpi eq, %arg0, %eq3A_3 : i32
    %convert_element_type3A_5 = arith.extui %eq3A_4 : i1 to i32
    %cond3A_6 = arith.constant 0 : i32
    %cond3A_7 = arith.cmpi ne, %convert_element_type3A_5, %cond3A_6 : i32
    scf.if %cond3A_7 {
      "tpu.region"() ({
        %run_scoped3A = tpu.sem_alloc : memref<!tpu.dma_semaphore, #tpu.memory_space<semaphore_mem>>
        %dma_start3A = arith.constant 0 : i32
        %dma_start3A_21 = tpu.memref_slice %arg10[%mul3A_0, %dma_start3A] : memref<10240x128xf32, #tpu.memory_space<vmem_shared>> -> memref<640x128xf32, #tpu.memory_space<vmem_shared>>
        %dma_start3A_22 = arith.constant 0 : i32
        %dma_start3A_23 = tpu.memref_slice %arg3[%mul3A_0, %dma_start3A_22] : memref<10240x128xf32, #tpu.memory_space<hbm>> -> memref<640x128xf32, #tpu.memory_space<hbm>>
        tpu.enqueue_dma source(%dma_start3A_23 : memref<640x128xf32, #tpu.memory_space<hbm>>) target(%dma_start3A_21 : memref<640x128xf32, #tpu.memory_space<vmem_shared>>) target_semaphore(%run_scoped3A : memref<!tpu.dma_semaphore, #tpu.memory_space<semaphore_mem>>)
        %dma_wait3A = arith.constant 0 : i32
        %dma_wait3A_24 = tpu.memref_slice %arg10[%mul3A_0, %dma_wait3A] : memref<10240x128xf32, #tpu.memory_space<vmem_shared>> -> memref<640x128xf32, #tpu.memory_space<vmem_shared>>
        %dma_wait3A_25 = arith.constant 0 : i32
        %dma_wait3A_26 = tpu.memref_slice %arg3[%mul3A_0, %dma_wait3A_25] : memref<10240x128xf32, #tpu.memory_space<hbm>> -> memref<640x128xf32, #tpu.memory_space<hbm>>
        tpu.wait_dma2 semaphore(%run_scoped3A : memref<!tpu.dma_semaphore, #tpu.memory_space<semaphore_mem>>) src(%dma_wait3A_26 : memref<640x128xf32, #tpu.memory_space<hbm>>) dst(%dma_wait3A_24 : memref<640x128xf32, #tpu.memory_space<vmem_shared>>)
        tpu.yield
      }) : () -> ()
    } else {
    }
    %barrier3A = arith.constant 0 : index
    tpu.barrier barrier_id(%barrier3A)
    %mul3A_8 = arith.constant 2 : i32
    %mul3A_9 = arith.muli %arg1, %mul3A_8 : i32
    %add3A = arith.addi %mul3A_9, %arg0 : i32
    %mul3A_10 = arith.constant 10112 : i32
    %mul3A_11 = arith.muli %add3A, %mul3A_10 : i32
    %scan3A = arith.constant 0 : i32
    %scan3A_12 = arith.constant 0 : i32
    %scan3A_13 = arith.constant 79 : i32
    %scan3A_14 = arith.addi %scan3A_12, %scan3A_13 : i32
    %scan3A_15 = arith.constant 1 : i32
    scf.for %scan3A_21 = %scan3A_12 to %scan3A_14 step %scan3A_15  : i32 {
      %mul3A_22 = arith.constant 128 : i32
      %mul3A_23 = arith.muli %scan3A_21, %mul3A_22 : i32
      %add3A_24 = arith.addi %mul3A_11, %mul3A_23 : i32
      "tpu.region"() ({
        %run_scoped3A = tpu.sem_alloc : memref<!tpu.dma_semaphore, #tpu.memory_space<semaphore_mem>>
        %dma_start3A_29 = tpu.memref_slice %arg4[%add3A_24] : memref<323584xi32, #tpu.memory_space<hbm>> -> memref<128xi32, #tpu.memory_space<hbm>>
        %dma_start3A_30 = tpu.memref_slice %arg4[%add3A_24] : memref<323584xi32, #tpu.memory_space<hbm>> -> memref<128xi32, #tpu.memory_space<hbm>>
        tpu.enqueue_dma source(%dma_start3A_30 : memref<128xi32, #tpu.memory_space<hbm>>) target(%arg7 : memref<128xi32, #tpu.memory_space<vmem>>) target_semaphore(%run_scoped3A : memref<!tpu.dma_semaphore, #tpu.memory_space<semaphore_mem>>)
        %dma_wait3A_31 = tpu.memref_slice %arg4[%add3A_24] : memref<323584xi32, #tpu.memory_space<hbm>> -> memref<128xi32, #tpu.memory_space<hbm>>
        %dma_wait3A_32 = tpu.memref_slice %arg4[%add3A_24] : memref<323584xi32, #tpu.memory_space<hbm>> -> memref<128xi32, #tpu.memory_space<hbm>>
        tpu.wait_dma2 semaphore(%run_scoped3A : memref<!tpu.dma_semaphore, #tpu.memory_space<semaphore_mem>>) src(%dma_wait3A_32 : memref<128xi32, #tpu.memory_space<hbm>>) dst(%arg7 : memref<128xi32, #tpu.memory_space<vmem>>)
        tpu.yield
      }) : () -> ()
      "tpu.region"() ({
        %run_scoped3A = tpu.sem_alloc : memref<!tpu.dma_semaphore, #tpu.memory_space<semaphore_mem>>
        %dma_start3A_29 = tpu.memref_slice %arg5[%add3A_24] : memref<323584xi32, #tpu.memory_space<hbm>> -> memref<128xi32, #tpu.memory_space<hbm>>
        %dma_start3A_30 = tpu.memref_slice %arg5[%add3A_24] : memref<323584xi32, #tpu.memory_space<hbm>> -> memref<128xi32, #tpu.memory_space<hbm>>
        tpu.enqueue_dma source(%dma_start3A_30 : memref<128xi32, #tpu.memory_space<hbm>>) target(%arg8 : memref<128xi32, #tpu.memory_space<vmem>>) target_semaphore(%run_scoped3A : memref<!tpu.dma_semaphore, #tpu.memory_space<semaphore_mem>>)
        %dma_wait3A_31 = tpu.memref_slice %arg5[%add3A_24] : memref<323584xi32, #tpu.memory_space<hbm>> -> memref<128xi32, #tpu.memory_space<hbm>>
        %dma_wait3A_32 = tpu.memref_slice %arg5[%add3A_24] : memref<323584xi32, #tpu.memory_space<hbm>> -> memref<128xi32, #tpu.memory_space<hbm>>
        tpu.wait_dma2 semaphore(%run_scoped3A : memref<!tpu.dma_semaphore, #tpu.memory_space<semaphore_mem>>) src(%dma_wait3A_32 : memref<128xi32, #tpu.memory_space<hbm>>) dst(%arg8 : memref<128xi32, #tpu.memory_space<vmem>>)
        tpu.yield
      }) : () -> ()
      %dma_start3A = arith.constant 0 : i32
      %dma_start3A_25 = arith.constant 0 : i32
      %dma_start3A_26 = tpu.memref_slice %arg2[%dma_start3A, %dma_start3A_25] : memref<10240x128xf32, #tpu.memory_space<hbm>> -> memref<10240x128xf32, #tpu.memory_space<hbm>>
      tpu.enqueue_indirect_dma source(%dma_start3A_26 : memref<10240x128xf32, #tpu.memory_space<hbm>>) target(%arg9 : memref<128x128xf32, #tpu.memory_space<vmem>>) offsets(%arg7 : memref<128xi32, #tpu.memory_space<vmem>>) semaphore(%arg11 : memref<!tpu.dma_semaphore, #tpu.memory_space<semaphore_mem>>)
      %dma_wait3A = arith.constant 0 : i32
      %dma_wait3A_27 = arith.constant 0 : i32
      %dma_wait3A_28 = tpu.memref_slice %arg2[%dma_wait3A, %dma_wait3A_27] : memref<10240x128xf32, #tpu.memory_space<hbm>> -> memref<10240x128xf32, #tpu.memory_space<hbm>>
      tpu.wait_indirect_dma semaphore(%arg11 : memref<!tpu.dma_semaphore, #tpu.memory_space<semaphore_mem>>) src(%dma_wait3A_28 : memref<10240x128xf32, #tpu.memory_space<hbm>>) dst(%arg9 : memref<128x128xf32, #tpu.memory_space<vmem>>)
      "tpu.region"() ({
        %run_scoped3A = tpu.sem_alloc : memref<!tpu.dma_semaphore, #tpu.memory_space<semaphore_mem>>
        %dma_start3A_29 = arith.constant 0 : i32
        %dma_start3A_30 = arith.constant 0 : i32
        %dma_start3A_31 = tpu.memref_slice %arg10[%dma_start3A_29, %dma_start3A_30] : memref<10240x128xf32, #tpu.memory_space<vmem_shared>> -> memref<10240x128xf32, #tpu.memory_space<vmem_shared>>
        tpu.enqueue_indirect_dma source(%arg9 : memref<128x128xf32, #tpu.memory_space<vmem>>) target(%dma_start3A_31 : memref<10240x128xf32, #tpu.memory_space<vmem_shared>>) offsets(%arg8 : memref<128xi32, #tpu.memory_space<vmem>>) semaphore(%run_scoped3A : memref<!tpu.dma_semaphore, #tpu.memory_space<semaphore_mem>>) {add = true}
        %dma_wait3A_32 = arith.constant 0 : i32
        %dma_wait3A_33 = arith.constant 0 : i32
        %dma_wait3A_34 = tpu.memref_slice %arg10[%dma_wait3A_32, %dma_wait3A_33] : memref<10240x128xf32, #tpu.memory_space<vmem_shared>> -> memref<10240x128xf32, #tpu.memory_space<vmem_shared>>
        tpu.wait_indirect_dma semaphore(%run_scoped3A : memref<!tpu.dma_semaphore, #tpu.memory_space<semaphore_mem>>) src(%arg9 : memref<128x128xf32, #tpu.memory_space<vmem>>) dst(%dma_wait3A_34 : memref<10240x128xf32, #tpu.memory_space<vmem_shared>>)
        tpu.yield
      }) : () -> ()
    }
    %scan3A_16 = arith.constant 79 : i32
    %barrier3A_17 = arith.constant 0 : index
    tpu.barrier barrier_id(%barrier3A_17)
    %mul3A_18 = arith.constant 10240 : i32
    %mul3A_19 = arith.muli %arg0, %mul3A_18 : i32
    %add3A_20 = arith.addi %mul3A_19, %mul3A_0 : i32
    "tpu.region"() ({
      %run_scoped3A = tpu.sem_alloc : memref<!tpu.dma_semaphore, #tpu.memory_space<semaphore_mem>>
      %dma_start3A = arith.constant 0 : i32
      %dma_start3A_21 = tpu.memref_slice %arg6[%add3A_20, %dma_start3A] : memref<20480x128xf32, #tpu.memory_space<hbm>> -> memref<640x128xf32, #tpu.memory_space<hbm>>
      %dma_start3A_22 = arith.constant 0 : i32
      %dma_start3A_23 = tpu.memref_slice %arg10[%mul3A_0, %dma_start3A_22] : memref<10240x128xf32, #tpu.memory_space<vmem_shared>> -> memref<640x128xf32, #tpu.memory_space<vmem_shared>>
      tpu.enqueue_dma source(%dma_start3A_23 : memref<640x128xf32, #tpu.memory_space<vmem_shared>>) target(%dma_start3A_21 : memref<640x128xf32, #tpu.memory_space<hbm>>) target_semaphore(%run_scoped3A : memref<!tpu.dma_semaphore, #tpu.memory_space<semaphore_mem>>)
      %dma_wait3A = arith.constant 0 : i32
      %dma_wait3A_24 = tpu.memref_slice %arg6[%add3A_20, %dma_wait3A] : memref<20480x128xf32, #tpu.memory_space<hbm>> -> memref<640x128xf32, #tpu.memory_space<hbm>>
      %dma_wait3A_25 = arith.constant 0 : i32
      %dma_wait3A_26 = tpu.memref_slice %arg10[%mul3A_0, %dma_wait3A_25] : memref<10240x128xf32, #tpu.memory_space<vmem_shared>> -> memref<640x128xf32, #tpu.memory_space<vmem_shared>>
      tpu.wait_dma2 semaphore(%run_scoped3A : memref<!tpu.dma_semaphore, #tpu.memory_space<semaphore_mem>>) src(%dma_wait3A_26 : memref<640x128xf32, #tpu.memory_space<vmem_shared>>) dst(%dma_wait3A_24 : memref<640x128xf32, #tpu.memory_space<hbm>>)
      tpu.yield
    }) : () -> ()
    return
  }
}

#map = affine_map<(d0, d1) -> (0, 0)>
#map1 = affine_map<(d0, d1) -> (0)>
module attributes {stable_mosaic.version = 14 : i64} {
  func.func @_agg(%arg0: i32, %arg1: i32, %arg2: memref<10240x128xf32, #tpu.memory_space<hbm>>, %arg3: memref<10240x128xf32, #tpu.memory_space<hbm>>, %arg4: memref<323584xi32, #tpu.memory_space<hbm>>, %arg5: memref<323584xi32, #tpu.memory_space<hbm>>, %arg6: memref<20480x128xf32, #tpu.memory_space<hbm>>, %arg7: memref<128xi32, #tpu.memory_space<vmem>>, %arg8: memref<128xi32, #tpu.memory_space<vmem>>, %arg9: memref<128x128xf32, #tpu.memory_space<vmem>>, %arg10: memref<10240x128xf32, #tpu.memory_space<vmem_shared>>, %arg11: memref<!tpu.dma_semaphore, #tpu.memory_space<semaphore_mem>>) attributes {dimension_semantics = [#tpu.dimension_semantics<core_parallel>, #tpu.dimension_semantics<subcore_parallel>], iteration_bounds = array<i64: 2, 16>, scalar_prefetch = 0 : i64, scratch_operands = 5 : i64, tpu.core_type = #tpu.core_type<sc_vector_subcore>, window_params = [{transform_indices = #map}, {transform_indices = #map}, {transform_indices = #map1}, {transform_indices = #map1}, {transform_indices = #map}]} {
    %mul3A = arith.constant 640 : i32
    %mul3A_0 = arith.muli %arg1, %mul3A : i32
    %eq3A = arith.constant 0 : i32
    %eq3A_1 = arith.cmpi eq, %arg0, %eq3A : i32
    %convert_element_type3A = arith.extui %eq3A_1 : i1 to i32
    %cond3A = arith.constant 0 : i32
    %cond3A_2 = arith.cmpi ne, %convert_element_type3A, %cond3A : i32
    scf.if %cond3A_2 {
      "tpu.region"() ({
        %run_scoped3A = tpu.sem_alloc : memref<!tpu.dma_semaphore, #tpu.memory_space<semaphore_mem>>
        %dma_start3A = arith.constant 0 : i32
        %dma_start3A_21 = tpu.memref_slice %arg10[%mul3A_0, %dma_start3A] : memref<10240x128xf32, #tpu.memory_space<vmem_shared>> -> memref<640x128xf32, #tpu.memory_space<vmem_shared>>
        %dma_start3A_22 = arith.constant 0 : i32
        %dma_start3A_23 = tpu.memref_slice %arg2[%mul3A_0, %dma_start3A_22] : memref<10240x128xf32, #tpu.memory_space<hbm>> -> memref<640x128xf32, #tpu.memory_space<hbm>>
        tpu.enqueue_dma source(%dma_start3A_23 : memref<640x128xf32, #tpu.memory_space<hbm>>) target(%dma_start3A_21 : memref<640x128xf32, #tpu.memory_space<vmem_shared>>) target_semaphore(%run_scoped3A : memref<!tpu.dma_semaphore, #tpu.memory_space<semaphore_mem>>)
        %dma_wait3A = arith.constant 0 : i32
        %dma_wait3A_24 = tpu.memref_slice %arg10[%mul3A_0, %dma_wait3A] : memref<10240x128xf32, #tpu.memory_space<vmem_shared>> -> memref<640x128xf32, #tpu.memory_space<vmem_shared>>
        %dma_wait3A_25 = arith.constant 0 : i32
        %dma_wait3A_26 = tpu.memref_slice %arg2[%mul3A_0, %dma_wait3A_25] : memref<10240x128xf32, #tpu.memory_space<hbm>> -> memref<640x128xf32, #tpu.memory_space<hbm>>
        tpu.wait_dma2 semaphore(%run_scoped3A : memref<!tpu.dma_semaphore, #tpu.memory_space<semaphore_mem>>) src(%dma_wait3A_26 : memref<640x128xf32, #tpu.memory_space<hbm>>) dst(%dma_wait3A_24 : memref<640x128xf32, #tpu.memory_space<vmem_shared>>)
        tpu.yield
      }) : () -> ()
    } else {
    }
    %eq3A_3 = arith.constant 1 : i32
    %eq3A_4 = arith.cmpi eq, %arg0, %eq3A_3 : i32
    %convert_element_type3A_5 = arith.extui %eq3A_4 : i1 to i32
    %cond3A_6 = arith.constant 0 : i32
    %cond3A_7 = arith.cmpi ne, %convert_element_type3A_5, %cond3A_6 : i32
    scf.if %cond3A_7 {
      "tpu.region"() ({
        %run_scoped3A = tpu.sem_alloc : memref<!tpu.dma_semaphore, #tpu.memory_space<semaphore_mem>>
        %dma_start3A = arith.constant 0 : i32
        %dma_start3A_21 = tpu.memref_slice %arg10[%mul3A_0, %dma_start3A] : memref<10240x128xf32, #tpu.memory_space<vmem_shared>> -> memref<640x128xf32, #tpu.memory_space<vmem_shared>>
        %dma_start3A_22 = arith.constant 0 : i32
        %dma_start3A_23 = tpu.memref_slice %arg3[%mul3A_0, %dma_start3A_22] : memref<10240x128xf32, #tpu.memory_space<hbm>> -> memref<640x128xf32, #tpu.memory_space<hbm>>
        tpu.enqueue_dma source(%dma_start3A_23 : memref<640x128xf32, #tpu.memory_space<hbm>>) target(%dma_start3A_21 : memref<640x128xf32, #tpu.memory_space<vmem_shared>>) target_semaphore(%run_scoped3A : memref<!tpu.dma_semaphore, #tpu.memory_space<semaphore_mem>>)
        %dma_wait3A = arith.constant 0 : i32
        %dma_wait3A_24 = tpu.memref_slice %arg10[%mul3A_0, %dma_wait3A] : memref<10240x128xf32, #tpu.memory_space<vmem_shared>> -> memref<640x128xf32, #tpu.memory_space<vmem_shared>>
        %dma_wait3A_25 = arith.constant 0 : i32
        %dma_wait3A_26 = tpu.memref_slice %arg3[%mul3A_0, %dma_wait3A_25] : memref<10240x128xf32, #tpu.memory_space<hbm>> -> memref<640x128xf32, #tpu.memory_space<hbm>>
        tpu.wait_dma2 semaphore(%run_scoped3A : memref<!tpu.dma_semaphore, #tpu.memory_space<semaphore_mem>>) src(%dma_wait3A_26 : memref<640x128xf32, #tpu.memory_space<hbm>>) dst(%dma_wait3A_24 : memref<640x128xf32, #tpu.memory_space<vmem_shared>>)
        tpu.yield
      }) : () -> ()
    } else {
    }
    %barrier3A = arith.constant 0 : index
    tpu.barrier barrier_id(%barrier3A)
    %mul3A_8 = arith.constant 2 : i32
    %mul3A_9 = arith.muli %arg1, %mul3A_8 : i32
    %add3A = arith.addi %mul3A_9, %arg0 : i32
    %mul3A_10 = arith.constant 10112 : i32
    %mul3A_11 = arith.muli %add3A, %mul3A_10 : i32
    %scan3A = arith.constant 0 : i32
    %scan3A_12 = arith.constant 0 : i32
    %scan3A_13 = arith.constant 79 : i32
    %scan3A_14 = arith.addi %scan3A_12, %scan3A_13 : i32
    %scan3A_15 = arith.constant 1 : i32
    scf.for %scan3A_21 = %scan3A_12 to %scan3A_14 step %scan3A_15  : i32 {
      %mul3A_22 = arith.constant 128 : i32
      %mul3A_23 = arith.muli %scan3A_21, %mul3A_22 : i32
      %add3A_24 = arith.addi %mul3A_11, %mul3A_23 : i32
      "tpu.region"() ({
        %run_scoped3A = tpu.sem_alloc : memref<!tpu.dma_semaphore, #tpu.memory_space<semaphore_mem>>
        %dma_start3A_29 = tpu.memref_slice %arg4[%add3A_24] : memref<323584xi32, #tpu.memory_space<hbm>> -> memref<128xi32, #tpu.memory_space<hbm>>
        %dma_start3A_30 = tpu.memref_slice %arg4[%add3A_24] : memref<323584xi32, #tpu.memory_space<hbm>> -> memref<128xi32, #tpu.memory_space<hbm>>
        tpu.enqueue_dma source(%dma_start3A_30 : memref<128xi32, #tpu.memory_space<hbm>>) target(%arg7 : memref<128xi32, #tpu.memory_space<vmem>>) target_semaphore(%run_scoped3A : memref<!tpu.dma_semaphore, #tpu.memory_space<semaphore_mem>>)
        %dma_wait3A_31 = tpu.memref_slice %arg4[%add3A_24] : memref<323584xi32, #tpu.memory_space<hbm>> -> memref<128xi32, #tpu.memory_space<hbm>>
        %dma_wait3A_32 = tpu.memref_slice %arg4[%add3A_24] : memref<323584xi32, #tpu.memory_space<hbm>> -> memref<128xi32, #tpu.memory_space<hbm>>
        tpu.wait_dma2 semaphore(%run_scoped3A : memref<!tpu.dma_semaphore, #tpu.memory_space<semaphore_mem>>) src(%dma_wait3A_32 : memref<128xi32, #tpu.memory_space<hbm>>) dst(%arg7 : memref<128xi32, #tpu.memory_space<vmem>>)
        tpu.yield
      }) : () -> ()
      "tpu.region"() ({
        %run_scoped3A = tpu.sem_alloc : memref<!tpu.dma_semaphore, #tpu.memory_space<semaphore_mem>>
        %dma_start3A_29 = tpu.memref_slice %arg5[%add3A_24] : memref<323584xi32, #tpu.memory_space<hbm>> -> memref<128xi32, #tpu.memory_space<hbm>>
        %dma_start3A_30 = tpu.memref_slice %arg5[%add3A_24] : memref<323584xi32, #tpu.memory_space<hbm>> -> memref<128xi32, #tpu.memory_space<hbm>>
        tpu.enqueue_dma source(%dma_start3A_30 : memref<128xi32, #tpu.memory_space<hbm>>) target(%arg8 : memref<128xi32, #tpu.memory_space<vmem>>) target_semaphore(%run_scoped3A : memref<!tpu.dma_semaphore, #tpu.memory_space<semaphore_mem>>)
        %dma_wait3A_31 = tpu.memref_slice %arg5[%add3A_24] : memref<323584xi32, #tpu.memory_space<hbm>> -> memref<128xi32, #tpu.memory_space<hbm>>
        %dma_wait3A_32 = tpu.memref_slice %arg5[%add3A_24] : memref<323584xi32, #tpu.memory_space<hbm>> -> memref<128xi32, #tpu.memory_space<hbm>>
        tpu.wait_dma2 semaphore(%run_scoped3A : memref<!tpu.dma_semaphore, #tpu.memory_space<semaphore_mem>>) src(%dma_wait3A_32 : memref<128xi32, #tpu.memory_space<hbm>>) dst(%arg8 : memref<128xi32, #tpu.memory_space<vmem>>)
        tpu.yield
      }) : () -> ()
      %dma_start3A = arith.constant 0 : i32
      %dma_start3A_25 = arith.constant 0 : i32
      %dma_start3A_26 = tpu.memref_slice %arg2[%dma_start3A, %dma_start3A_25] : memref<10240x128xf32, #tpu.memory_space<hbm>> -> memref<10240x128xf32, #tpu.memory_space<hbm>>
      tpu.enqueue_indirect_dma source(%dma_start3A_26 : memref<10240x128xf32, #tpu.memory_space<hbm>>) target(%arg9 : memref<128x128xf32, #tpu.memory_space<vmem>>) offsets(%arg7 : memref<128xi32, #tpu.memory_space<vmem>>) semaphore(%arg11 : memref<!tpu.dma_semaphore, #tpu.memory_space<semaphore_mem>>)
      %dma_wait3A = arith.constant 0 : i32
      %dma_wait3A_27 = arith.constant 0 : i32
      %dma_wait3A_28 = tpu.memref_slice %arg2[%dma_wait3A, %dma_wait3A_27] : memref<10240x128xf32, #tpu.memory_space<hbm>> -> memref<10240x128xf32, #tpu.memory_space<hbm>>
      tpu.wait_indirect_dma semaphore(%arg11 : memref<!tpu.dma_semaphore, #tpu.memory_space<semaphore_mem>>) src(%dma_wait3A_28 : memref<10240x128xf32, #tpu.memory_space<hbm>>) dst(%arg9 : memref<128x128xf32, #tpu.memory_space<vmem>>)
      "tpu.region"() ({
        %run_scoped3A = tpu.sem_alloc : memref<!tpu.dma_semaphore, #tpu.memory_space<semaphore_mem>>
        %dma_start3A_29 = arith.constant 0 : i32
        %dma_start3A_30 = arith.constant 0 : i32
        %dma_start3A_31 = tpu.memref_slice %arg10[%dma_start3A_29, %dma_start3A_30] : memref<10240x128xf32, #tpu.memory_space<vmem_shared>> -> memref<10240x128xf32, #tpu.memory_space<vmem_shared>>
        tpu.enqueue_indirect_dma source(%arg9 : memref<128x128xf32, #tpu.memory_space<vmem>>) target(%dma_start3A_31 : memref<10240x128xf32, #tpu.memory_space<vmem_shared>>) offsets(%arg8 : memref<128xi32, #tpu.memory_space<vmem>>) semaphore(%run_scoped3A : memref<!tpu.dma_semaphore, #tpu.memory_space<semaphore_mem>>) {add = true}
        %dma_wait3A_32 = arith.constant 0 : i32
        %dma_wait3A_33 = arith.constant 0 : i32
        %dma_wait3A_34 = tpu.memref_slice %arg10[%dma_wait3A_32, %dma_wait3A_33] : memref<10240x128xf32, #tpu.memory_space<vmem_shared>> -> memref<10240x128xf32, #tpu.memory_space<vmem_shared>>
        tpu.wait_indirect_dma semaphore(%run_scoped3A : memref<!tpu.dma_semaphore, #tpu.memory_space<semaphore_mem>>) src(%arg9 : memref<128x128xf32, #tpu.memory_space<vmem>>) dst(%dma_wait3A_34 : memref<10240x128xf32, #tpu.memory_space<vmem_shared>>)
        tpu.yield
      }) : () -> ()
    }
    %scan3A_16 = arith.constant 79 : i32
    %barrier3A_17 = arith.constant 0 : index
    tpu.barrier barrier_id(%barrier3A_17)
    %mul3A_18 = arith.constant 10240 : i32
    %mul3A_19 = arith.muli %arg0, %mul3A_18 : i32
    %add3A_20 = arith.addi %mul3A_19, %mul3A_0 : i32
    "tpu.region"() ({
      %run_scoped3A = tpu.sem_alloc : memref<!tpu.dma_semaphore, #tpu.memory_space<semaphore_mem>>
      %dma_start3A = arith.constant 0 : i32
      %dma_start3A_21 = tpu.memref_slice %arg6[%add3A_20, %dma_start3A] : memref<20480x128xf32, #tpu.memory_space<hbm>> -> memref<640x128xf32, #tpu.memory_space<hbm>>
      %dma_start3A_22 = arith.constant 0 : i32
      %dma_start3A_23 = tpu.memref_slice %arg10[%mul3A_0, %dma_start3A_22] : memref<10240x128xf32, #tpu.memory_space<vmem_shared>> -> memref<640x128xf32, #tpu.memory_space<vmem_shared>>
      tpu.enqueue_dma source(%dma_start3A_23 : memref<640x128xf32, #tpu.memory_space<vmem_shared>>) target(%dma_start3A_21 : memref<640x128xf32, #tpu.memory_space<hbm>>) target_semaphore(%run_scoped3A : memref<!tpu.dma_semaphore, #tpu.memory_space<semaphore_mem>>)
      %dma_wait3A = arith.constant 0 : i32
      %dma_wait3A_24 = tpu.memref_slice %arg6[%add3A_20, %dma_wait3A] : memref<20480x128xf32, #tpu.memory_space<hbm>> -> memref<640x128xf32, #tpu.memory_space<hbm>>
      %dma_wait3A_25 = arith.constant 0 : i32
      %dma_wait3A_26 = tpu.memref_slice %arg10[%mul3A_0, %dma_wait3A_25] : memref<10240x128xf32, #tpu.memory_space<vmem_shared>> -> memref<640x128xf32, #tpu.memory_space<vmem_shared>>
      tpu.wait_dma2 semaphore(%run_scoped3A : memref<!tpu.dma_semaphore, #tpu.memory_space<semaphore_mem>>) src(%dma_wait3A_26 : memref<640x128xf32, #tpu.memory_space<vmem_shared>>) dst(%dma_wait3A_24 : memref<640x128xf32, #tpu.memory_space<hbm>>)
      tpu.yield
    }) : () -> ()
    return
  }
}

module attributes {stable_mosaic.version = 14 : i64} {
  func.func @_mlp_body(%arg0: i32, %arg1: memref<2x640x128xf32, #tpu.memory_space<vmem>>, %arg2: memref<128x256xf32, #tpu.memory_space<vmem>>, %arg3: memref<1x256xf32, #tpu.memory_space<vmem>>, %arg4: memref<256x128xf32, #tpu.memory_space<vmem>>, %arg5: memref<1x128xf32, #tpu.memory_space<vmem>>, %arg6: memref<640x128xf32, #tpu.memory_space<vmem>>) attributes {dimension_semantics = [#tpu.dimension_semantics<arbitrary>], iteration_bounds = array<i64: 16>, scalar_prefetch = 0 : i64, scratch_operands = 0 : i64, tpu.core_type = #tpu.core_type<tc>, window_params = [{transform_indices = @transform_0, window_bounds = array<i64: 2, 640, 128>}, {pipeline_mode = #tpu.pipeline_mode<synchronous>, transform_indices = @transform_1, window_bounds = array<i64: 128, 256>}, {pipeline_mode = #tpu.pipeline_mode<synchronous>, transform_indices = @transform_2, window_bounds = array<i64: 1, 256>}, {pipeline_mode = #tpu.pipeline_mode<synchronous>, transform_indices = @transform_3, window_bounds = array<i64: 256, 128>}, {pipeline_mode = #tpu.pipeline_mode<synchronous>, transform_indices = @transform_4, window_bounds = array<i64: 1, 128>}, {transform_indices = @transform_5, window_bounds = array<i64: 640, 128>}]} {
    %get3A = arith.constant 0 : index
    %get3A_0 = arith.constant 0 : index
    %get3A_1 = arith.constant 0 : index
    %get3A_2 = vector.load %arg1[%get3A, %get3A_0, %get3A_1] : memref<2x640x128xf32, #tpu.memory_space<vmem>>, vector<1x640x128xf32>
    %get3A_3 = vector.shape_cast %get3A_2 : vector<1x640x128xf32> to vector<640x128xf32>
    %get3A_4 = arith.constant 1 : index
    %get3A_5 = arith.constant 0 : index
    %get3A_6 = arith.constant 0 : index
    %get3A_7 = vector.load %arg1[%get3A_4, %get3A_5, %get3A_6] : memref<2x640x128xf32, #tpu.memory_space<vmem>>, vector<1x640x128xf32>
    %get3A_8 = vector.shape_cast %get3A_7 : vector<1x640x128xf32> to vector<640x128xf32>
    %add3A = arith.addf %get3A_3, %get3A_8 : vector<640x128xf32>
    %get3A_9 = arith.constant 0 : index
    %get3A_10 = arith.constant 0 : index
    %get3A_11 = vector.load %arg2[%get3A_9, %get3A_10] : memref<128x256xf32, #tpu.memory_space<vmem>>, vector<128x256xf32>
    %dot_general3A = arith.constant dense<0.000000e+00> : vector<640x256xf32>
    %dot_general3A_12 = tpu.matmul %add3A, %get3A_11, %dot_general3A {dimension_numbers = #tpu.dot_dimension_numbers<[1], [0], [0], [1], [0, 0, 1, 1], [], []>, transpose_lhs_hint = false} : vector<640x128xf32>, vector<128x256xf32>, vector<640x256xf32> -> vector<640x256xf32>
    %get3A_13 = arith.constant 0 : index
    %get3A_14 = arith.constant 0 : index
    %get3A_15 = vector.load %arg3[%get3A_13, %get3A_14] : memref<1x256xf32, #tpu.memory_space<vmem>>, vector<1x256xf32>
    %add3A_16 = vector.broadcast %get3A_15 : vector<1x256xf32> to vector<640x256xf32>
    %add3A_17 = arith.addf %dot_general3A_12, %add3A_16 : vector<640x256xf32>
    %max3A = arith.constant 0.000000e+00 : f32
    %max3A_18 = vector.broadcast %max3A : f32 to vector<640x256xf32>
    %max3A_19 = arith.maximumf %add3A_17, %max3A_18 : vector<640x256xf32>
    %get3A_20 = arith.constant 0 : index
    %get3A_21 = arith.constant 0 : index
    %get3A_22 = vector.load %arg4[%get3A_20, %get3A_21] : memref<256x128xf32, #tpu.memory_space<vmem>>, vector<256x128xf32>
    %dot_general3A_23 = arith.constant dense<0.000000e+00> : vector<640x128xf32>
    %dot_general3A_24 = tpu.matmul %max3A_19, %get3A_22, %dot_general3A_23 {dimension_numbers = #tpu.dot_dimension_numbers<[1], [0], [0], [1], [0, 0, 1, 1], [], []>, transpose_lhs_hint = false} : vector<640x256xf32>, vector<256x128xf32>, vector<640x128xf32> -> vector<640x128xf32>
    %get3A_25 = arith.constant 0 : index
    %get3A_26 = arith.constant 0 : index
    %get3A_27 = vector.load %arg5[%get3A_25, %get3A_26] : memref<1x128xf32, #tpu.memory_space<vmem>>, vector<1x128xf32>
    %add3A_28 = vector.broadcast %get3A_27 : vector<1x128xf32> to vector<640x128xf32>
    %add3A_29 = arith.addf %dot_general3A_24, %add3A_28 : vector<640x128xf32>
    %max3A_30 = arith.constant 0.000000e+00 : f32
    %max3A_31 = vector.broadcast %max3A_30 : f32 to vector<640x128xf32>
    %max3A_32 = arith.maximumf %add3A_29, %max3A_31 : vector<640x128xf32>
    %mul3A = arith.constant 640 : i32
    %mul3A_33 = arith.muli %mul3A, %arg0 : i32
    %iota3A = tpu.iota {dimensions = array<i32: 0>} : vector<640x1xi32>
    %add3A_34 = vector.broadcast %mul3A_33 : i32 to vector<640x1xi32>
    %add3A_35 = arith.addi %add3A_34, %iota3A : vector<640x1xi32>
    %lt3A = arith.constant 10000 : i32
    %lt3A_36 = vector.broadcast %lt3A : i32 to vector<640x1xi32>
    %lt3A_37 = arith.cmpi slt, %add3A_35, %lt3A_36 : vector<640x1xi32>
    %jit3A = arith.constant 0.000000e+00 : f32
    %broadcast_in_dim3A = vector.shape_cast %lt3A_37 : vector<640x1xi1> to vector<640x1xi1>
    %broadcast_in_dim3A_38 = vector.broadcast %broadcast_in_dim3A : vector<640x1xi1> to vector<640x128xi1>
    %broadcast_in_dim3A_39 = vector.broadcast %jit3A : f32 to vector<640x128xf32>
    %select_n3A = arith.select %broadcast_in_dim3A_38, %max3A_32, %broadcast_in_dim3A_39 : vector<640x128xi1>, vector<640x128xf32>
    %swap3A = arith.constant 0 : index
    %swap3A_40 = arith.constant 0 : index
    %swap3A_41 = vector.load %arg6[%swap3A, %swap3A_40] : memref<640x128xf32, #tpu.memory_space<vmem>>, vector<640x128xf32>
    tpu.vector_store %arg6[%swap3A, %swap3A_40], %select_n3A {strides = array<i32>} : memref<640x128xf32, #tpu.memory_space<vmem>>, vector<640x128xf32>,
    return
  }
  func.func @transform_0(%arg0: i32) -> (i32, i32, i32) {
    %c0_i32 = arith.constant 0 : i32
    %c0_i32_0 = arith.constant 0 : i32
    %c0_i32_1 = arith.constant 0 : i32
    return %c0_i32, %arg0, %c0_i32_0 : i32, i32, i32
  }
  func.func @transform_1(%arg0: i32) -> (i32, i32) {
    %c0_i32 = arith.constant 0 : i32
    %c0_i32_0 = arith.constant 0 : i32
    %c0_i32_1 = arith.constant 0 : i32
    return %c0_i32, %c0_i32_0 : i32, i32
  }
  func.func @transform_2(%arg0: i32) -> (i32, i32) {
    %c0_i32 = arith.constant 0 : i32
    %c0_i32_0 = arith.constant 0 : i32
    %c0_i32_1 = arith.constant 0 : i32
    return %c0_i32, %c0_i32_0 : i32, i32
  }
  func.func @transform_3(%arg0: i32) -> (i32, i32) {
    %c0_i32 = arith.constant 0 : i32
    %c0_i32_0 = arith.constant 0 : i32
    %c0_i32_1 = arith.constant 0 : i32
    return %c0_i32, %c0_i32_0 : i32, i32
  }
  func.func @transform_4(%arg0: i32) -> (i32, i32) {
    %c0_i32 = arith.constant 0 : i32
    %c0_i32_0 = arith.constant 0 : i32
    %c0_i32_1 = arith.constant 0 : i32
    return %c0_i32, %c0_i32_0 : i32, i32
  }
  func.func @transform_5(%arg0: i32) -> (i32, i32) {
    %c0_i32 = arith.constant 0 : i32
    %c0_i32_0 = arith.constant 0 : i32
    return %arg0, %c0_i32 : i32, i32
  }
}

module attributes {stable_mosaic.version = 14 : i64} {
  func.func @_mlp_body(%arg0: i32, %arg1: memref<2x640x128xf32, #tpu.memory_space<vmem>>, %arg2: memref<128x256xf32, #tpu.memory_space<vmem>>, %arg3: memref<1x256xf32, #tpu.memory_space<vmem>>, %arg4: memref<256x128xf32, #tpu.memory_space<vmem>>, %arg5: memref<1x128xf32, #tpu.memory_space<vmem>>, %arg6: memref<640x128xf32, #tpu.memory_space<vmem>>) attributes {dimension_semantics = [#tpu.dimension_semantics<arbitrary>], iteration_bounds = array<i64: 16>, scalar_prefetch = 0 : i64, scratch_operands = 0 : i64, tpu.core_type = #tpu.core_type<tc>, window_params = [{transform_indices = @transform_0, window_bounds = array<i64: 2, 640, 128>}, {pipeline_mode = #tpu.pipeline_mode<synchronous>, transform_indices = @transform_1, window_bounds = array<i64: 128, 256>}, {pipeline_mode = #tpu.pipeline_mode<synchronous>, transform_indices = @transform_2, window_bounds = array<i64: 1, 256>}, {pipeline_mode = #tpu.pipeline_mode<synchronous>, transform_indices = @transform_3, window_bounds = array<i64: 256, 128>}, {pipeline_mode = #tpu.pipeline_mode<synchronous>, transform_indices = @transform_4, window_bounds = array<i64: 1, 128>}, {transform_indices = @transform_5, window_bounds = array<i64: 640, 128>}]} {
    %get3A = arith.constant 0 : index
    %get3A_0 = arith.constant 0 : index
    %get3A_1 = arith.constant 0 : index
    %get3A_2 = vector.load %arg1[%get3A, %get3A_0, %get3A_1] : memref<2x640x128xf32, #tpu.memory_space<vmem>>, vector<1x640x128xf32>
    %get3A_3 = vector.shape_cast %get3A_2 : vector<1x640x128xf32> to vector<640x128xf32>
    %get3A_4 = arith.constant 1 : index
    %get3A_5 = arith.constant 0 : index
    %get3A_6 = arith.constant 0 : index
    %get3A_7 = vector.load %arg1[%get3A_4, %get3A_5, %get3A_6] : memref<2x640x128xf32, #tpu.memory_space<vmem>>, vector<1x640x128xf32>
    %get3A_8 = vector.shape_cast %get3A_7 : vector<1x640x128xf32> to vector<640x128xf32>
    %add3A = arith.addf %get3A_3, %get3A_8 : vector<640x128xf32>
    %get3A_9 = arith.constant 0 : index
    %get3A_10 = arith.constant 0 : index
    %get3A_11 = vector.load %arg2[%get3A_9, %get3A_10] : memref<128x256xf32, #tpu.memory_space<vmem>>, vector<128x256xf32>
    %dot_general3A = arith.constant dense<0.000000e+00> : vector<640x256xf32>
    %dot_general3A_12 = tpu.matmul %add3A, %get3A_11, %dot_general3A {dimension_numbers = #tpu.dot_dimension_numbers<[1], [0], [0], [1], [0, 0, 1, 1], [], []>, transpose_lhs_hint = false} : vector<640x128xf32>, vector<128x256xf32>, vector<640x256xf32> -> vector<640x256xf32>
    %get3A_13 = arith.constant 0 : index
    %get3A_14 = arith.constant 0 : index
    %get3A_15 = vector.load %arg3[%get3A_13, %get3A_14] : memref<1x256xf32, #tpu.memory_space<vmem>>, vector<1x256xf32>
    %add3A_16 = vector.broadcast %get3A_15 : vector<1x256xf32> to vector<640x256xf32>
    %add3A_17 = arith.addf %dot_general3A_12, %add3A_16 : vector<640x256xf32>
    %max3A = arith.constant 0.000000e+00 : f32
    %max3A_18 = vector.broadcast %max3A : f32 to vector<640x256xf32>
    %max3A_19 = arith.maximumf %add3A_17, %max3A_18 : vector<640x256xf32>
    %get3A_20 = arith.constant 0 : index
    %get3A_21 = arith.constant 0 : index
    %get3A_22 = vector.load %arg4[%get3A_20, %get3A_21] : memref<256x128xf32, #tpu.memory_space<vmem>>, vector<256x128xf32>
    %dot_general3A_23 = arith.constant dense<0.000000e+00> : vector<640x128xf32>
    %dot_general3A_24 = tpu.matmul %max3A_19, %get3A_22, %dot_general3A_23 {dimension_numbers = #tpu.dot_dimension_numbers<[1], [0], [0], [1], [0, 0, 1, 1], [], []>, transpose_lhs_hint = false} : vector<640x256xf32>, vector<256x128xf32>, vector<640x128xf32> -> vector<640x128xf32>
    %get3A_25 = arith.constant 0 : index
    %get3A_26 = arith.constant 0 : index
    %get3A_27 = vector.load %arg5[%get3A_25, %get3A_26] : memref<1x128xf32, #tpu.memory_space<vmem>>, vector<1x128xf32>
    %add3A_28 = vector.broadcast %get3A_27 : vector<1x128xf32> to vector<640x128xf32>
    %add3A_29 = arith.addf %dot_general3A_24, %add3A_28 : vector<640x128xf32>
    %mul3A = arith.constant 640 : i32
    %mul3A_30 = arith.muli %mul3A, %arg0 : i32
    %iota3A = tpu.iota {dimensions = array<i32: 0>} : vector<640x1xi32>
    %add3A_31 = vector.broadcast %mul3A_30 : i32 to vector<640x1xi32>
    %add3A_32 = arith.addi %add3A_31, %iota3A : vector<640x1xi32>
    %lt3A = arith.constant 10000 : i32
    %lt3A_33 = vector.broadcast %lt3A : i32 to vector<640x1xi32>
    %lt3A_34 = arith.cmpi slt, %add3A_32, %lt3A_33 : vector<640x1xi32>
    %jit3A = arith.constant 0.000000e+00 : f32
    %broadcast_in_dim3A = vector.shape_cast %lt3A_34 : vector<640x1xi1> to vector<640x1xi1>
    %broadcast_in_dim3A_35 = vector.broadcast %broadcast_in_dim3A : vector<640x1xi1> to vector<640x128xi1>
    %broadcast_in_dim3A_36 = vector.broadcast %jit3A : f32 to vector<640x128xf32>
    %select_n3A = arith.select %broadcast_in_dim3A_35, %add3A_29, %broadcast_in_dim3A_36 : vector<640x128xi1>, vector<640x128xf32>
    %swap3A = arith.constant 0 : index
    %swap3A_37 = arith.constant 0 : index
    %swap3A_38 = vector.load %arg6[%swap3A, %swap3A_37] : memref<640x128xf32, #tpu.memory_space<vmem>>, vector<640x128xf32>
    tpu.vector_store %arg6[%swap3A, %swap3A_37], %select_n3A {strides = array<i32>} : memref<640x128xf32, #tpu.memory_space<vmem>>, vector<640x128xf32>,
    return
  }
  func.func @transform_0(%arg0: i32) -> (i32, i32, i32) {
    %c0_i32 = arith.constant 0 : i32
    %c0_i32_0 = arith.constant 0 : i32
    %c0_i32_1 = arith.constant 0 : i32
    return %c0_i32, %arg0, %c0_i32_0 : i32, i32, i32
  }
  func.func @transform_1(%arg0: i32) -> (i32, i32) {
    %c0_i32 = arith.constant 0 : i32
    %c0_i32_0 = arith.constant 0 : i32
    %c0_i32_1 = arith.constant 0 : i32
    return %c0_i32, %c0_i32_0 : i32, i32
  }
  func.func @transform_2(%arg0: i32) -> (i32, i32) {
    %c0_i32 = arith.constant 0 : i32
    %c0_i32_0 = arith.constant 0 : i32
    %c0_i32_1 = arith.constant 0 : i32
    return %c0_i32, %c0_i32_0 : i32, i32
  }
  func.func @transform_3(%arg0: i32) -> (i32, i32) {
    %c0_i32 = arith.constant 0 : i32
    %c0_i32_0 = arith.constant 0 : i32
    %c0_i32_1 = arith.constant 0 : i32
    return %c0_i32, %c0_i32_0 : i32, i32
  }
  func.func @transform_4(%arg0: i32) -> (i32, i32) {
    %c0_i32 = arith.constant 0 : i32
    %c0_i32_0 = arith.constant 0 : i32
    %c0_i32_1 = arith.constant 0 : i32
    return %c0_i32, %c0_i32_0 : i32, i32
  }
  func.func @transform_5(%arg0: i32) -> (i32, i32) {
    %c0_i32 = arith.constant 0 : i32
    %c0_i32_0 = arith.constant 0 : i32
    return %arg0, %c0_i32 : i32, i32
  }
}

</mosaic_0001>

<sc_bundles>
// kernel: kernel.13.cloned.1.call-start
scs
__scs_entry_jumppad:
0x0: {  	(pc) =	sbr.rel $0x88, $3  }
0x1: {  	(tag) =	ssettag $0x0;
	lr =	simm.s32 $0x1  }
0x2: {  	[smem:$0x3F98] =	sst lr;
	_ =	strace $0xD0000000  }
0x3: {  	_ = 	snop  }
0x4: {  	_ = 	snop  }
0x5: {  	_ = 	snop  }
0x6: {  	_ = 	snop  }
0x7: {  	_ = 	snop  }
__scs_overlays_trampoline_lowered:
0x8: {  	[smem:$0x3FA7] =	sst s0  }
0x9: {  	[smem:$0x3FA8] =	sst s1  }
0xa: {  	[smem:$0x3FA9] =	sst s2  }
0xb: {  	[smem:$0x3FAA] =	sst s3  }
0xc: {  	[smem:$0x3FAB] =	sst s4  }
0xd: {  	[smem:$0x3FAC] =	sst s5  }
0xe: {  	[smem:$0x3FAD] =	sst s6  }
0xf: {  	[smem:$0x3FAE] =	sst s7  }
0x10: {  	[smem:$0x3FAF] =	sst s8  }
0x11: {  	[smem:$0x3FB0] =	sst s9;
	s0 =	simm.s32 @!p0 $0x0  }
0x12: {  	s1 =	sld [smem:$0x3F96];
	s0 =	simm.s32 @p0 $0x1  }
0x13: {  	[smem:$0x3FB1] =	sst s0;
	s0 =	simm.s32 @!p1 $0x0  }
0x14: {  	s2 =	sld [smem:$0x3F95];
	s0 =	simm.s32 @p1 $0x1  }
0x15: {  	[smem:$0x3FB2] =	sst s0;
	s0 =	simm.s32 @!p2 $0x0  }
0x16: {  	s3 =	sld [smem:$0x3FDB];
	s0 =	simm.s32 @p2 $0x1  }
0x17: {  	s4 =	simm.s32 $0x1BF5;
	[smem:$0x3FB4] =	sst s0  }
0x18: {  	s0 =	sld [smem:$0x3F97];
	_ =	swait.ge [sflag:s4], $0x0  }
0x19: {  	s7 =	sld [smem:$0x3F98]  }
0x1a: {  	s8 =	sadd.s32 $0xFFFFE003, lr  }
0x1b: {  	s9 =	sadd.s32 $0xFFFFFEF7, lr;
	s5 =	simm.s32 $0xFFFFFFFF;
	p2 =	slt.u32 s8, $0xFFFFF086  }
0x1c: {  	p1 =	slt.u32 s9, $0xF7A;
	s5 =	simm.s32 @!p2 $0x0  }
0x1d: {  	s5 =	simm.s32 @p1 $0x1;
	p0 =	seq.s32 s7, s2  }
0x1e: {  	s7 =	smul.u32 @!p0 $0xF7A, s2;
	p2 =	seq.s32 @!p0 s5, $0x0  }
0x1f: {  	s9 =	smul.u32 $0xF7A, s1;
	s8 =	simm.s32 @!p0 $0x1BF5;
	p2 =	por !p2, p0  }
0x20: {  	[sflag:s8] =	ssyncset.s32 @!p0 $0xFFFFF086;
	s6 =	sadd.s32 @!p0 s3, s7;
	s7 =	simm.s32 @!p0 $0x108  }
0x21: {  	s3 =	sadd.s32 s3, s9;
	s6 =	sadd.s32 @!p0 $0x88, s6;
	s7 =	simm.s32 @p2 $0x1082  }
0x22: {  	[simem:s7], [sflag:s8] =	dma.local @!p0 [hbm:s6], $0xF7A  }
0x23: {  	s9 =	sor.u32 $0xD0000000, s2;
	s6 =	simm.s32 $0x108;
	_ =	swait.ge @!p0 [sflag:s8], $0x0  }
0x24: {  	s3 =	sadd.s32 $0x88, s3;
	s6 =	simm.s32 @!p1 $0x1082;
	[sflag:s4] =	ssyncset.s32 $0xFFFFF086  }
0x25: {  	[simem:s6], [sflag:s4] =	dma.local [hbm:s3], $0xF7A  }
0x26: {  	[smem:$0x3F98] =	sst s1;
	(tag) =	ssettag s2;
	_ =	strace s9  }
0x27: {  	s1 =	sld [smem:$0x3FA8]  }
0x28: {  	s2 =	sld [smem:$0x3FA9]  }
0x29: {  	s4 =	sld [smem:$0x3FAB]  }
0x2a: {  	p0 =	seq.s32 s5, $0x0;
	s5 =	sld [smem:$0x3FAC]  }
0x2b: {  	s6 =	sld [smem:$0x3FAD]  }
0x2c: {  	s7 =	sld [smem:$0x3FAE]  }
0x2d: {  	s3 =	simm.s32 $0x108;
	s8 =	sld [smem:$0x3FAF]  }
0x2e: {  	s3 =	simm.s32 @!p0 $0x1082;
	s9 =	sld [smem:$0x3FB0]  }
0x2f: {  	lr =	sadd.s32 s0, s3;
	s0 =	sld [smem:$0x3FA7]  }
0x30: {  	s3 =	sld [smem:$0x3FAA]  }
0x31: {  	[smem:$0x3FB3] =	sst s10  }
0x32: {  	s10 =	sld [smem:$0x3FB1];
	_ =	sdelay $0x3  }
0x33: {  	p0 =	seq.s32 s10, $0x1;
	s10 =	sld [smem:$0x3FB3];
	_ =	sdelay $0x3  }
0x34: {  	[smem:$0x3FB3] =	sst s10  }
0x35: {  	s10 =	sld [smem:$0x3FB2];
	_ =	sdelay $0x3  }
0x36: {  	p1 =	seq.s32 s10, $0x1;
	s10 =	sld [smem:$0x3FB3];
	_ =	sdelay $0x3  }
0x37: {  	[smem:$0x3FB3] =	sst s10  }
0x38: {  	s10 =	sld [smem:$0x3FB4]  }
0x39: {  	_ = 	snop;
	(pc) =	sbr.ind lr, $3  }
0x3a: {  	_ = 	snop  }
0x3b: {  	_ = 	snop  }
0x3c: {  	p2 =	seq.s32 s10, $0x1;
	s10 =	sld [smem:$0x3FB3]  }
0x3d: {  	_ =	shalt  }
0x3e: {  	_ =	shalt  }
0x3f: {  	_ =	shalt  }
0x40: {  	_ =	shalt  }
0x41: {  	_ =	shalt  }
0x42: {  	_ =	shalt  }
0x43: {  	_ =	shalt  }
0x44: {  	_ =	shalt  }
0x45: {  	_ =	shalt  }
0x46: {  	_ =	shalt  }
0x47: {  	_ =	shalt  }
0x48: {  	_ =	shalt  }
0x49: {  	_ =	shalt  }
0x4a: {  	_ =	shalt  }
0x4b: {  	_ =	shalt  }
0x4c: {  	_ =	shalt  }
0x4d: {  	_ =	shalt  }
0x4e: {  	_ =	shalt  }
0x4f: {  	_ =	shalt  }
0x50: {  	_ =	shalt  }
0x51: {  	_ =	shalt  }
0x52: {  	_ =	shalt  }
0x53: {  	_ =	shalt  }
0x54: {  	_ =	shalt  }
0x55: {  	_ =	shalt  }
0x56: {  	_ =	shalt  }
0x57: {  	_ =	shalt  }
0x58: {  	_ =	shalt  }
0x59: {  	_ =	shalt  }
0x5a: {  	_ =	shalt  }
0x5b: {  	_ =	shalt  }
0x5c: {  	_ =	shalt  }
0x5d: {  	_ =	shalt  }
0x5e: {  	_ =	shalt  }
0x5f: {  	_ =	shalt  }
0x60: {  	_ =	shalt  }
0x61: {  	_ =	shalt  }
0x62: {  	_ =	shalt  }
0x63: {  	_ =	shalt  }
0x64: {  	_ =	shalt  }
0x65: {  	_ =	shalt  }
0x66: {  	_ =	shalt  }
0x67: {  	_ =	shalt  }
0x68: {  	_ =	shalt  }
0x69: {  	_ =	shalt  }
0x6a: {  	_ =	shalt  }
0x6b: {  	_ =	shalt  }
0x6c: {  	_ =	shalt  }
0x6d: {  	_ =	shalt  }
0x6e: {  	_ =	shalt  }
0x6f: {  	_ =	shalt  }
0x70: {  	_ =	shalt  }
0x71: {  	_ =	shalt  }
0x72: {  	_ =	shalt  }
0x73: {  	_ =	shalt  }
0x74: {  	_ =	shalt  }
0x75: {  	_ =	shalt  }
0x76: {  	_ =	shalt  }
0x77: {  	_ =	shalt  }
0x78: {  	_ =	shalt  }
0x79: {  	_ =	shalt  }
0x7a: {  	_ =	shalt  }
0x7b: {  	_ =	shalt  }
0x7c: {  	_ =	shalt  }
0x7d: {  	_ =	shalt  }
0x7e: {  	_ =	shalt  }
0x7f: {  	_ =	shalt  }
0x80: {  	_ =	shalt  }
0x81: {  	_ =	shalt  }
0x82: {  	_ =	shalt  }
0x83: {  	_ =	shalt  }
0x84: {  	_ =	shalt  }
0x85: {  	_ =	shalt  }
0x86: {  	_ =	shalt  }
0x87: {  	_ =	shalt  }
.Lfunc_end0:
.L_simem_size_0:
called_computation_lowered:
.L_overlay_start_0:
0x88: {  	s2 =	sld [smem:$0x3FD9]  }
0x89: {  	s3 =	sld [smem:$0x3FFE];
	_ =	sdelay $0x1  }
0x8a: {  	s1 =	srdreg.scid  }
0x8b: {  	s0 =	sand.u32 $0x1, s1  }
0x8c: {  	s17 =	sshll.u32 s0, $0xA;
	s2 =	sadd.s32 s3, s2  }
0x8d: {  	s2 =	sadd.s32 s2, s17  }
0x8e: {  	[smem:$0x3FBF] =	sst s2  }
0x8f: {  	_ = 	snop  }
0x90: {  	s2 =	sld [smem:$0x3FC7];
	(tm) =	ssettm $0x1  }
0x91: {  	s18 =	sld [smem:$0x3FFB];
	_ =	sdelay $0x3  }
0x92: {  	_ =	strace s18  }
0x93: {  	s3 =	sld [smem:$0x3FFC];
	_ =	sdelay $0x3  }
0x94: {  	_ =	strace s3  }
0x95: {  	s3 =	sld [smem:$0x3FFD];
	_ =	sdelay $0x3  }
0x96: {  	_ =	strace s3  }
0x97: {  	_ =	strace $0x8FFFFFFF  }
0x98: {  	s19 =	sld [smem:$0x3FDB];
	_ =	sdelay $0x1  }
0x99: {  	s4 =	simm.s32 $_scs_section_size  }
0x9a: {  	s5 =	simm.s32 $_size__tile_overlayer_lowered;
	s6 =	simm.s32 $_tile_overlayer_lowered  }
0x9b: {  	s22 =	simm.s32 $0x1BFF;
	s21 =	sshll.u32 s6, $0x1;
	s3 =	sadd.s32 s4, s19  }
0x9c: {  	s7 =	simm.s32 $0x0;
	s20 =	sshll.u32 s5, $0x1;
	s5 =	sadd.s32 s21, s3  }
0x9d: {  	[timem:s7], [sflag:s22] =	dma.local [hbm:s5], s20  }
0x9e: {  	_ =	swait.ge [sflag:s22], s20  }
0x9f: {  	s4 =	ssub.s32 $0x0, s20;
	[sflag:s22] =	ssyncset.done $0x0  }
0xa0: {  	[sflag:s22] =	ssyncadd.s32 s4;
	_ =	sdelay $0x1  }
0xa1: {  	s23 =	simm.s32 $0x1B8B  }
0xa2: {  	_ =	swait.ge [sflag:s23], $0x1  }
0xa3: {  	[sflag:s23] =	ssyncset.done $0x0  }
0xa4: {  	s25 =	simm.s32 $0x1B8E;
	s24 =	sld [smem:$0x3FFE];
	[sflag:s23] =	ssyncadd.s32 $0xFFFFFFFF  }
0xa5: {  	s26 =	simm.s32 $execute0_lowered;
	[smem:$0x3FD2] =	sst s25  }
0xa6: {  	s5 =	sshll.u32 s26, $0x1;
	_ =	strace $0x80000046;
	[dreg:$0x1] =	wrdreg $0xFFFFFFFF  }
0xa7: {  	s28 =	simm.s32 $_size_execute0_lowered;
	s3 =	sadd.s32 s3, s5;
	[dreg:$0x0] =	wrdreg $0x0  }
0xa8: {  	s5 =	sshll.u32 s28, $0x1;
	[dreg:$0x2] =	wrdreg s3  }
0xa9: {  	[dreg:$0x3] =	wrdreg s5  }
0xaa: {  	[dreg:$0x4] =	wrdreg $0xC0  }
0xab: {  	_ =	task [dreg:s7], $0x5FFFF  }
0xac: {  	[dreg:$0x1] =	wrdreg $0xFFFFFFFF  }
0xad: {  	[dreg:$0x0] =	wrdreg $0x60  }
0xae: {  	[dreg:$0x2] =	wrdreg s24  }
0xaf: {  	[dreg:$0x3] =	wrdreg s2  }
0xb0: {  	[dreg:$0x4] =	wrdreg $0x9  }
0xb1: {  	_ =	task.clear_ibuf [dreg:s7], $0x5FFFF;
	_ =	strace $0x90000046  }
0xb2: {  	s29 =	simm.s32 $0x9;
	_ =	strace $0x80000048  }
0xb3: {  	_ =	swait.ge [sflag:s29], $0x1  }
0xb4: {  	[sflag:s29] =	ssyncadd.s32 $0xFFFFFFFF  }
0xb5: {  	_ =	strace $0x90000048  }
0xb6: {  	_ =	sfence  }
0xb7: {  	s30 =	sld [smem:$0x0];
	_ =	sdelay $0x2  }
0xb8: {  	s31 =	sshll.u32 s1, $0xD;
	s1 =	sshrl.u32 s1, $0x2  }
0xb9: {  	s3 =	sand.u32 $0x4000, s31;
	s1 =	sadd.s32 s1, s30  }
0xba: {  	s0 =	sor.u32 s3, s0;
	s1 =	sshll.u32 s1, $0x11  }
0xbb: {  	s0 =	sor.u32 s1, s0  }
0xbc: {  	s0 =	sadd.s32 $0x8F2B, s0  }
0xbd: {  	[sflag:s0] =	ssyncadd.remote.s32 $0x1  }
0xbe: {  	_ =	sfence.sel $0xFFFF  }
0xbf: {  	[dreg:$0x0] =	wrdreg $0xFFFFFFFF;
	(pc) =	sbr.abs _section_cstart, $3  }
0xc0: {  	[dreg:$0x1] =	wrdreg $0xFFFFFFFF  }
0xc1: {  	_ =	task.clear_ibuf [dreg:s7], $0x2FFFF;
	_ =	strace $0x9FFFFFFF  }
0xc2: {  	(tm) =	ssettm $0x7FFFFFFF  }
0xc3: {  	_ =	shalt  }
tec
execute0_lowered:
.L_overlay_start_1:
0x0: {  	(tag) =	ssettag $0x1  }
0x1: {  	s1 =	srdreg.scid;
	s0 =	stileid.u32  }
0x2: {  	s15 =	sand.u32 $0x1, s1;
	s28 =	sshll.u32 s0, $0x1  }
0x3: {  	s9 =	rddreg [dreg:$0x0];
	s10 =	sor.u32 s15, s28  }
0x4: {  	s2 =	rddreg [dreg:$0x1];
	s14 =	smul.u32 $0x140, s10  }
0x5: {  	s3 =	simm.s32 $0x0;
	s1 =	rddreg [dreg:$0x2]  }
0x6: {  	[smem:$0x7FF] =	sst s3;
	s16 =	sadd.s32 $0x3A00, s9;
	s4 =	sshrl.u32 s14, $0x3  }
0x7: {  	_ =	strace $0x80000047;
	s5 =	sadd.s32 s16, s4;
	s4 =	simm.s32 $0x2  }
0x8: {  	[tilespmem:s3], [sflag:$0x2] =	stream.linear.gather [hbm4b:s5+s3], $0x50, $0x38;
	[tilespmem:$0x2880] =	vst v63  }
0x9: {  	_ =	swait.ge [sflag:s4], $0x50  }
0xa: {  	s6 =	simm.s32 $0x50;
	[sflag:s4] =	ssyncset.done $0x0  }
0xb: {  	s7 =	simm.s32 $0x80;
	s8 =	simm.s32 $0x1;
	[sflag:s4] =	ssyncadd.s32 $0xFFFFFFB0  }
0xc: {  	[tilespmem:s7], [sflag:$0x1] =	stream.indirect.gather [hbm4b:s2+s6], $0x80, s3, s6, $0xb8;
	[tilespmem:$0x2880] =	vst v63  }
0xd: {  	s10 =	smul.u32 $0x1400, s10;
	_ =	swait.ge [sflag:s8], $0x2800  }
0xe: {  	s17 =	sadd.s32 $0x4000, s9;
	[sflag:s8] =	ssyncset.done $0x0  }
0xf: {  	s9 =	sadd.s32 s17, s10;
	[sflag:s8] =	ssyncadd.s32 $0xFFFFD800  }
0x10: {  	[hbm4b:s9+s3] =	stream.linear.scatter [tilespmem:s7], [sflag:$0x2], $0x2800, $0x38;
	[tilespmem:$0x2880] =	vst v63  }
0x11: {  	s11 =	sadd.s32 $0x50, s14;
	_ =	swait.ge [sflag:s4], $0x2800  }
0x12: {  	s29 =	sshrl.u32 s11, $0x3;
	[sflag:s4] =	ssyncset.done $0x0  }
0x13: {  	s10 =	sadd.s32 s16, s29;
	[sflag:s4] =	ssyncadd.s32 $0xFFFFD800  }
0x14: {  	[tilespmem:s3], [sflag:$0x2] =	stream.linear.gather [hbm4b:s10+s3], $0x50, $0x38;
	[tilespmem:$0x2880] =	vst v63  }
0x15: {  	_ =	swait.ge [sflag:s4], $0x50  }
0x16: {  	[sflag:s4] =	ssyncset.done $0x0  }
0x17: {  	[sflag:s4] =	ssyncadd.s32 $0xFFFFFFB0  }
0x18: {  	[tilespmem:s7], [sflag:$0x1] =	stream.indirect.gather [hbm4b:s2+s6], $0x80, s3, s6, $0xb8;
	[tilespmem:$0x2880] =	vst v63  }
0x19: {  	_ =	swait.ge [sflag:s8], $0x2800  }
0x1a: {  	s11 =	sshll.u32 s11, $0x4;
	[sflag:s8] =	ssyncset.done $0x0  }
0x1b: {  	s11 =	sadd.s32 s17, s11;
	[sflag:s8] =	ssyncadd.s32 $0xFFFFD800  }
0x1c: {  	[hbm4b:s11+s3] =	stream.linear.scatter [tilespmem:s7], [sflag:$0x2], $0x2800, $0x38;
	[tilespmem:$0x2880] =	vst v63  }
0x1d: {  	s13 =	sadd.s32 $0xA0, s14;
	_ =	swait.ge [sflag:s4], $0x2800  }
0x1e: {  	s12 =	sshrl.u32 s13, $0x3;
	[sflag:s4] =	ssyncset.done $0x0  }
0x1f: {  	s12 =	sadd.s32 s16, s12;
	[sflag:s4] =	ssyncadd.s32 $0xFFFFD800  }
0x20: {  	[tilespmem:s3], [sflag:$0x2] =	stream.linear.gather [hbm4b:s12+s3], $0x50, $0x38;
	[tilespmem:$0x2880] =	vst v63  }
0x21: {  	_ =	swait.ge [sflag:s4], $0x50  }
0x22: {  	[sflag:s4] =	ssyncset.done $0x0  }
0x23: {  	[sflag:s4] =	ssyncadd.s32 $0xFFFFFFB0  }
0x24: {  	[tilespmem:s7], [sflag:$0x1] =	stream.indirect.gather [hbm4b:s2+s6], $0x80, s3, s6, $0xb8;
	[tilespmem:$0x2880] =	vst v63  }
0x25: {  	_ =	swait.ge [sflag:s8], $0x2800  }
0x26: {  	s13 =	sshll.u32 s13, $0x4;
	[sflag:s8] =	ssyncset.done $0x0  }
0x27: {  	s13 =	sadd.s32 s17, s13;
	[sflag:s8] =	ssyncadd.s32 $0xFFFFD800  }
0x28: {  	[hbm4b:s13+s3] =	stream.linear.scatter [tilespmem:s7], [sflag:$0x2], $0x2800, $0x38;
	[tilespmem:$0x2880] =	vst v63  }
0x29: {  	s18 =	sadd.s32 $0xF0, s14;
	_ =	swait.ge [sflag:s4], $0x2800  }
0x2a: {  	s14 =	sshrl.u32 s18, $0x3;
	[sflag:s4] =	ssyncset.done $0x0  }
0x2b: {  	s15 =	ssub.s32 $0x2, s15;
	s14 =	sadd.s32 s16, s14;
	[sflag:s4] =	ssyncadd.s32 $0xFFFFD800  }
0x2c: {  	[tilespmem:s3], [sflag:$0x2] =	stream.linear.gather [hbm4b:s14+s3], $0x50, $0x38;
	[tilespmem:$0x2880] =	vst v63  }
0x2d: {  	s30 =	sshrl.u32 s15, $0x1;
	_ =	swait.ge [sflag:s4], $0x50  }
0x2e: {  	s16 =	ssub.s32 s15, s30;
	[sflag:s4] =	ssyncset.done $0x0  }
0x2f: {  	s16 =	smax.u32 s16, $0x1;
	[sflag:s4] =	ssyncadd.s32 $0xFFFFFFB0  }
0x30: {  	[tilespmem:s7], [sflag:$0x1] =	stream.indirect.gather [hbm4b:s2+s6], $0x80, s3, s6, $0xb8;
	[tilespmem:$0x2880] =	vst v63  }
0x31: {  	p0 =	sne.s32 s16, $0x1;
	_ =	swait.ge [sflag:s8], $0x2800  }
.Ltmp0:
0x32: {  	s31 =	sshll.u32 s18, $0x4;
	[sflag:s8] =	ssyncset.done $0x0;
	(pc) =	sbr.rel @!p0 .LBB2_2-.Ltmp0, $4  }
0x33: {  	s15 =	sadd.s32 s17, s31;
	[sflag:s8] =	ssyncadd.s32 $0xFFFFD800  }
0x34: {  	[hbm4b:s15+s3] =	stream.linear.scatter [tilespmem:s7], [sflag:$0x2], $0x2800, $0x38;
	[tilespmem:$0x2880] =	vst v63  }
0x35: {  	_ =	swait.ge [sflag:s4], $0x2800  }
0x36: {  	s16 =	sadd.s32 $0xFFFFFFFF, s16;
	[sflag:s4] =	ssyncset.done $0x0  }
.LBB2_1:
0x37: {  	p0 =	sne.s32 s16, $0x1;
	s16 =	sadd.s32 $0xFFFFFFFF, s16;
	[sflag:s4] =	ssyncadd.s32 $0xFFFFD800  }
0x38: {  	[tilespmem:s3], [sflag:$0x2] =	stream.linear.gather [hbm4b:s5+s3], $0x50, $0x38;
	[tilespmem:$0x2880] =	vst v63  }
0x39: {  	_ =	swait.ge [sflag:s4], $0x50  }
0x3a: {  	[sflag:s4] =	ssyncset.done $0x0  }
0x3b: {  	[sflag:s4] =	ssyncadd.s32 $0xFFFFFFB0  }
0x3c: {  	[tilespmem:s7], [sflag:$0x1] =	stream.indirect.gather [hbm4b:s2+s6], $0x80, s3, s6, $0xb8;
	[tilespmem:$0x2880] =	vst v63  }
0x3d: {  	_ =	swait.ge [sflag:s8], $0x2800  }
0x3e: {  	[sflag:s8] =	ssyncset.done $0x0  }
0x3f: {  	[sflag:s8] =	ssyncadd.s32 $0xFFFFD800  }
0x40: {  	[hbm4b:s9+s3] =	stream.linear.scatter [tilespmem:s7], [sflag:$0x2], $0x2800, $0x38;
	[tilespmem:$0x2880] =	vst v63  }
0x41: {  	_ =	swait.ge [sflag:s4], $0x2800  }
0x42: {  	[sflag:s4] =	ssyncset.done $0x0  }
0x43: {  	[sflag:s4] =	ssyncadd.s32 $0xFFFFD800  }
0x44: {  	[tilespmem:s3], [sflag:$0x2] =	stream.linear.gather [hbm4b:s10+s3], $0x50, $0x38;
	[tilespmem:$0x2880] =	vst v63  }
0x45: {  	_ =	swait.ge [sflag:s4], $0x50  }
0x46: {  	[sflag:s4] =	ssyncset.done $0x0  }
0x47: {  	[sflag:s4] =	ssyncadd.s32 $0xFFFFFFB0  }
0x48: {  	[tilespmem:s7], [sflag:$0x1] =	stream.indirect.gather [hbm4b:s2+s6], $0x80, s3, s6, $0xb8;
	[tilespmem:$0x2880] =	vst v63  }
0x49: {  	_ =	swait.ge [sflag:s8], $0x2800  }
0x4a: {  	[sflag:s8] =	ssyncset.done $0x0  }
0x4b: {  	[sflag:s8] =	ssyncadd.s32 $0xFFFFD800  }
0x4c: {  	[hbm4b:s11+s3] =	stream.linear.scatter [tilespmem:s7], [sflag:$0x2], $0x2800, $0x38;
	[tilespmem:$0x2880] =	vst v63  }
0x4d: {  	_ =	swait.ge [sflag:s4], $0x2800  }
0x4e: {  	[sflag:s4] =	ssyncset.done $0x0  }
0x4f: {  	[sflag:s4] =	ssyncadd.s32 $0xFFFFD800  }
0x50: {  	[tilespmem:s3], [sflag:$0x2] =	stream.linear.gather [hbm4b:s12+s3], $0x50, $0x38;
	[tilespmem:$0x2880] =	vst v63  }
0x51: {  	_ =	swait.ge [sflag:s4], $0x50  }
0x52: {  	[sflag:s4] =	ssyncset.done $0x0  }
0x53: {  	[sflag:s4] =	ssyncadd.s32 $0xFFFFFFB0  }
0x54: {  	[tilespmem:s7], [sflag:$0x1] =	stream.indirect.gather [hbm4b:s2+s6], $0x80, s3, s6, $0xb8;
	[tilespmem:$0x2880] =	vst v63  }
0x55: {  	_ =	swait.ge [sflag:s8], $0x2800  }
0x56: {  	[sflag:s8] =	ssyncset.done $0x0  }
0x57: {  	[sflag:s8] =	ssyncadd.s32 $0xFFFFD800  }
0x58: {  	[hbm4b:s13+s3] =	stream.linear.scatter [tilespmem:s7], [sflag:$0x2], $0x2800, $0x38;
	[tilespmem:$0x2880] =	vst v63  }
0x59: {  	_ =	swait.ge [sflag:s4], $0x2800  }
0x5a: {  	[sflag:s4] =	ssyncset.done $0x0  }
0x5b: {  	[sflag:s4] =	ssyncadd.s32 $0xFFFFD800  }
0x5c: {  	[tilespmem:s3], [sflag:$0x2] =	stream.linear.gather [hbm4b:s14+s3], $0x50, $0x38;
	[tilespmem:$0x2880] =	vst v63  }
0x5d: {  	_ =	swait.ge [sflag:s4], $0x50  }
0x5e: {  	[sflag:s4] =	ssyncset.done $0x0  }
0x5f: {  	[sflag:s4] =	ssyncadd.s32 $0xFFFFFFB0  }
0x60: {  	[tilespmem:s7], [sflag:$0x1] =	stream.indirect.gather [hbm4b:s2+s6], $0x80, s3, s6, $0xb8;
	[tilespmem:$0x2880] =	vst v63  }
0x61: {  	_ =	swait.ge [sflag:s8], $0x2800  }
.Ltmp1:
0x62: {  	[sflag:s8] =	ssyncset.done $0x0;
	(pc) =	sbr.rel @p0 .LBB2_1-.Ltmp1, $4  }
0x63: {  	[sflag:s8] =	ssyncadd.s32 $0xFFFFD800  }
0x64: {  	[hbm4b:s15+s3] =	stream.linear.scatter [tilespmem:s7], [sflag:$0x2], $0x2800, $0x38;
	[tilespmem:$0x2880] =	vst v63  }
0x65: {  	_ =	swait.ge [sflag:s4], $0x2800  }
0x66: {  	[sflag:s4] =	ssyncset.done $0x0  }
.LBB2_2:
0x67: {  	[sflag:s4] =	ssyncadd.s32 $0xFFFFD800  }
0x68: {  	_ =	sfence.sel $0x180000  }
0x69: {  	[bflag:$0x0] =	sbarrier.arrive $0xFFFF  }
0x6a: {  	p0 =	sne.s32 s0, $0x0;
	_ =	strace $0x90000047  }
0x6b: {  	s0 =	sadd.s32 @!p0 $0x100000, s1;
	[bflag:$0x2] =	sbarrier.arrive $0xFFFF  }
0x6c: {  	[sflag:s0] =	ssyncadd.tile.s32 @!p0 $0x1;
	_ =	shalt  }
.Lfunc_end2:
_tile_overlayer_lowered:
.L_overlay_start_2:
0x6d: {  	(tag) =	ssettag $0x2  }
0x6e: {  	s0 =	rddreg [dreg:$0x0];
	s2 =	stileid.u32  }
0x6f: {  	s1 =	rddreg [dreg:$0x1];
	p0 =	sne.s32 s2, $0x0  }
0x70: {  	s3 =	rddreg [dreg:$0x2];
	[bflag:$0x3] =	sbarrier.arrive $0xFFFF;
	s2 =	simm.s32 @!p0 $0x1C02  }
0x71: {  	[timem:s3], [sflag:s2] =	dma.local @!p0 [hbm:s0], s1  }
0x72: {  	s0 =	simm.s32 @!p0 $0x2  }
0x73: {  	_ =	swait.ge @!p0 [sflag:s0], s1  }
0x74: {  	s1 =	ssub.s32 @!p0 $0x0, s1;
	[sflag:s0] =	ssyncset.done @!p0 $0x0  }
0x75: {  	[sflag:s0] =	ssyncadd.s32 @!p0 s1  }
0x76: {  	[bflag:$0x3] =	sbarrier.arrive $0xFFFF  }
0x77: {  	_ =	shalt  }

// kernel: kernel.16.cloned.1.call-start
scs
__scs_entry_jumppad:
0x0: {  	(pc) =	sbr.rel $0x88, $3  }
0x1: {  	(tag) =	ssettag $0x0;
	lr =	simm.s32 $0x1  }
0x2: {  	[smem:$0x3F98] =	sst lr;
	_ =	strace $0xD0000000  }
0x3: {  	_ = 	snop  }
0x4: {  	_ = 	snop  }
0x5: {  	_ = 	snop  }
0x6: {  	_ = 	snop  }
0x7: {  	_ = 	snop  }
__scs_overlays_trampoline_lowered:
0x8: {  	[smem:$0x3FA7] =	sst s0  }
0x9: {  	[smem:$0x3FA8] =	sst s1  }
0xa: {  	[smem:$0x3FA9] =	sst s2  }
0xb: {  	[smem:$0x3FAA] =	sst s3  }
0xc: {  	[smem:$0x3FAB] =	sst s4  }
0xd: {  	[smem:$0x3FAC] =	sst s5  }
0xe: {  	[smem:$0x3FAD] =	sst s6  }
0xf: {  	[smem:$0x3FAE] =	sst s7  }
0x10: {  	[smem:$0x3FAF] =	sst s8  }
0x11: {  	[smem:$0x3FB0] =	sst s9;
	s0 =	simm.s32 @!p0 $0x0  }
0x12: {  	s1 =	sld [smem:$0x3F96];
	s0 =	simm.s32 @p0 $0x1  }
0x13: {  	[smem:$0x3FB1] =	sst s0;
	s0 =	simm.s32 @!p1 $0x0  }
0x14: {  	s2 =	sld [smem:$0x3F95];
	s0 =	simm.s32 @p1 $0x1  }
0x15: {  	[smem:$0x3FB2] =	sst s0;
	s0 =	simm.s32 @!p2 $0x0  }
0x16: {  	s3 =	sld [smem:$0x3FDB];
	s0 =	simm.s32 @p2 $0x1  }
0x17: {  	s4 =	simm.s32 $0x1BF5;
	[smem:$0x3FB4] =	sst s0  }
0x18: {  	s0 =	sld [smem:$0x3F97];
	_ =	swait.ge [sflag:s4], $0x0  }
0x19: {  	s7 =	sld [smem:$0x3F98]  }
0x1a: {  	s8 =	sadd.s32 $0xFFFFE003, lr  }
0x1b: {  	s9 =	sadd.s32 $0xFFFFFEF7, lr;
	s5 =	simm.s32 $0xFFFFFFFF;
	p2 =	slt.u32 s8, $0xFFFFF086  }
0x1c: {  	p1 =	slt.u32 s9, $0xF7A;
	s5 =	simm.s32 @!p2 $0x0  }
0x1d: {  	s5 =	simm.s32 @p1 $0x1;
	p0 =	seq.s32 s7, s2  }
0x1e: {  	s7 =	smul.u32 @!p0 $0xF7A, s2;
	p2 =	seq.s32 @!p0 s5, $0x0  }
0x1f: {  	s9 =	smul.u32 $0xF7A, s1;
	s8 =	simm.s32 @!p0 $0x1BF5;
	p2 =	por !p2, p0  }
0x20: {  	[sflag:s8] =	ssyncset.s32 @!p0 $0xFFFFF086;
	s6 =	sadd.s32 @!p0 s3, s7;
	s7 =	simm.s32 @!p0 $0x108  }
0x21: {  	s3 =	sadd.s32 s3, s9;
	s6 =	sadd.s32 @!p0 $0x88, s6;
	s7 =	simm.s32 @p2 $0x1082  }
0x22: {  	[simem:s7], [sflag:s8] =	dma.local @!p0 [hbm:s6], $0xF7A  }
0x23: {  	s9 =	sor.u32 $0xD0000000, s2;
	s6 =	simm.s32 $0x108;
	_ =	swait.ge @!p0 [sflag:s8], $0x0  }
0x24: {  	s3 =	sadd.s32 $0x88, s3;
	s6 =	simm.s32 @!p1 $0x1082;
	[sflag:s4] =	ssyncset.s32 $0xFFFFF086  }
0x25: {  	[simem:s6], [sflag:s4] =	dma.local [hbm:s3], $0xF7A  }
0x26: {  	[smem:$0x3F98] =	sst s1;
	(tag) =	ssettag s2;
	_ =	strace s9  }
0x27: {  	s1 =	sld [smem:$0x3FA8]  }
0x28: {  	s2 =	sld [smem:$0x3FA9]  }
0x29: {  	s4 =	sld [smem:$0x3FAB]  }
0x2a: {  	p0 =	seq.s32 s5, $0x0;
	s5 =	sld [smem:$0x3FAC]  }
0x2b: {  	s6 =	sld [smem:$0x3FAD]  }
0x2c: {  	s7 =	sld [smem:$0x3FAE]  }
0x2d: {  	s3 =	simm.s32 $0x108;
	s8 =	sld [smem:$0x3FAF]  }
0x2e: {  	s3 =	simm.s32 @!p0 $0x1082;
	s9 =	sld [smem:$0x3FB0]  }
0x2f: {  	lr =	sadd.s32 s0, s3;
	s0 =	sld [smem:$0x3FA7]  }
0x30: {  	s3 =	sld [smem:$0x3FAA]  }
0x31: {  	[smem:$0x3FB3] =	sst s10  }
0x32: {  	s10 =	sld [smem:$0x3FB1];
	_ =	sdelay $0x3  }
0x33: {  	p0 =	seq.s32 s10, $0x1;
	s10 =	sld [smem:$0x3FB3];
	_ =	sdelay $0x3  }
0x34: {  	[smem:$0x3FB3] =	sst s10  }
0x35: {  	s10 =	sld [smem:$0x3FB2];
	_ =	sdelay $0x3  }
0x36: {  	p1 =	seq.s32 s10, $0x1;
	s10 =	sld [smem:$0x3FB3];
	_ =	sdelay $0x3  }
0x37: {  	[smem:$0x3FB3] =	sst s10  }
0x38: {  	s10 =	sld [smem:$0x3FB4]  }
0x39: {  	_ = 	snop;
	(pc) =	sbr.ind lr, $3  }
0x3a: {  	_ = 	snop  }
0x3b: {  	_ = 	snop  }
0x3c: {  	p2 =	seq.s32 s10, $0x1;
	s10 =	sld [smem:$0x3FB3]  }
0x3d: {  	_ =	shalt  }
0x3e: {  	_ =	shalt  }
0x3f: {  	_ =	shalt  }
0x40: {  	_ =	shalt  }
0x41: {  	_ =	shalt  }
0x42: {  	_ =	shalt  }
0x43: {  	_ =	shalt  }
0x44: {  	_ =	shalt  }
0x45: {  	_ =	shalt  }
0x46: {  	_ =	shalt  }
0x47: {  	_ =	shalt  }
0x48: {  	_ =	shalt  }
0x49: {  	_ =	shalt  }
0x4a: {  	_ =	shalt  }
0x4b: {  	_ =	shalt  }
0x4c: {  	_ =	shalt  }
0x4d: {  	_ =	shalt  }
0x4e: {  	_ =	shalt  }
0x4f: {  	_ =	shalt  }
0x50: {  	_ =	shalt  }
0x51: {  	_ =	shalt  }
0x52: {  	_ =	shalt  }
0x53: {  	_ =	shalt  }
0x54: {  	_ =	shalt  }
0x55: {  	_ =	shalt  }
0x56: {  	_ =	shalt  }
0x57: {  	_ =	shalt  }
0x58: {  	_ =	shalt  }
0x59: {  	_ =	shalt  }
0x5a: {  	_ =	shalt  }
0x5b: {  	_ =	shalt  }
0x5c: {  	_ =	shalt  }
0x5d: {  	_ =	shalt  }
0x5e: {  	_ =	shalt  }
0x5f: {  	_ =	shalt  }
0x60: {  	_ =	shalt  }
0x61: {  	_ =	shalt  }
0x62: {  	_ =	shalt  }
0x63: {  	_ =	shalt  }
0x64: {  	_ =	shalt  }
0x65: {  	_ =	shalt  }
0x66: {  	_ =	shalt  }
0x67: {  	_ =	shalt  }
0x68: {  	_ =	shalt  }
0x69: {  	_ =	shalt  }
0x6a: {  	_ =	shalt  }
0x6b: {  	_ =	shalt  }
0x6c: {  	_ =	shalt  }
0x6d: {  	_ =	shalt  }
0x6e: {  	_ =	shalt  }
0x6f: {  	_ =	shalt  }
0x70: {  	_ =	shalt  }
0x71: {  	_ =	shalt  }
0x72: {  	_ =	shalt  }
0x73: {  	_ =	shalt  }
0x74: {  	_ =	shalt  }
0x75: {  	_ =	shalt  }
0x76: {  	_ =	shalt  }
0x77: {  	_ =	shalt  }
0x78: {  	_ =	shalt  }
0x79: {  	_ =	shalt  }
0x7a: {  	_ =	shalt  }
0x7b: {  	_ =	shalt  }
0x7c: {  	_ =	shalt  }
0x7d: {  	_ =	shalt  }
0x7e: {  	_ =	shalt  }
0x7f: {  	_ =	shalt  }
0x80: {  	_ =	shalt  }
0x81: {  	_ =	shalt  }
0x82: {  	_ =	shalt  }
0x83: {  	_ =	shalt  }
0x84: {  	_ =	shalt  }
0x85: {  	_ =	shalt  }
0x86: {  	_ =	shalt  }
0x87: {  	_ =	shalt  }
.Lfunc_end0:
.L_simem_size_0:
called_computation.1_lowered:
.L_overlay_start_0:
0x88: {  	s2 =	sld [smem:$0x3FD9]  }
0x89: {  	s3 =	sld [smem:$0x3FFE];
	_ =	sdelay $0x1  }
0x8a: {  	s1 =	srdreg.scid  }
0x8b: {  	s0 =	sand.u32 $0x1, s1  }
0x8c: {  	s17 =	sshll.u32 s0, $0xA;
	s2 =	sadd.s32 s3, s2  }
0x8d: {  	s2 =	sadd.s32 s2, s17  }
0x8e: {  	[smem:$0x3FBF] =	sst s2  }
0x8f: {  	_ = 	snop  }
0x90: {  	s2 =	sld [smem:$0x3FD0];
	(tm) =	ssettm $0x1  }
0x91: {  	s18 =	sld [smem:$0x3FFB];
	_ =	sdelay $0x3  }
0x92: {  	_ =	strace s18  }
0x93: {  	s3 =	sld [smem:$0x3FFC];
	_ =	sdelay $0x3  }
0x94: {  	_ =	strace s3  }
0x95: {  	s3 =	sld [smem:$0x3FFD];
	_ =	sdelay $0x3  }
0x96: {  	_ =	strace s3  }
0x97: {  	_ =	strace $0x8FFFFFFF  }
0x98: {  	s19 =	sld [smem:$0x3FDB];
	_ =	sdelay $0x1  }
0x99: {  	s4 =	simm.s32 $_scs_section_size  }
0x9a: {  	s5 =	simm.s32 $_size__tile_overlayer_lowered;
	s6 =	simm.s32 $_tile_overlayer_lowered  }
0x9b: {  	s22 =	simm.s32 $0x1BFF;
	s21 =	sshll.u32 s6, $0x1;
	s3 =	sadd.s32 s4, s19  }
0x9c: {  	s7 =	simm.s32 $0x0;
	s20 =	sshll.u32 s5, $0x1;
	s5 =	sadd.s32 s21, s3  }
0x9d: {  	[timem:s7], [sflag:s22] =	dma.local [hbm:s5], s20  }
0x9e: {  	_ =	swait.ge [sflag:s22], s20  }
0x9f: {  	s4 =	ssub.s32 $0x0, s20;
	[sflag:s22] =	ssyncset.done $0x0  }
0xa0: {  	[sflag:s22] =	ssyncadd.s32 s4;
	_ =	sdelay $0x1  }
0xa1: {  	s23 =	simm.s32 $0x1B8B  }
0xa2: {  	_ =	swait.ge [sflag:s23], $0x1  }
0xa3: {  	[sflag:s23] =	ssyncset.done $0x0  }
0xa4: {  	s25 =	simm.s32 $0x1B8E;
	s24 =	sld [smem:$0x3FFE];
	[sflag:s23] =	ssyncadd.s32 $0xFFFFFFFF  }
0xa5: {  	s26 =	simm.s32 $execute0_lowered;
	[smem:$0x3FD2] =	sst s25  }
0xa6: {  	s5 =	sshll.u32 s26, $0x1;
	_ =	strace $0x80000049;
	[dreg:$0x1] =	wrdreg $0xFFFFFFFF  }
0xa7: {  	s28 =	simm.s32 $_size_execute0_lowered;
	s3 =	sadd.s32 s3, s5;
	[dreg:$0x0] =	wrdreg $0x0  }
0xa8: {  	s5 =	sshll.u32 s28, $0x1;
	[dreg:$0x2] =	wrdreg s3  }
0xa9: {  	[dreg:$0x3] =	wrdreg s5  }
0xaa: {  	[dreg:$0x4] =	wrdreg $0xC0  }
0xab: {  	_ =	task [dreg:s7], $0x5FFFF  }
0xac: {  	[dreg:$0x1] =	wrdreg $0xFFFFFFFF  }
0xad: {  	[dreg:$0x0] =	wrdreg $0x60  }
0xae: {  	[dreg:$0x2] =	wrdreg s24  }
0xaf: {  	[dreg:$0x3] =	wrdreg s2  }
0xb0: {  	[dreg:$0x4] =	wrdreg $0x41000  }
0xb1: {  	[dreg:$0x5] =	wrdreg $0x9  }
0xb2: {  	_ =	task.clear_ibuf [dreg:s7], $0x6FFFF;
	_ =	strace $0x90000049  }
0xb3: {  	s29 =	simm.s32 $0x9;
	_ =	strace $0x8000004B  }
0xb4: {  	_ =	swait.ge [sflag:s29], $0x1  }
0xb5: {  	[sflag:s29] =	ssyncadd.s32 $0xFFFFFFFF  }
0xb6: {  	_ =	strace $0x9000004B  }
0xb7: {  	_ =	sfence  }
0xb8: {  	s30 =	sld [smem:$0x0];
	_ =	sdelay $0x2  }
0xb9: {  	s31 =	sshll.u32 s1, $0xD;
	s1 =	sshrl.u32 s1, $0x2  }
0xba: {  	s3 =	sand.u32 $0x4000, s31;
	s1 =	sadd.s32 s1, s30  }
0xbb: {  	s0 =	sor.u32 s3, s0;
	s1 =	sshll.u32 s1, $0x11  }
0xbc: {  	s0 =	sor.u32 s1, s0  }
0xbd: {  	s0 =	sadd.s32 $0x8F2B, s0  }
0xbe: {  	[sflag:s0] =	ssyncadd.remote.s32 $0x1  }
0xbf: {  	_ =	sfence.sel $0xFFFF  }
0xc0: {  	[dreg:$0x0] =	wrdreg $0xFFFFFFFF;
	(pc) =	sbr.abs _section_cstart, $3  }
0xc1: {  	[dreg:$0x1] =	wrdreg $0xFFFFFFFF  }
0xc2: {  	_ =	task.clear_ibuf [dreg:s7], $0x2FFFF;
	_ =	strace $0x9FFFFFFF  }
0xc3: {  	(tm) =	ssettm $0x7FFFFFFF  }
tec
execute0_lowered:
.L_overlay_start_1:
0x0: {  	(tag) =	ssettag $0x1  }
0x1: {  	s5 =	rddreg [dreg:$0x0]  }
0x2: {  	s8 =	rddreg [dreg:$0x1]  }
0x3: {  	s2 =	rddreg [dreg:$0x2]  }
0x4: {  	s0 =	rddreg [dreg:$0x3]  }
0x5: {  	s3 =	simm.s32 $0x0;
	s1 =	stileid.u32;
	s4 =	srdreg.scid  }
0x6: {  	s15 =	simm.s32 $0x1;
	s16 =	simm.s32 $0x0;
	s7 =	smul.u32 $0x2800, s1  }
0x7: {  	[smem:$0x7FF] =	sst s3;
	s6 =	sand.u32 $0x1, s4;
	s11 =	smul.u32 $0x9E0, s1  }
0x8: {  	s4 =	sadd.s32 $0x4000, s5;
	s10 =	sadd.s32 $0x35E00, s5;
	s13 =	smul.u32 $0x50000, s1  }
0x9: {  	s30 =	sshll.u32 s1, $0x6;
	_ =	strace $0x8000004A;
	s9 =	smul.u32 $0x28000, s6  }
0xa: {  	s12 =	ssub.s32 $0x2, s6;
	p0 =	seq.s32 s6, $0x1;
	s29 =	smul.u32 $0x4F0, s6  }
0xb: {  	s14 =	sadd.s32 s11, s5;
	s26 =	sshrl.u32 s12, $0x1;
	s28 =	sshrl.u32 s13, $0x2  }
0xc: {  	s13 =	smov.u32 s4;
	s11 =	sadd.s32 s11, s8;
	s8 =	sor.u32 $0x1C02, s30  }
0xd: {  	s9 =	sadd.s32 s7, s9;
	s13 =	smov.u32 @p0 s10;
	s31 =	sadd.s32 s29, s14  }
0xe: {  	s10 =	sadd.s32 s29, s11;
	s14 =	simm.s32 $0x100;
	s5 =	sadd.s32 s9, s5  }
0xf: {  	s9 =	ssub.s32 s12, s26;
	s12 =	sadd.s32 s28, s2;
	s7 =	sadd.s32 s13, s7  }
0x10: {  	s13 =	simm.s32 $0x80;
	s5 =	sadd.s32 $0x5DE00, s5;
	s6 =	smax.u32 s9, $0x1  }
0x11: {  	s9 =	sadd.s32 $0x2C000, s31;
	s11 =	sshrl.u32 s12, $0x3;
	s12 =	simm.s32 $0x2  }
.LBB2_1:
0x12: {  	[spmem:s11], [sflag:s8] =	dma.local [hbm:s7], $0x2800  }
0x13: {  	_ =	swait.ge [sflag:s12], $0x2800  }
0x14: {  	[sflag:s12] =	ssyncset.done $0x0  }
0x15: {  	[sflag:s12] =	ssyncadd.s32 $0xFFFFD800  }
0x16: {  	s17 =	sadd.s32 $0x0, s10;
	[bflag:$0x0] =	sbarrier.arrive $0xFFFF  }
0x17: {  	[tilespmem:s3], [sflag:$0x2] =	stream.linear.gather [hbm4b:s17+s3], $0x80, $0x38;
	[tilespmem:$0x18100] =	vst v63  }
0x18: {  	_ =	swait.ge [sflag:s12], $0x80  }
0x19: {  	[sflag:s12] =	ssyncset.done $0x0  }
0x1a: {  	s31 =	sadd.s32 $0x0, s9;
	[sflag:s12] =	ssyncadd.s32 $0xFFFFFF80  }
0x1b: {  	[tilespmem:s13], [sflag:$0x2] =	stream.linear.gather [hbm4b:s31+s3], $0x80, $0x38;
	[tilespmem:$0x18100] =	vst v63  }
0x1c: {  	_ =	swait.ge [sflag:s12], $0x80  }
0x1d: {  	[sflag:s12] =	ssyncset.done $0x0  }
0x1e: {  	[sflag:s12] =	ssyncadd.s32 $0xFFFFFF80  }
0x1f: {  	[tilespmem:s14], [sflag:$0x1] =	stream.indirect.gather [hbm4b:s4+s13], $0x80, s3, s13, $0xb8;
	[tilespmem:$0x18100] =	vst v63  }
0x20: {  	_ =	swait.ge [sflag:s15], $0x4000  }
0x21: {  	[sflag:s15] =	ssyncset.done $0x0  }
0x22: {  	[sflag:s15] =	ssyncadd.s32 $0xFFFFC000  }
0x23: {  	[spmem:s2] =	stream.indirect.scatter.add.f32 [tilespmem:s14], [sflag:$0x2], $0x80, s13, s13, $0xb8;
	[tilespmem:$0x18100] =	vst v63  }
0x24: {  	_ =	swait.ge [sflag:s12], $0x4000  }
0x25: {  	s18 =	simm.s32 $0x20;
	s17 =	simm.s32 $0x10;
	[sflag:s12] =	ssyncset.done $0x0  }
.LBB2_2:
0x26: {  	s19 =	sadd.s32 s17, s10  }
0x27: {  	[sflag:s12] =	ssyncadd.s32 $0xFFFFC000;
	s20 =	smov.u32 s18;
	s21 =	sadd.s32 $0x10, s18  }
0x28: {  	[tilespmem:s3], [sflag:$0x2] =	stream.linear.gather [hbm4b:s19+s3], $0x80, $0x38;
	[tilespmem:$0x18100] =	vst v63  }
0x29: {  	p0 =	sne.s32 s18, $0x4E0;
	_ =	swait.ge [sflag:s12], $0x80  }
0x2a: {  	[sflag:s12] =	ssyncset.done $0x0  }
0x2b: {  	s18 =	sadd.s32 s17, s9;
	s17 =	smov.u32 s20;
	[sflag:s12] =	ssyncadd.s32 $0xFFFFFF80  }
0x2c: {  	[tilespmem:s13], [sflag:$0x2] =	stream.linear.gather [hbm4b:s18+s3], $0x80, $0x38;
	[tilespmem:$0x18100] =	vst v63  }
0x2d: {  	_ =	swait.ge [sflag:s12], $0x80  }
0x2e: {  	[sflag:s12] =	ssyncset.done $0x0  }
0x2f: {  	[sflag:s12] =	ssyncadd.s32 $0xFFFFFF80  }
0x30: {  	[tilespmem:s14], [sflag:$0x1] =	stream.indirect.gather [hbm4b:s4+s13], $0x80, s3, s13, $0xb8;
	[tilespmem:$0x18100] =	vst v63  }
0x31: {  	_ =	swait.ge [sflag:s15], $0x4000  }
.Ltmp0:
0x32: {  	[sflag:s15] =	ssyncset.done $0x0;
	(pc) =	sbr.rel @p0 .LBB2_2-.Ltmp0, $4  }
0x33: {  	[sflag:s15] =	ssyncadd.s32 $0xFFFFC000  }
0x34: {  	[spmem:s2] =	stream.indirect.scatter.add.f32 [tilespmem:s14], [sflag:$0x2], $0x80, s13, s13, $0xb8;
	[tilespmem:$0x18100] =	vst v63  }
0x35: {  	_ =	swait.ge [sflag:s12], $0x4000  }
0x36: {  	s18 =	smov.u32 s21;
	[sflag:s12] =	ssyncset.done $0x0  }
0x37: {  	s18 =	sadd.s32 s17, s10;
	[sflag:s12] =	ssyncadd.s32 $0xFFFFC000  }
0x38: {  	[tilespmem:s3], [sflag:$0x2] =	stream.linear.gather [hbm4b:s18+s3], $0x80, $0x38;
	[tilespmem:$0x18100] =	vst v63  }
0x39: {  	_ =	swait.ge [sflag:s12], $0x80  }
0x3a: {  	[sflag:s12] =	ssyncset.done $0x0  }
0x3b: {  	s31 =	sadd.s32 s17, s9;
	[sflag:s12] =	ssyncadd.s32 $0xFFFFFF80  }
0x3c: {  	[tilespmem:s13], [sflag:$0x2] =	stream.linear.gather [hbm4b:s31+s3], $0x80, $0x38;
	[tilespmem:$0x18100] =	vst v63  }
0x3d: {  	_ =	swait.ge [sflag:s12], $0x80  }
0x3e: {  	[sflag:s12] =	ssyncset.done $0x0  }
0x3f: {  	[sflag:s12] =	ssyncadd.s32 $0xFFFFFF80  }
0x40: {  	[tilespmem:s14], [sflag:$0x1] =	stream.indirect.gather [hbm4b:s4+s13], $0x80, s3, s13, $0xb8;
	[tilespmem:$0x18100] =	vst v63  }
0x41: {  	_ =	swait.ge [sflag:s15], $0x4000  }
0x42: {  	[sflag:s15] =	ssyncset.done $0x0  }
0x43: {  	[sflag:s15] =	ssyncadd.s32 $0xFFFFC000  }
0x44: {  	[spmem:s2] =	stream.indirect.scatter.add.f32 [tilespmem:s14], [sflag:$0x2], $0x80, s13, s13, $0xb8;
	[tilespmem:$0x18100] =	vst v63  }
0x45: {  	_ =	swait.ge [sflag:s12], $0x4000  }
0x46: {  	s16 =	sadd.s32 $0x1, s16;
	[sflag:s12] =	ssyncset.done $0x0  }
0x47: {  	p0 =	sne.s32 s16, s6;
	[sflag:s12] =	ssyncadd.s32 $0xFFFFC000  }
.Ltmp1:
0x48: {  	[bflag:$0x0] =	sbarrier.arrive $0xFFFF;
	(pc) =	sbr.rel @p0 .LBB2_1-.Ltmp1, $4  }
0x49: {  	[hbm:s5], [sflag:s8] =	dma.local [spmem:s11], $0x2800  }
0x4a: {  	_ =	swait.ge [sflag:s12], $0x2800  }
0x4b: {  	[sflag:s12] =	ssyncset.done $0x0  }
0x4c: {  	[sflag:s12] =	ssyncadd.s32 $0xFFFFD800  }
0x4d: {  	_ =	sfence.sel $0x180000  }
0x4e: {  	[bflag:$0x0] =	sbarrier.arrive $0xFFFF  }
0x4f: {  	p0 =	sne.s32 s1, $0x0;
	_ =	strace $0x9000004A  }
0x50: {  	s0 =	sadd.s32 @!p0 $0x100000, s0;
	[bflag:$0x2] =	sbarrier.arrive $0xFFFF  }
0x51: {  	[sflag:s0] =	ssyncadd.tile.s32 @!p0 $0x1;
	_ =	shalt  }
.Lfunc_end2:
_tile_overlayer_lowered:
.L_overlay_start_2:
0x52: {  	(tag) =	ssettag $0x2  }
0x53: {  	s0 =	rddreg [dreg:$0x0];
	s2 =	stileid.u32  }
0x54: {  	s1 =	rddreg [dreg:$0x1];
	p0 =	sne.s32 s2, $0x0  }
0x55: {  	s3 =	rddreg [dreg:$0x2];
	[bflag:$0x3] =	sbarrier.arrive $0xFFFF;
	s2 =	simm.s32 @!p0 $0x1C02  }
0x56: {  	[timem:s3], [sflag:s2] =	dma.local @!p0 [hbm:s0], s1  }
0x57: {  	s0 =	simm.s32 @!p0 $0x2  }
0x58: {  	_ =	swait.ge @!p0 [sflag:s0], s1  }
0x59: {  	s1 =	ssub.s32 @!p0 $0x0, s1;
	[sflag:s0] =	ssyncset.done @!p0 $0x0  }
0x5a: {  	[sflag:s0] =	ssyncadd.s32 @!p0 s1  }
0x5b: {  	[bflag:$0x3] =	sbarrier.arrive $0xFFFF  }
0x5c: {  	_ =	shalt  }

// kernel: kernel.19.cloned.1.call-start
scs
__scs_entry_jumppad:
0x0: {  	(pc) =	sbr.rel $0x88, $3  }
0x1: {  	(tag) =	ssettag $0x0;
	lr =	simm.s32 $0x1  }
0x2: {  	[smem:$0x3F98] =	sst lr;
	_ =	strace $0xD0000000  }
0x3: {  	_ = 	snop  }
0x4: {  	_ = 	snop  }
0x5: {  	_ = 	snop  }
0x6: {  	_ = 	snop  }
0x7: {  	_ = 	snop  }
__scs_overlays_trampoline_lowered:
0x8: {  	[smem:$0x3FA7] =	sst s0  }
0x9: {  	[smem:$0x3FA8] =	sst s1  }
0xa: {  	[smem:$0x3FA9] =	sst s2  }
0xb: {  	[smem:$0x3FAA] =	sst s3  }
0xc: {  	[smem:$0x3FAB] =	sst s4  }
0xd: {  	[smem:$0x3FAC] =	sst s5  }
0xe: {  	[smem:$0x3FAD] =	sst s6  }
0xf: {  	[smem:$0x3FAE] =	sst s7  }
0x10: {  	[smem:$0x3FAF] =	sst s8  }
0x11: {  	[smem:$0x3FB0] =	sst s9;
	s0 =	simm.s32 @!p0 $0x0  }
0x12: {  	s1 =	sld [smem:$0x3F96];
	s0 =	simm.s32 @p0 $0x1  }
0x13: {  	[smem:$0x3FB1] =	sst s0;
	s0 =	simm.s32 @!p1 $0x0  }
0x14: {  	s2 =	sld [smem:$0x3F95];
	s0 =	simm.s32 @p1 $0x1  }
0x15: {  	[smem:$0x3FB2] =	sst s0;
	s0 =	simm.s32 @!p2 $0x0  }
0x16: {  	s3 =	sld [smem:$0x3FDB];
	s0 =	simm.s32 @p2 $0x1  }
0x17: {  	s4 =	simm.s32 $0x1BF5;
	[smem:$0x3FB4] =	sst s0  }
0x18: {  	s0 =	sld [smem:$0x3F97];
	_ =	swait.ge [sflag:s4], $0x0  }
0x19: {  	s7 =	sld [smem:$0x3F98]  }
0x1a: {  	s8 =	sadd.s32 $0xFFFFE003, lr  }
0x1b: {  	s9 =	sadd.s32 $0xFFFFFEF7, lr;
	s5 =	simm.s32 $0xFFFFFFFF;
	p2 =	slt.u32 s8, $0xFFFFF086  }
0x1c: {  	p1 =	slt.u32 s9, $0xF7A;
	s5 =	simm.s32 @!p2 $0x0  }
0x1d: {  	s5 =	simm.s32 @p1 $0x1;
	p0 =	seq.s32 s7, s2  }
0x1e: {  	s7 =	smul.u32 @!p0 $0xF7A, s2;
	p2 =	seq.s32 @!p0 s5, $0x0  }
0x1f: {  	s9 =	smul.u32 $0xF7A, s1;
	s8 =	simm.s32 @!p0 $0x1BF5;
	p2 =	por !p2, p0  }
0x20: {  	[sflag:s8] =	ssyncset.s32 @!p0 $0xFFFFF086;
	s6 =	sadd.s32 @!p0 s3, s7;
	s7 =	simm.s32 @!p0 $0x108  }
0x21: {  	s3 =	sadd.s32 s3, s9;
	s6 =	sadd.s32 @!p0 $0x88, s6;
	s7 =	simm.s32 @p2 $0x1082  }
0x22: {  	[simem:s7], [sflag:s8] =	dma.local @!p0 [hbm:s6], $0xF7A  }
0x23: {  	s9 =	sor.u32 $0xD0000000, s2;
	s6 =	simm.s32 $0x108;
	_ =	swait.ge @!p0 [sflag:s8], $0x0  }
0x24: {  	s3 =	sadd.s32 $0x88, s3;
	s6 =	simm.s32 @!p1 $0x1082;
	[sflag:s4] =	ssyncset.s32 $0xFFFFF086  }
0x25: {  	[simem:s6], [sflag:s4] =	dma.local [hbm:s3], $0xF7A  }
0x26: {  	[smem:$0x3F98] =	sst s1;
	(tag) =	ssettag s2;
	_ =	strace s9  }
0x27: {  	s1 =	sld [smem:$0x3FA8]  }
0x28: {  	s2 =	sld [smem:$0x3FA9]  }
0x29: {  	s4 =	sld [smem:$0x3FAB]  }
0x2a: {  	p0 =	seq.s32 s5, $0x0;
	s5 =	sld [smem:$0x3FAC]  }
0x2b: {  	s6 =	sld [smem:$0x3FAD]  }
0x2c: {  	s7 =	sld [smem:$0x3FAE]  }
0x2d: {  	s3 =	simm.s32 $0x108;
	s8 =	sld [smem:$0x3FAF]  }
0x2e: {  	s3 =	simm.s32 @!p0 $0x1082;
	s9 =	sld [smem:$0x3FB0]  }
0x2f: {  	lr =	sadd.s32 s0, s3;
	s0 =	sld [smem:$0x3FA7]  }
0x30: {  	s3 =	sld [smem:$0x3FAA]  }
0x31: {  	[smem:$0x3FB3] =	sst s10  }
0x32: {  	s10 =	sld [smem:$0x3FB1];
	_ =	sdelay $0x3  }
0x33: {  	p0 =	seq.s32 s10, $0x1;
	s10 =	sld [smem:$0x3FB3];
	_ =	sdelay $0x3  }
0x34: {  	[smem:$0x3FB3] =	sst s10  }
0x35: {  	s10 =	sld [smem:$0x3FB2];
	_ =	sdelay $0x3  }
0x36: {  	p1 =	seq.s32 s10, $0x1;
	s10 =	sld [smem:$0x3FB3];
	_ =	sdelay $0x3  }
0x37: {  	[smem:$0x3FB3] =	sst s10  }
0x38: {  	s10 =	sld [smem:$0x3FB4]  }
0x39: {  	_ = 	snop;
	(pc) =	sbr.ind lr, $3  }
0x3a: {  	_ = 	snop  }
0x3b: {  	_ = 	snop  }
0x3c: {  	p2 =	seq.s32 s10, $0x1;
	s10 =	sld [smem:$0x3FB3]  }
0x3d: {  	_ =	shalt  }
0x3e: {  	_ =	shalt  }
0x3f: {  	_ =	shalt  }
0x40: {  	_ =	shalt  }
0x41: {  	_ =	shalt  }
0x42: {  	_ =	shalt  }
0x43: {  	_ =	shalt  }
0x44: {  	_ =	shalt  }
0x45: {  	_ =	shalt  }
0x46: {  	_ =	shalt  }
0x47: {  	_ =	shalt  }
0x48: {  	_ =	shalt  }
0x49: {  	_ =	shalt  }
0x4a: {  	_ =	shalt  }
0x4b: {  	_ =	shalt  }
0x4c: {  	_ =	shalt  }
0x4d: {  	_ =	shalt  }
0x4e: {  	_ =	shalt  }
0x4f: {  	_ =	shalt  }
0x50: {  	_ =	shalt  }
0x51: {  	_ =	shalt  }
0x52: {  	_ =	shalt  }
0x53: {  	_ =	shalt  }
0x54: {  	_ =	shalt  }
0x55: {  	_ =	shalt  }
0x56: {  	_ =	shalt  }
0x57: {  	_ =	shalt  }
0x58: {  	_ =	shalt  }
0x59: {  	_ =	shalt  }
0x5a: {  	_ =	shalt  }
0x5b: {  	_ =	shalt  }
0x5c: {  	_ =	shalt  }
0x5d: {  	_ =	shalt  }
0x5e: {  	_ =	shalt  }
0x5f: {  	_ =	shalt  }
0x60: {  	_ =	shalt  }
0x61: {  	_ =	shalt  }
0x62: {  	_ =	shalt  }
0x63: {  	_ =	shalt  }
0x64: {  	_ =	shalt  }
0x65: {  	_ =	shalt  }
0x66: {  	_ =	shalt  }
0x67: {  	_ =	shalt  }
0x68: {  	_ =	shalt  }
0x69: {  	_ =	shalt  }
0x6a: {  	_ =	shalt  }
0x6b: {  	_ =	shalt  }
0x6c: {  	_ =	shalt  }
0x6d: {  	_ =	shalt  }
0x6e: {  	_ =	shalt  }
0x6f: {  	_ =	shalt  }
0x70: {  	_ =	shalt  }
0x71: {  	_ =	shalt  }
0x72: {  	_ =	shalt  }
0x73: {  	_ =	shalt  }
0x74: {  	_ =	shalt  }
0x75: {  	_ =	shalt  }
0x76: {  	_ =	shalt  }
0x77: {  	_ =	shalt  }
0x78: {  	_ =	shalt  }
0x79: {  	_ =	shalt  }
0x7a: {  	_ =	shalt  }
0x7b: {  	_ =	shalt  }
0x7c: {  	_ =	shalt  }
0x7d: {  	_ =	shalt  }
0x7e: {  	_ =	shalt  }
0x7f: {  	_ =	shalt  }
0x80: {  	_ =	shalt  }
0x81: {  	_ =	shalt  }
0x82: {  	_ =	shalt  }
0x83: {  	_ =	shalt  }
0x84: {  	_ =	shalt  }
0x85: {  	_ =	shalt  }
0x86: {  	_ =	shalt  }
0x87: {  	_ =	shalt  }
.Lfunc_end0:
.L_simem_size_0:
called_computation.2_lowered:
.L_overlay_start_0:
0x88: {  	s2 =	sld [smem:$0x3FD9]  }
0x89: {  	s3 =	sld [smem:$0x3FFE];
	_ =	sdelay $0x1  }
0x8a: {  	s1 =	srdreg.scid  }
0x8b: {  	s0 =	sand.u32 $0x1, s1  }
0x8c: {  	s17 =	sshll.u32 s0, $0xA;
	s2 =	sadd.s32 s3, s2  }
0x8d: {  	s2 =	sadd.s32 s2, s17  }
0x8e: {  	[smem:$0x3FBF] =	sst s2  }
0x8f: {  	_ = 	snop  }
0x90: {  	s2 =	sld [smem:$0x3FD0];
	(tm) =	ssettm $0x1  }
0x91: {  	s18 =	sld [smem:$0x3FFB];
	_ =	sdelay $0x3  }
0x92: {  	_ =	strace s18  }
0x93: {  	s3 =	sld [smem:$0x3FFC];
	_ =	sdelay $0x3  }
0x94: {  	_ =	strace s3  }
0x95: {  	s3 =	sld [smem:$0x3FFD];
	_ =	sdelay $0x3  }
0x96: {  	_ =	strace s3  }
0x97: {  	_ =	strace $0x8FFFFFFF  }
0x98: {  	s19 =	sld [smem:$0x3FDB];
	_ =	sdelay $0x1  }
0x99: {  	s4 =	simm.s32 $_scs_section_size  }
0x9a: {  	s5 =	simm.s32 $_size__tile_overlayer_lowered;
	s6 =	simm.s32 $_tile_overlayer_lowered  }
0x9b: {  	s22 =	simm.s32 $0x1BFF;
	s21 =	sshll.u32 s6, $0x1;
	s3 =	sadd.s32 s4, s19  }
0x9c: {  	s7 =	simm.s32 $0x0;
	s20 =	sshll.u32 s5, $0x1;
	s5 =	sadd.s32 s21, s3  }
0x9d: {  	[timem:s7], [sflag:s22] =	dma.local [hbm:s5], s20  }
0x9e: {  	_ =	swait.ge [sflag:s22], s20  }
0x9f: {  	s4 =	ssub.s32 $0x0, s20;
	[sflag:s22] =	ssyncset.done $0x0  }
0xa0: {  	[sflag:s22] =	ssyncadd.s32 s4;
	_ =	sdelay $0x1  }
0xa1: {  	s23 =	simm.s32 $0x1B8B  }
0xa2: {  	_ =	swait.ge [sflag:s23], $0x1  }
0xa3: {  	[sflag:s23] =	ssyncset.done $0x0  }
0xa4: {  	s25 =	simm.s32 $0x1B8E;
	s24 =	sld [smem:$0x3FFE];
	[sflag:s23] =	ssyncadd.s32 $0xFFFFFFFF  }
0xa5: {  	s26 =	simm.s32 $execute0_lowered;
	[smem:$0x3FD2] =	sst s25  }
0xa6: {  	s5 =	sshll.u32 s26, $0x1;
	_ =	strace $0x8000004C;
	[dreg:$0x1] =	wrdreg $0xFFFFFFFF  }
0xa7: {  	s28 =	simm.s32 $_size_execute0_lowered;
	s3 =	sadd.s32 s3, s5;
	[dreg:$0x0] =	wrdreg $0x0  }
0xa8: {  	s5 =	sshll.u32 s28, $0x1;
	[dreg:$0x2] =	wrdreg s3  }
0xa9: {  	[dreg:$0x3] =	wrdreg s5  }
0xaa: {  	[dreg:$0x4] =	wrdreg $0xC0  }
0xab: {  	_ =	task [dreg:s7], $0x5FFFF  }
0xac: {  	[dreg:$0x1] =	wrdreg $0xFFFFFFFF  }
0xad: {  	[dreg:$0x0] =	wrdreg $0x60  }
0xae: {  	[dreg:$0x2] =	wrdreg s24  }
0xaf: {  	[dreg:$0x3] =	wrdreg s2  }
0xb0: {  	[dreg:$0x4] =	wrdreg $0x41000  }
0xb1: {  	[dreg:$0x5] =	wrdreg $0x9  }
0xb2: {  	_ =	task.clear_ibuf [dreg:s7], $0x6FFFF;
	_ =	strace $0x9000004C  }
0xb3: {  	s29 =	simm.s32 $0x9;
	_ =	strace $0x8000004E  }
0xb4: {  	_ =	swait.ge [sflag:s29], $0x1  }
0xb5: {  	[sflag:s29] =	ssyncadd.s32 $0xFFFFFFFF  }
0xb6: {  	_ =	strace $0x9000004E  }
0xb7: {  	_ =	sfence  }
0xb8: {  	s30 =	sld [smem:$0x0];
	_ =	sdelay $0x2  }
0xb9: {  	s31 =	sshll.u32 s1, $0xD;
	s1 =	sshrl.u32 s1, $0x2  }
0xba: {  	s3 =	sand.u32 $0x4000, s31;
	s1 =	sadd.s32 s1, s30  }
0xbb: {  	s0 =	sor.u32 s3, s0;
	s1 =	sshll.u32 s1, $0x11  }
0xbc: {  	s0 =	sor.u32 s1, s0  }
0xbd: {  	s0 =	sadd.s32 $0x8F2B, s0  }
0xbe: {  	[sflag:s0] =	ssyncadd.remote.s32 $0x1  }
0xbf: {  	_ =	sfence.sel $0xFFFF  }
0xc0: {  	[dreg:$0x0] =	wrdreg $0xFFFFFFFF;
	(pc) =	sbr.abs _section_cstart, $3  }
0xc1: {  	[dreg:$0x1] =	wrdreg $0xFFFFFFFF  }
0xc2: {  	_ =	task.clear_ibuf [dreg:s7], $0x2FFFF;
	_ =	strace $0x9FFFFFFF  }
0xc3: {  	(tm) =	ssettm $0x7FFFFFFF  }
tec
execute0_lowered:
.L_overlay_start_1:
0x0: {  	(tag) =	ssettag $0x1  }
0x1: {  	s5 =	rddreg [dreg:$0x0]  }
0x2: {  	s8 =	rddreg [dreg:$0x1]  }
0x3: {  	s2 =	rddreg [dreg:$0x2]  }
0x4: {  	s0 =	rddreg [dreg:$0x3]  }
0x5: {  	s3 =	simm.s32 $0x0;
	s1 =	stileid.u32;
	s4 =	srdreg.scid  }
0x6: {  	s15 =	simm.s32 $0x1;
	s16 =	simm.s32 $0x0;
	s7 =	smul.u32 $0x2800, s1  }
0x7: {  	[smem:$0x7FF] =	sst s3;
	s6 =	sand.u32 $0x1, s4;
	s11 =	smul.u32 $0x9E0, s1  }
0x8: {  	s4 =	sadd.s32 $0x3A00, s5;
	s10 =	sadd.s32 $0x35E00, s5;
	s13 =	smul.u32 $0x50000, s1  }
0x9: {  	s30 =	sshll.u32 s1, $0x6;
	_ =	strace $0x8000004D;
	s9 =	smul.u32 $0x28000, s6  }
0xa: {  	s12 =	ssub.s32 $0x2, s6;
	p0 =	seq.s32 s6, $0x1;
	s29 =	smul.u32 $0x4F0, s6  }
0xb: {  	s14 =	sadd.s32 s11, s5;
	s26 =	sshrl.u32 s12, $0x1;
	s28 =	sshrl.u32 s13, $0x2  }
0xc: {  	s13 =	smov.u32 s4;
	s11 =	sadd.s32 s11, s8;
	s8 =	sor.u32 $0x1C02, s30  }
0xd: {  	s9 =	sadd.s32 s7, s9;
	s13 =	smov.u32 @p0 s10;
	s31 =	sadd.s32 s29, s14  }
0xe: {  	s10 =	sadd.s32 s29, s11;
	s14 =	simm.s32 $0x100;
	s5 =	sadd.s32 s9, s5  }
0xf: {  	s9 =	ssub.s32 s12, s26;
	s12 =	sadd.s32 s28, s2;
	s7 =	sadd.s32 s13, s7  }
0x10: {  	s13 =	simm.s32 $0x80;
	s5 =	sadd.s32 $0x5DE00, s5;
	s6 =	smax.u32 s9, $0x1  }
0x11: {  	s9 =	sadd.s32 $0x2C000, s31;
	s11 =	sshrl.u32 s12, $0x3;
	s12 =	simm.s32 $0x2  }
.LBB2_1:
0x12: {  	[spmem:s11], [sflag:s8] =	dma.local [hbm:s7], $0x2800  }
0x13: {  	_ =	swait.ge [sflag:s12], $0x2800  }
0x14: {  	[sflag:s12] =	ssyncset.done $0x0  }
0x15: {  	[sflag:s12] =	ssyncadd.s32 $0xFFFFD800  }
0x16: {  	s17 =	sadd.s32 $0x0, s10;
	[bflag:$0x0] =	sbarrier.arrive $0xFFFF  }
0x17: {  	[tilespmem:s3], [sflag:$0x2] =	stream.linear.gather [hbm4b:s17+s3], $0x80, $0x38;
	[tilespmem:$0x18100] =	vst v63  }
0x18: {  	_ =	swait.ge [sflag:s12], $0x80  }
0x19: {  	[sflag:s12] =	ssyncset.done $0x0  }
0x1a: {  	s31 =	sadd.s32 $0x0, s9;
	[sflag:s12] =	ssyncadd.s32 $0xFFFFFF80  }
0x1b: {  	[tilespmem:s13], [sflag:$0x2] =	stream.linear.gather [hbm4b:s31+s3], $0x80, $0x38;
	[tilespmem:$0x18100] =	vst v63  }
0x1c: {  	_ =	swait.ge [sflag:s12], $0x80  }
0x1d: {  	[sflag:s12] =	ssyncset.done $0x0  }
0x1e: {  	[sflag:s12] =	ssyncadd.s32 $0xFFFFFF80  }
0x1f: {  	[tilespmem:s14], [sflag:$0x1] =	stream.indirect.gather [hbm4b:s4+s13], $0x80, s3, s13, $0xb8;
	[tilespmem:$0x18100] =	vst v63  }
0x20: {  	_ =	swait.ge [sflag:s15], $0x4000  }
0x21: {  	[sflag:s15] =	ssyncset.done $0x0  }
0x22: {  	[sflag:s15] =	ssyncadd.s32 $0xFFFFC000  }
0x23: {  	[spmem:s2] =	stream.indirect.scatter.add.f32 [tilespmem:s14], [sflag:$0x2], $0x80, s13, s13, $0xb8;
	[tilespmem:$0x18100] =	vst v63  }
0x24: {  	_ =	swait.ge [sflag:s12], $0x4000  }
0x25: {  	s18 =	simm.s32 $0x20;
	s17 =	simm.s32 $0x10;
	[sflag:s12] =	ssyncset.done $0x0  }
.LBB2_2:
0x26: {  	s19 =	sadd.s32 s17, s10  }
0x27: {  	[sflag:s12] =	ssyncadd.s32 $0xFFFFC000;
	s20 =	smov.u32 s18;
	s21 =	sadd.s32 $0x10, s18  }
0x28: {  	[tilespmem:s3], [sflag:$0x2] =	stream.linear.gather [hbm4b:s19+s3], $0x80, $0x38;
	[tilespmem:$0x18100] =	vst v63  }
0x29: {  	p0 =	sne.s32 s18, $0x4E0;
	_ =	swait.ge [sflag:s12], $0x80  }
0x2a: {  	[sflag:s12] =	ssyncset.done $0x0  }
0x2b: {  	s18 =	sadd.s32 s17, s9;
	s17 =	smov.u32 s20;
	[sflag:s12] =	ssyncadd.s32 $0xFFFFFF80  }
0x2c: {  	[tilespmem:s13], [sflag:$0x2] =	stream.linear.gather [hbm4b:s18+s3], $0x80, $0x38;
	[tilespmem:$0x18100] =	vst v63  }
0x2d: {  	_ =	swait.ge [sflag:s12], $0x80  }
0x2e: {  	[sflag:s12] =	ssyncset.done $0x0  }
0x2f: {  	[sflag:s12] =	ssyncadd.s32 $0xFFFFFF80  }
0x30: {  	[tilespmem:s14], [sflag:$0x1] =	stream.indirect.gather [hbm4b:s4+s13], $0x80, s3, s13, $0xb8;
	[tilespmem:$0x18100] =	vst v63  }
0x31: {  	_ =	swait.ge [sflag:s15], $0x4000  }
.Ltmp0:
0x32: {  	[sflag:s15] =	ssyncset.done $0x0;
	(pc) =	sbr.rel @p0 .LBB2_2-.Ltmp0, $4  }
0x33: {  	[sflag:s15] =	ssyncadd.s32 $0xFFFFC000  }
0x34: {  	[spmem:s2] =	stream.indirect.scatter.add.f32 [tilespmem:s14], [sflag:$0x2], $0x80, s13, s13, $0xb8;
	[tilespmem:$0x18100] =	vst v63  }
0x35: {  	_ =	swait.ge [sflag:s12], $0x4000  }
0x36: {  	s18 =	smov.u32 s21;
	[sflag:s12] =	ssyncset.done $0x0  }
0x37: {  	s18 =	sadd.s32 s17, s10;
	[sflag:s12] =	ssyncadd.s32 $0xFFFFC000  }
0x38: {  	[tilespmem:s3], [sflag:$0x2] =	stream.linear.gather [hbm4b:s18+s3], $0x80, $0x38;
	[tilespmem:$0x18100] =	vst v63  }
0x39: {  	_ =	swait.ge [sflag:s12], $0x80  }
0x3a: {  	[sflag:s12] =	ssyncset.done $0x0  }
0x3b: {  	s31 =	sadd.s32 s17, s9;
	[sflag:s12] =	ssyncadd.s32 $0xFFFFFF80  }
0x3c: {  	[tilespmem:s13], [sflag:$0x2] =	stream.linear.gather [hbm4b:s31+s3], $0x80, $0x38;
	[tilespmem:$0x18100] =	vst v63  }
0x3d: {  	_ =	swait.ge [sflag:s12], $0x80  }
0x3e: {  	[sflag:s12] =	ssyncset.done $0x0  }
0x3f: {  	[sflag:s12] =	ssyncadd.s32 $0xFFFFFF80  }
0x40: {  	[tilespmem:s14], [sflag:$0x1] =	stream.indirect.gather [hbm4b:s4+s13], $0x80, s3, s13, $0xb8;
	[tilespmem:$0x18100] =	vst v63  }
0x41: {  	_ =	swait.ge [sflag:s15], $0x4000  }
0x42: {  	[sflag:s15] =	ssyncset.done $0x0  }
0x43: {  	[sflag:s15] =	ssyncadd.s32 $0xFFFFC000  }
0x44: {  	[spmem:s2] =	stream.indirect.scatter.add.f32 [tilespmem:s14], [sflag:$0x2], $0x80, s13, s13, $0xb8;
	[tilespmem:$0x18100] =	vst v63  }
0x45: {  	_ =	swait.ge [sflag:s12], $0x4000  }
0x46: {  	s16 =	sadd.s32 $0x1, s16;
	[sflag:s12] =	ssyncset.done $0x0  }
0x47: {  	p0 =	sne.s32 s16, s6;
	[sflag:s12] =	ssyncadd.s32 $0xFFFFC000  }
.Ltmp1:
0x48: {  	[bflag:$0x0] =	sbarrier.arrive $0xFFFF;
	(pc) =	sbr.rel @p0 .LBB2_1-.Ltmp1, $4  }
0x49: {  	[hbm:s5], [sflag:s8] =	dma.local [spmem:s11], $0x2800  }
0x4a: {  	_ =	swait.ge [sflag:s12], $0x2800  }
0x4b: {  	[sflag:s12] =	ssyncset.done $0x0  }
0x4c: {  	[sflag:s12] =	ssyncadd.s32 $0xFFFFD800  }
0x4d: {  	_ =	sfence.sel $0x180000  }
0x4e: {  	[bflag:$0x0] =	sbarrier.arrive $0xFFFF  }
0x4f: {  	p0 =	sne.s32 s1, $0x0;
	_ =	strace $0x9000004D  }
0x50: {  	s0 =	sadd.s32 @!p0 $0x100000, s0;
	[bflag:$0x2] =	sbarrier.arrive $0xFFFF  }
0x51: {  	[sflag:s0] =	ssyncadd.tile.s32 @!p0 $0x1;
	_ =	shalt  }
.Lfunc_end2:
_tile_overlayer_lowered:
.L_overlay_start_2:
0x52: {  	(tag) =	ssettag $0x2  }
0x53: {  	s0 =	rddreg [dreg:$0x0];
	s2 =	stileid.u32  }
0x54: {  	s1 =	rddreg [dreg:$0x1];
	p0 =	sne.s32 s2, $0x0  }
0x55: {  	s3 =	rddreg [dreg:$0x2];
	[bflag:$0x3] =	sbarrier.arrive $0xFFFF;
	s2 =	simm.s32 @!p0 $0x1C02  }
0x56: {  	[timem:s3], [sflag:s2] =	dma.local @!p0 [hbm:s0], s1  }
0x57: {  	s0 =	simm.s32 @!p0 $0x2  }
0x58: {  	_ =	swait.ge @!p0 [sflag:s0], s1  }
0x59: {  	s1 =	ssub.s32 @!p0 $0x0, s1;
	[sflag:s0] =	ssyncset.done @!p0 $0x0  }
0x5a: {  	[sflag:s0] =	ssyncadd.s32 @!p0 s1  }
0x5b: {  	[bflag:$0x3] =	sbarrier.arrive $0xFFFF  }
0x5c: {  	_ =	shalt  }

// kernel: kernel.22.cloned.1.call-start
scs
__scs_entry_jumppad:
0x0: {  	(pc) =	sbr.rel $0x88, $3  }
0x1: {  	(tag) =	ssettag $0x0;
	lr =	simm.s32 $0x1  }
0x2: {  	[smem:$0x3F98] =	sst lr;
	_ =	strace $0xD0000000  }
0x3: {  	_ = 	snop  }
0x4: {  	_ = 	snop  }
0x5: {  	_ = 	snop  }
0x6: {  	_ = 	snop  }
0x7: {  	_ = 	snop  }
__scs_overlays_trampoline_lowered:
0x8: {  	[smem:$0x3FA7] =	sst s0  }
0x9: {  	[smem:$0x3FA8] =	sst s1  }
0xa: {  	[smem:$0x3FA9] =	sst s2  }
0xb: {  	[smem:$0x3FAA] =	sst s3  }
0xc: {  	[smem:$0x3FAB] =	sst s4  }
0xd: {  	[smem:$0x3FAC] =	sst s5  }
0xe: {  	[smem:$0x3FAD] =	sst s6  }
0xf: {  	[smem:$0x3FAE] =	sst s7  }
0x10: {  	[smem:$0x3FAF] =	sst s8  }
0x11: {  	[smem:$0x3FB0] =	sst s9;
	s0 =	simm.s32 @!p0 $0x0  }
0x12: {  	s1 =	sld [smem:$0x3F96];
	s0 =	simm.s32 @p0 $0x1  }
0x13: {  	[smem:$0x3FB1] =	sst s0;
	s0 =	simm.s32 @!p1 $0x0  }
0x14: {  	s2 =	sld [smem:$0x3F95];
	s0 =	simm.s32 @p1 $0x1  }
0x15: {  	[smem:$0x3FB2] =	sst s0;
	s0 =	simm.s32 @!p2 $0x0  }
0x16: {  	s3 =	sld [smem:$0x3FDB];
	s0 =	simm.s32 @p2 $0x1  }
0x17: {  	s4 =	simm.s32 $0x1BF5;
	[smem:$0x3FB4] =	sst s0  }
0x18: {  	s0 =	sld [smem:$0x3F97];
	_ =	swait.ge [sflag:s4], $0x0  }
0x19: {  	s7 =	sld [smem:$0x3F98]  }
0x1a: {  	s8 =	sadd.s32 $0xFFFFE003, lr  }
0x1b: {  	s9 =	sadd.s32 $0xFFFFFEF7, lr;
	s5 =	simm.s32 $0xFFFFFFFF;
	p2 =	slt.u32 s8, $0xFFFFF086  }
0x1c: {  	p1 =	slt.u32 s9, $0xF7A;
	s5 =	simm.s32 @!p2 $0x0  }
0x1d: {  	s5 =	simm.s32 @p1 $0x1;
	p0 =	seq.s32 s7, s2  }
0x1e: {  	s7 =	smul.u32 @!p0 $0xF7A, s2;
	p2 =	seq.s32 @!p0 s5, $0x0  }
0x1f: {  	s9 =	smul.u32 $0xF7A, s1;
	s8 =	simm.s32 @!p0 $0x1BF5;
	p2 =	por !p2, p0  }
0x20: {  	[sflag:s8] =	ssyncset.s32 @!p0 $0xFFFFF086;
	s6 =	sadd.s32 @!p0 s3, s7;
	s7 =	simm.s32 @!p0 $0x108  }
0x21: {  	s3 =	sadd.s32 s3, s9;
	s6 =	sadd.s32 @!p0 $0x88, s6;
	s7 =	simm.s32 @p2 $0x1082  }
0x22: {  	[simem:s7], [sflag:s8] =	dma.local @!p0 [hbm:s6], $0xF7A  }
0x23: {  	s9 =	sor.u32 $0xD0000000, s2;
	s6 =	simm.s32 $0x108;
	_ =	swait.ge @!p0 [sflag:s8], $0x0  }
0x24: {  	s3 =	sadd.s32 $0x88, s3;
	s6 =	simm.s32 @!p1 $0x1082;
	[sflag:s4] =	ssyncset.s32 $0xFFFFF086  }
0x25: {  	[simem:s6], [sflag:s4] =	dma.local [hbm:s3], $0xF7A  }
0x26: {  	[smem:$0x3F98] =	sst s1;
	(tag) =	ssettag s2;
	_ =	strace s9  }
0x27: {  	s1 =	sld [smem:$0x3FA8]  }
0x28: {  	s2 =	sld [smem:$0x3FA9]  }
0x29: {  	s4 =	sld [smem:$0x3FAB]  }
0x2a: {  	p0 =	seq.s32 s5, $0x0;
	s5 =	sld [smem:$0x3FAC]  }
0x2b: {  	s6 =	sld [smem:$0x3FAD]  }
0x2c: {  	s7 =	sld [smem:$0x3FAE]  }
0x2d: {  	s3 =	simm.s32 $0x108;
	s8 =	sld [smem:$0x3FAF]  }
0x2e: {  	s3 =	simm.s32 @!p0 $0x1082;
	s9 =	sld [smem:$0x3FB0]  }
0x2f: {  	lr =	sadd.s32 s0, s3;
	s0 =	sld [smem:$0x3FA7]  }
0x30: {  	s3 =	sld [smem:$0x3FAA]  }
0x31: {  	[smem:$0x3FB3] =	sst s10  }
0x32: {  	s10 =	sld [smem:$0x3FB1];
	_ =	sdelay $0x3  }
0x33: {  	p0 =	seq.s32 s10, $0x1;
	s10 =	sld [smem:$0x3FB3];
	_ =	sdelay $0x3  }
0x34: {  	[smem:$0x3FB3] =	sst s10  }
0x35: {  	s10 =	sld [smem:$0x3FB2];
	_ =	sdelay $0x3  }
0x36: {  	p1 =	seq.s32 s10, $0x1;
	s10 =	sld [smem:$0x3FB3];
	_ =	sdelay $0x3  }
0x37: {  	[smem:$0x3FB3] =	sst s10  }
0x38: {  	s10 =	sld [smem:$0x3FB4]  }
0x39: {  	_ = 	snop;
	(pc) =	sbr.ind lr, $3  }
0x3a: {  	_ = 	snop  }
0x3b: {  	_ = 	snop  }
0x3c: {  	p2 =	seq.s32 s10, $0x1;
	s10 =	sld [smem:$0x3FB3]  }
0x3d: {  	_ =	shalt  }
0x3e: {  	_ =	shalt  }
0x3f: {  	_ =	shalt  }
0x40: {  	_ =	shalt  }
0x41: {  	_ =	shalt  }
0x42: {  	_ =	shalt  }
0x43: {  	_ =	shalt  }
0x44: {  	_ =	shalt  }
0x45: {  	_ =	shalt  }
0x46: {  	_ =	shalt  }
0x47: {  	_ =	shalt  }
0x48: {  	_ =	shalt  }
0x49: {  	_ =	shalt  }
0x4a: {  	_ =	shalt  }
0x4b: {  	_ =	shalt  }
0x4c: {  	_ =	shalt  }
0x4d: {  	_ =	shalt  }
0x4e: {  	_ =	shalt  }
0x4f: {  	_ =	shalt  }
0x50: {  	_ =	shalt  }
0x51: {  	_ =	shalt  }
0x52: {  	_ =	shalt  }
0x53: {  	_ =	shalt  }
0x54: {  	_ =	shalt  }
0x55: {  	_ =	shalt  }
0x56: {  	_ =	shalt  }
0x57: {  	_ =	shalt  }
0x58: {  	_ =	shalt  }
0x59: {  	_ =	shalt  }
0x5a: {  	_ =	shalt  }
0x5b: {  	_ =	shalt  }
0x5c: {  	_ =	shalt  }
0x5d: {  	_ =	shalt  }
0x5e: {  	_ =	shalt  }
0x5f: {  	_ =	shalt  }
0x60: {  	_ =	shalt  }
0x61: {  	_ =	shalt  }
0x62: {  	_ =	shalt  }
0x63: {  	_ =	shalt  }
0x64: {  	_ =	shalt  }
0x65: {  	_ =	shalt  }
0x66: {  	_ =	shalt  }
0x67: {  	_ =	shalt  }
0x68: {  	_ =	shalt  }
0x69: {  	_ =	shalt  }
0x6a: {  	_ =	shalt  }
0x6b: {  	_ =	shalt  }
0x6c: {  	_ =	shalt  }
0x6d: {  	_ =	shalt  }
0x6e: {  	_ =	shalt  }
0x6f: {  	_ =	shalt  }
0x70: {  	_ =	shalt  }
0x71: {  	_ =	shalt  }
0x72: {  	_ =	shalt  }
0x73: {  	_ =	shalt  }
0x74: {  	_ =	shalt  }
0x75: {  	_ =	shalt  }
0x76: {  	_ =	shalt  }
0x77: {  	_ =	shalt  }
0x78: {  	_ =	shalt  }
0x79: {  	_ =	shalt  }
0x7a: {  	_ =	shalt  }
0x7b: {  	_ =	shalt  }
0x7c: {  	_ =	shalt  }
0x7d: {  	_ =	shalt  }
0x7e: {  	_ =	shalt  }
0x7f: {  	_ =	shalt  }
0x80: {  	_ =	shalt  }
0x81: {  	_ =	shalt  }
0x82: {  	_ =	shalt  }
0x83: {  	_ =	shalt  }
0x84: {  	_ =	shalt  }
0x85: {  	_ =	shalt  }
0x86: {  	_ =	shalt  }
0x87: {  	_ =	shalt  }
.Lfunc_end0:
.L_simem_size_0:
called_computation.3_lowered:
.L_overlay_start_0:
0x88: {  	s2 =	sld [smem:$0x3FD9]  }
0x89: {  	s3 =	sld [smem:$0x3FFE];
	_ =	sdelay $0x1  }
0x8a: {  	s1 =	srdreg.scid  }
0x8b: {  	s0 =	sand.u32 $0x1, s1  }
0x8c: {  	s17 =	sshll.u32 s0, $0xA;
	s2 =	sadd.s32 s3, s2  }
0x8d: {  	s2 =	sadd.s32 s2, s17  }
0x8e: {  	[smem:$0x3FBF] =	sst s2  }
0x8f: {  	_ = 	snop  }
0x90: {  	s2 =	sld [smem:$0x3FD0];
	(tm) =	ssettm $0x1  }
0x91: {  	s18 =	sld [smem:$0x3FFB];
	_ =	sdelay $0x3  }
0x92: {  	_ =	strace s18  }
0x93: {  	s3 =	sld [smem:$0x3FFC];
	_ =	sdelay $0x3  }
0x94: {  	_ =	strace s3  }
0x95: {  	s3 =	sld [smem:$0x3FFD];
	_ =	sdelay $0x3  }
0x96: {  	_ =	strace s3  }
0x97: {  	_ =	strace $0x8FFFFFFF  }
0x98: {  	s19 =	sld [smem:$0x3FDB];
	_ =	sdelay $0x1  }
0x99: {  	s4 =	simm.s32 $_scs_section_size  }
0x9a: {  	s5 =	simm.s32 $_size__tile_overlayer_lowered;
	s6 =	simm.s32 $_tile_overlayer_lowered  }
0x9b: {  	s22 =	simm.s32 $0x1BFF;
	s21 =	sshll.u32 s6, $0x1;
	s3 =	sadd.s32 s4, s19  }
0x9c: {  	s7 =	simm.s32 $0x0;
	s20 =	sshll.u32 s5, $0x1;
	s5 =	sadd.s32 s21, s3  }
0x9d: {  	[timem:s7], [sflag:s22] =	dma.local [hbm:s5], s20  }
0x9e: {  	_ =	swait.ge [sflag:s22], s20  }
0x9f: {  	s4 =	ssub.s32 $0x0, s20;
	[sflag:s22] =	ssyncset.done $0x0  }
0xa0: {  	[sflag:s22] =	ssyncadd.s32 s4;
	_ =	sdelay $0x1  }
0xa1: {  	s23 =	simm.s32 $0x1B8B  }
0xa2: {  	_ =	swait.ge [sflag:s23], $0x1  }
0xa3: {  	[sflag:s23] =	ssyncset.done $0x0  }
0xa4: {  	s25 =	simm.s32 $0x1B8E;
	s24 =	sld [smem:$0x3FFE];
	[sflag:s23] =	ssyncadd.s32 $0xFFFFFFFF  }
0xa5: {  	s26 =	simm.s32 $execute0_lowered;
	[smem:$0x3FD2] =	sst s25  }
0xa6: {  	s5 =	sshll.u32 s26, $0x1;
	_ =	strace $0x8000004F;
	[dreg:$0x1] =	wrdreg $0xFFFFFFFF  }
0xa7: {  	s28 =	simm.s32 $_size_execute0_lowered;
	s3 =	sadd.s32 s3, s5;
	[dreg:$0x0] =	wrdreg $0x0  }
0xa8: {  	s5 =	sshll.u32 s28, $0x1;
	[dreg:$0x2] =	wrdreg s3  }
0xa9: {  	[dreg:$0x3] =	wrdreg s5  }
0xaa: {  	[dreg:$0x4] =	wrdreg $0xC0  }
0xab: {  	_ =	task [dreg:s7], $0x5FFFF  }
0xac: {  	[dreg:$0x1] =	wrdreg $0xFFFFFFFF  }
0xad: {  	[dreg:$0x0] =	wrdreg $0x60  }
0xae: {  	[dreg:$0x2] =	wrdreg s24  }
0xaf: {  	[dreg:$0x3] =	wrdreg s2  }
0xb0: {  	[dreg:$0x4] =	wrdreg $0x41000  }
0xb1: {  	[dreg:$0x5] =	wrdreg $0x9  }
0xb2: {  	_ =	task.clear_ibuf [dreg:s7], $0x6FFFF;
	_ =	strace $0x9000004F  }
0xb3: {  	s29 =	simm.s32 $0x9;
	_ =	strace $0x80000051  }
0xb4: {  	_ =	swait.ge [sflag:s29], $0x1  }
0xb5: {  	[sflag:s29] =	ssyncadd.s32 $0xFFFFFFFF  }
0xb6: {  	_ =	strace $0x90000051  }
0xb7: {  	_ =	sfence  }
0xb8: {  	s30 =	sld [smem:$0x0];
	_ =	sdelay $0x2  }
0xb9: {  	s31 =	sshll.u32 s1, $0xD;
	s1 =	sshrl.u32 s1, $0x2  }
0xba: {  	s3 =	sand.u32 $0x4000, s31;
	s1 =	sadd.s32 s1, s30  }
0xbb: {  	s0 =	sor.u32 s3, s0;
	s1 =	sshll.u32 s1, $0x11  }
0xbc: {  	s0 =	sor.u32 s1, s0  }
0xbd: {  	s0 =	sadd.s32 $0x8F2B, s0  }
0xbe: {  	[sflag:s0] =	ssyncadd.remote.s32 $0x1  }
0xbf: {  	_ =	sfence.sel $0xFFFF  }
0xc0: {  	[dreg:$0x0] =	wrdreg $0xFFFFFFFF;
	(pc) =	sbr.abs _section_cstart, $3  }
0xc1: {  	[dreg:$0x1] =	wrdreg $0xFFFFFFFF  }
0xc2: {  	_ =	task.clear_ibuf [dreg:s7], $0x2FFFF;
	_ =	strace $0x9FFFFFFF  }
0xc3: {  	(tm) =	ssettm $0x7FFFFFFF  }
tec
execute0_lowered:
.L_overlay_start_1:
0x0: {  	(tag) =	ssettag $0x1  }
0x1: {  	s5 =	rddreg [dreg:$0x0]  }
0x2: {  	s8 =	rddreg [dreg:$0x1]  }
0x3: {  	s2 =	rddreg [dreg:$0x2]  }
0x4: {  	s0 =	rddreg [dreg:$0x3]  }
0x5: {  	s3 =	simm.s32 $0x0;
	s1 =	stileid.u32;
	s4 =	srdreg.scid  }
0x6: {  	s15 =	simm.s32 $0x1;
	s16 =	simm.s32 $0x0;
	s7 =	smul.u32 $0x2800, s1  }
0x7: {  	[smem:$0x7FF] =	sst s3;
	s6 =	sand.u32 $0x1, s4;
	s11 =	smul.u32 $0x9E0, s1  }
0x8: {  	s4 =	sadd.s32 $0x3A00, s5;
	s10 =	sadd.s32 $0x35E00, s5;
	s13 =	smul.u32 $0x50000, s1  }
0x9: {  	s30 =	sshll.u32 s1, $0x6;
	_ =	strace $0x80000050;
	s9 =	smul.u32 $0x28000, s6  }
0xa: {  	s12 =	ssub.s32 $0x2, s6;
	p0 =	seq.s32 s6, $0x1;
	s29 =	smul.u32 $0x4F0, s6  }
0xb: {  	s14 =	sadd.s32 s11, s5;
	s26 =	sshrl.u32 s12, $0x1;
	s28 =	sshrl.u32 s13, $0x2  }
0xc: {  	s13 =	smov.u32 s4;
	s11 =	sadd.s32 s11, s8;
	s8 =	sor.u32 $0x1C02, s30  }
0xd: {  	s9 =	sadd.s32 s7, s9;
	s13 =	smov.u32 @p0 s10;
	s31 =	sadd.s32 s29, s14  }
0xe: {  	s10 =	sadd.s32 s29, s11;
	s14 =	simm.s32 $0x100;
	s5 =	sadd.s32 s9, s5  }
0xf: {  	s9 =	ssub.s32 s12, s26;
	s12 =	sadd.s32 s28, s2;
	s7 =	sadd.s32 s13, s7  }
0x10: {  	s13 =	simm.s32 $0x80;
	s5 =	sadd.s32 $0x5DE00, s5;
	s6 =	smax.u32 s9, $0x1  }
0x11: {  	s9 =	sadd.s32 $0x2C000, s31;
	s11 =	sshrl.u32 s12, $0x3;
	s12 =	simm.s32 $0x2  }
.LBB2_1:
0x12: {  	[spmem:s11], [sflag:s8] =	dma.local [hbm:s7], $0x2800  }
0x13: {  	_ =	swait.ge [sflag:s12], $0x2800  }
0x14: {  	[sflag:s12] =	ssyncset.done $0x0  }
0x15: {  	[sflag:s12] =	ssyncadd.s32 $0xFFFFD800  }
0x16: {  	s17 =	sadd.s32 $0x0, s10;
	[bflag:$0x0] =	sbarrier.arrive $0xFFFF  }
0x17: {  	[tilespmem:s3], [sflag:$0x2] =	stream.linear.gather [hbm4b:s17+s3], $0x80, $0x38;
	[tilespmem:$0x18100] =	vst v63  }
0x18: {  	_ =	swait.ge [sflag:s12], $0x80  }
0x19: {  	[sflag:s12] =	ssyncset.done $0x0  }
0x1a: {  	s31 =	sadd.s32 $0x0, s9;
	[sflag:s12] =	ssyncadd.s32 $0xFFFFFF80  }
0x1b: {  	[tilespmem:s13], [sflag:$0x2] =	stream.linear.gather [hbm4b:s31+s3], $0x80, $0x38;
	[tilespmem:$0x18100] =	vst v63  }
0x1c: {  	_ =	swait.ge [sflag:s12], $0x80  }
0x1d: {  	[sflag:s12] =	ssyncset.done $0x0  }
0x1e: {  	[sflag:s12] =	ssyncadd.s32 $0xFFFFFF80  }
0x1f: {  	[tilespmem:s14], [sflag:$0x1] =	stream.indirect.gather [hbm4b:s4+s13], $0x80, s3, s13, $0xb8;
	[tilespmem:$0x18100] =	vst v63  }
0x20: {  	_ =	swait.ge [sflag:s15], $0x4000  }
0x21: {  	[sflag:s15] =	ssyncset.done $0x0  }
0x22: {  	[sflag:s15] =	ssyncadd.s32 $0xFFFFC000  }
0x23: {  	[spmem:s2] =	stream.indirect.scatter.add.f32 [tilespmem:s14], [sflag:$0x2], $0x80, s13, s13, $0xb8;
	[tilespmem:$0x18100] =	vst v63  }
0x24: {  	_ =	swait.ge [sflag:s12], $0x4000  }
0x25: {  	s18 =	simm.s32 $0x20;
	s17 =	simm.s32 $0x10;
	[sflag:s12] =	ssyncset.done $0x0  }
.LBB2_2:
0x26: {  	s19 =	sadd.s32 s17, s10  }
0x27: {  	[sflag:s12] =	ssyncadd.s32 $0xFFFFC000;
	s20 =	smov.u32 s18;
	s21 =	sadd.s32 $0x10, s18  }
0x28: {  	[tilespmem:s3], [sflag:$0x2] =	stream.linear.gather [hbm4b:s19+s3], $0x80, $0x38;
	[tilespmem:$0x18100] =	vst v63  }
0x29: {  	p0 =	sne.s32 s18, $0x4E0;
	_ =	swait.ge [sflag:s12], $0x80  }
0x2a: {  	[sflag:s12] =	ssyncset.done $0x0  }
0x2b: {  	s18 =	sadd.s32 s17, s9;
	s17 =	smov.u32 s20;
	[sflag:s12] =	ssyncadd.s32 $0xFFFFFF80  }
0x2c: {  	[tilespmem:s13], [sflag:$0x2] =	stream.linear.gather [hbm4b:s18+s3], $0x80, $0x38;
	[tilespmem:$0x18100] =	vst v63  }
0x2d: {  	_ =	swait.ge [sflag:s12], $0x80  }
0x2e: {  	[sflag:s12] =	ssyncset.done $0x0  }
0x2f: {  	[sflag:s12] =	ssyncadd.s32 $0xFFFFFF80  }
0x30: {  	[tilespmem:s14], [sflag:$0x1] =	stream.indirect.gather [hbm4b:s4+s13], $0x80, s3, s13, $0xb8;
	[tilespmem:$0x18100] =	vst v63  }
0x31: {  	_ =	swait.ge [sflag:s15], $0x4000  }
.Ltmp0:
0x32: {  	[sflag:s15] =	ssyncset.done $0x0;
	(pc) =	sbr.rel @p0 .LBB2_2-.Ltmp0, $4  }
0x33: {  	[sflag:s15] =	ssyncadd.s32 $0xFFFFC000  }
0x34: {  	[spmem:s2] =	stream.indirect.scatter.add.f32 [tilespmem:s14], [sflag:$0x2], $0x80, s13, s13, $0xb8;
	[tilespmem:$0x18100] =	vst v63  }
0x35: {  	_ =	swait.ge [sflag:s12], $0x4000  }
0x36: {  	s18 =	smov.u32 s21;
	[sflag:s12] =	ssyncset.done $0x0  }
0x37: {  	s18 =	sadd.s32 s17, s10;
	[sflag:s12] =	ssyncadd.s32 $0xFFFFC000  }
0x38: {  	[tilespmem:s3], [sflag:$0x2] =	stream.linear.gather [hbm4b:s18+s3], $0x80, $0x38;
	[tilespmem:$0x18100] =	vst v63  }
0x39: {  	_ =	swait.ge [sflag:s12], $0x80  }
0x3a: {  	[sflag:s12] =	ssyncset.done $0x0  }
0x3b: {  	s31 =	sadd.s32 s17, s9;
	[sflag:s12] =	ssyncadd.s32 $0xFFFFFF80  }
0x3c: {  	[tilespmem:s13], [sflag:$0x2] =	stream.linear.gather [hbm4b:s31+s3], $0x80, $0x38;
	[tilespmem:$0x18100] =	vst v63  }
0x3d: {  	_ =	swait.ge [sflag:s12], $0x80  }
0x3e: {  	[sflag:s12] =	ssyncset.done $0x0  }
0x3f: {  	[sflag:s12] =	ssyncadd.s32 $0xFFFFFF80  }
0x40: {  	[tilespmem:s14], [sflag:$0x1] =	stream.indirect.gather [hbm4b:s4+s13], $0x80, s3, s13, $0xb8;
	[tilespmem:$0x18100] =	vst v63  }
0x41: {  	_ =	swait.ge [sflag:s15], $0x4000  }
0x42: {  	[sflag:s15] =	ssyncset.done $0x0  }
0x43: {  	[sflag:s15] =	ssyncadd.s32 $0xFFFFC000  }
0x44: {  	[spmem:s2] =	stream.indirect.scatter.add.f32 [tilespmem:s14], [sflag:$0x2], $0x80, s13, s13, $0xb8;
	[tilespmem:$0x18100] =	vst v63  }
0x45: {  	_ =	swait.ge [sflag:s12], $0x4000  }
0x46: {  	s16 =	sadd.s32 $0x1, s16;
	[sflag:s12] =	ssyncset.done $0x0  }
0x47: {  	p0 =	sne.s32 s16, s6;
	[sflag:s12] =	ssyncadd.s32 $0xFFFFC000  }
.Ltmp1:
0x48: {  	[bflag:$0x0] =	sbarrier.arrive $0xFFFF;
	(pc) =	sbr.rel @p0 .LBB2_1-.Ltmp1, $4  }
0x49: {  	[hbm:s5], [sflag:s8] =	dma.local [spmem:s11], $0x2800  }
0x4a: {  	_ =	swait.ge [sflag:s12], $0x2800  }
0x4b: {  	[sflag:s12] =	ssyncset.done $0x0  }
0x4c: {  	[sflag:s12] =	ssyncadd.s32 $0xFFFFD800  }
0x4d: {  	_ =	sfence.sel $0x180000  }
0x4e: {  	[bflag:$0x0] =	sbarrier.arrive $0xFFFF  }
0x4f: {  	p0 =	sne.s32 s1, $0x0;
	_ =	strace $0x90000050  }
0x50: {  	s0 =	sadd.s32 @!p0 $0x100000, s0;
	[bflag:$0x2] =	sbarrier.arrive $0xFFFF  }
0x51: {  	[sflag:s0] =	ssyncadd.tile.s32 @!p0 $0x1;
	_ =	shalt  }
.Lfunc_end2:
_tile_overlayer_lowered:
.L_overlay_start_2:
0x52: {  	(tag) =	ssettag $0x2  }
0x53: {  	s0 =	rddreg [dreg:$0x0];
	s2 =	stileid.u32  }
0x54: {  	s1 =	rddreg [dreg:$0x1];
	p0 =	sne.s32 s2, $0x0  }
0x55: {  	s3 =	rddreg [dreg:$0x2];
	[bflag:$0x3] =	sbarrier.arrive $0xFFFF;
	s2 =	simm.s32 @!p0 $0x1C02  }
0x56: {  	[timem:s3], [sflag:s2] =	dma.local @!p0 [hbm:s0], s1  }
0x57: {  	s0 =	simm.s32 @!p0 $0x2  }
0x58: {  	_ =	swait.ge @!p0 [sflag:s0], s1  }
0x59: {  	s1 =	ssub.s32 @!p0 $0x0, s1;
	[sflag:s0] =	ssyncset.done @!p0 $0x0  }
0x5a: {  	[sflag:s0] =	ssyncadd.s32 @!p0 s1  }
0x5b: {  	[bflag:$0x3] =	sbarrier.arrive $0xFFFF  }
0x5c: {  	_ =	shalt  }

// kernel: kernel.25.cloned.1.call-start
scs
__scs_entry_jumppad:
0x0: {  	(pc) =	sbr.rel $0x88, $3  }
0x1: {  	(tag) =	ssettag $0x0;
	lr =	simm.s32 $0x1  }
0x2: {  	[smem:$0x3F98] =	sst lr;
	_ =	strace $0xD0000000  }
0x3: {  	_ = 	snop  }
0x4: {  	_ = 	snop  }
0x5: {  	_ = 	snop  }
0x6: {  	_ = 	snop  }
0x7: {  	_ = 	snop  }
__scs_overlays_trampoline_lowered:
0x8: {  	[smem:$0x3FA7] =	sst s0  }
0x9: {  	[smem:$0x3FA8] =	sst s1  }
0xa: {  	[smem:$0x3FA9] =	sst s2  }
0xb: {  	[smem:$0x3FAA] =	sst s3  }
0xc: {  	[smem:$0x3FAB] =	sst s4  }
0xd: {  	[smem:$0x3FAC] =	sst s5  }
0xe: {  	[smem:$0x3FAD] =	sst s6  }
0xf: {  	[smem:$0x3FAE] =	sst s7  }
0x10: {  	[smem:$0x3FAF] =	sst s8  }
0x11: {  	[smem:$0x3FB0] =	sst s9;
	s0 =	simm.s32 @!p0 $0x0  }
0x12: {  	s1 =	sld [smem:$0x3F96];
	s0 =	simm.s32 @p0 $0x1  }
0x13: {  	[smem:$0x3FB1] =	sst s0;
	s0 =	simm.s32 @!p1 $0x0  }
0x14: {  	s2 =	sld [smem:$0x3F95];
	s0 =	simm.s32 @p1 $0x1  }
0x15: {  	[smem:$0x3FB2] =	sst s0;
	s0 =	simm.s32 @!p2 $0x0  }
0x16: {  	s3 =	sld [smem:$0x3FDB];
	s0 =	simm.s32 @p2 $0x1  }
0x17: {  	s4 =	simm.s32 $0x1BF5;
	[smem:$0x3FB4] =	sst s0  }
0x18: {  	s0 =	sld [smem:$0x3F97];
	_ =	swait.ge [sflag:s4], $0x0  }
0x19: {  	s7 =	sld [smem:$0x3F98]  }
0x1a: {  	s8 =	sadd.s32 $0xFFFFE003, lr  }
0x1b: {  	s9 =	sadd.s32 $0xFFFFFEF7, lr;
	s5 =	simm.s32 $0xFFFFFFFF;
	p2 =	slt.u32 s8, $0xFFFFF086  }
0x1c: {  	p1 =	slt.u32 s9, $0xF7A;
	s5 =	simm.s32 @!p2 $0x0  }
0x1d: {  	s5 =	simm.s32 @p1 $0x1;
	p0 =	seq.s32 s7, s2  }
0x1e: {  	s7 =	smul.u32 @!p0 $0xF7A, s2;
	p2 =	seq.s32 @!p0 s5, $0x0  }
0x1f: {  	s9 =	smul.u32 $0xF7A, s1;
	s8 =	simm.s32 @!p0 $0x1BF5;
	p2 =	por !p2, p0  }
0x20: {  	[sflag:s8] =	ssyncset.s32 @!p0 $0xFFFFF086;
	s6 =	sadd.s32 @!p0 s3, s7;
	s7 =	simm.s32 @!p0 $0x108  }
0x21: {  	s3 =	sadd.s32 s3, s9;
	s6 =	sadd.s32 @!p0 $0x88, s6;
	s7 =	simm.s32 @p2 $0x1082  }
0x22: {  	[simem:s7], [sflag:s8] =	dma.local @!p0 [hbm:s6], $0xF7A  }
0x23: {  	s9 =	sor.u32 $0xD0000000, s2;
	s6 =	simm.s32 $0x108;
	_ =	swait.ge @!p0 [sflag:s8], $0x0  }
0x24: {  	s3 =	sadd.s32 $0x88, s3;
	s6 =	simm.s32 @!p1 $0x1082;
	[sflag:s4] =	ssyncset.s32 $0xFFFFF086  }
0x25: {  	[simem:s6], [sflag:s4] =	dma.local [hbm:s3], $0xF7A  }
0x26: {  	[smem:$0x3F98] =	sst s1;
	(tag) =	ssettag s2;
	_ =	strace s9  }
0x27: {  	s1 =	sld [smem:$0x3FA8]  }
0x28: {  	s2 =	sld [smem:$0x3FA9]  }
0x29: {  	s4 =	sld [smem:$0x3FAB]  }
0x2a: {  	p0 =	seq.s32 s5, $0x0;
	s5 =	sld [smem:$0x3FAC]  }
0x2b: {  	s6 =	sld [smem:$0x3FAD]  }
0x2c: {  	s7 =	sld [smem:$0x3FAE]  }
0x2d: {  	s3 =	simm.s32 $0x108;
	s8 =	sld [smem:$0x3FAF]  }
0x2e: {  	s3 =	simm.s32 @!p0 $0x1082;
	s9 =	sld [smem:$0x3FB0]  }
0x2f: {  	lr =	sadd.s32 s0, s3;
	s0 =	sld [smem:$0x3FA7]  }
0x30: {  	s3 =	sld [smem:$0x3FAA]  }
0x31: {  	[smem:$0x3FB3] =	sst s10  }
0x32: {  	s10 =	sld [smem:$0x3FB1];
	_ =	sdelay $0x3  }
0x33: {  	p0 =	seq.s32 s10, $0x1;
	s10 =	sld [smem:$0x3FB3];
	_ =	sdelay $0x3  }
0x34: {  	[smem:$0x3FB3] =	sst s10  }
0x35: {  	s10 =	sld [smem:$0x3FB2];
	_ =	sdelay $0x3  }
0x36: {  	p1 =	seq.s32 s10, $0x1;
	s10 =	sld [smem:$0x3FB3];
	_ =	sdelay $0x3  }
0x37: {  	[smem:$0x3FB3] =	sst s10  }
0x38: {  	s10 =	sld [smem:$0x3FB4]  }
0x39: {  	_ = 	snop;
	(pc) =	sbr.ind lr, $3  }
0x3a: {  	_ = 	snop  }
0x3b: {  	_ = 	snop  }
0x3c: {  	p2 =	seq.s32 s10, $0x1;
	s10 =	sld [smem:$0x3FB3]  }
0x3d: {  	_ =	shalt  }
0x3e: {  	_ =	shalt  }
0x3f: {  	_ =	shalt  }
0x40: {  	_ =	shalt  }
0x41: {  	_ =	shalt  }
0x42: {  	_ =	shalt  }
0x43: {  	_ =	shalt  }
0x44: {  	_ =	shalt  }
0x45: {  	_ =	shalt  }
0x46: {  	_ =	shalt  }
0x47: {  	_ =	shalt  }
0x48: {  	_ =	shalt  }
0x49: {  	_ =	shalt  }
0x4a: {  	_ =	shalt  }
0x4b: {  	_ =	shalt  }
0x4c: {  	_ =	shalt  }
0x4d: {  	_ =	shalt  }
0x4e: {  	_ =	shalt  }
0x4f: {  	_ =	shalt  }
0x50: {  	_ =	shalt  }
0x51: {  	_ =	shalt  }
0x52: {  	_ =	shalt  }
0x53: {  	_ =	shalt  }
0x54: {  	_ =	shalt  }
0x55: {  	_ =	shalt  }
0x56: {  	_ =	shalt  }
0x57: {  	_ =	shalt  }
0x58: {  	_ =	shalt  }
0x59: {  	_ =	shalt  }
0x5a: {  	_ =	shalt  }
0x5b: {  	_ =	shalt  }
0x5c: {  	_ =	shalt  }
0x5d: {  	_ =	shalt  }
0x5e: {  	_ =	shalt  }
0x5f: {  	_ =	shalt  }
0x60: {  	_ =	shalt  }
0x61: {  	_ =	shalt  }
0x62: {  	_ =	shalt  }
0x63: {  	_ =	shalt  }
0x64: {  	_ =	shalt  }
0x65: {  	_ =	shalt  }
0x66: {  	_ =	shalt  }
0x67: {  	_ =	shalt  }
0x68: {  	_ =	shalt  }
0x69: {  	_ =	shalt  }
0x6a: {  	_ =	shalt  }
0x6b: {  	_ =	shalt  }
0x6c: {  	_ =	shalt  }
0x6d: {  	_ =	shalt  }
0x6e: {  	_ =	shalt  }
0x6f: {  	_ =	shalt  }
0x70: {  	_ =	shalt  }
0x71: {  	_ =	shalt  }
0x72: {  	_ =	shalt  }
0x73: {  	_ =	shalt  }
0x74: {  	_ =	shalt  }
0x75: {  	_ =	shalt  }
0x76: {  	_ =	shalt  }
0x77: {  	_ =	shalt  }
0x78: {  	_ =	shalt  }
0x79: {  	_ =	shalt  }
0x7a: {  	_ =	shalt  }
0x7b: {  	_ =	shalt  }
0x7c: {  	_ =	shalt  }
0x7d: {  	_ =	shalt  }
0x7e: {  	_ =	shalt  }
0x7f: {  	_ =	shalt  }
0x80: {  	_ =	shalt  }
0x81: {  	_ =	shalt  }
0x82: {  	_ =	shalt  }
0x83: {  	_ =	shalt  }
0x84: {  	_ =	shalt  }
0x85: {  	_ =	shalt  }
0x86: {  	_ =	shalt  }
0x87: {  	_ =	shalt  }
.Lfunc_end0:
.L_simem_size_0:
called_computation.4_lowered:
.L_overlay_start_0:
0x88: {  	s2 =	sld [smem:$0x3FD9]  }
0x89: {  	s3 =	sld [smem:$0x3FFE];
	_ =	sdelay $0x1  }
0x8a: {  	s1 =	srdreg.scid  }
0x8b: {  	s0 =	sand.u32 $0x1, s1  }
0x8c: {  	s17 =	sshll.u32 s0, $0xA;
	s2 =	sadd.s32 s3, s2  }
0x8d: {  	s2 =	sadd.s32 s2, s17  }
0x8e: {  	[smem:$0x3FBF] =	sst s2  }
0x8f: {  	_ = 	snop  }
0x90: {  	s2 =	sld [smem:$0x3FD0];
	(tm) =	ssettm $0x1  }
0x91: {  	s18 =	sld [smem:$0x3FFB];
	_ =	sdelay $0x3  }
0x92: {  	_ =	strace s18  }
0x93: {  	s3 =	sld [smem:$0x3FFC];
	_ =	sdelay $0x3  }
0x94: {  	_ =	strace s3  }
0x95: {  	s3 =	sld [smem:$0x3FFD];
	_ =	sdelay $0x3  }
0x96: {  	_ =	strace s3  }
0x97: {  	_ =	strace $0x8FFFFFFF  }
0x98: {  	s19 =	sld [smem:$0x3FDB];
	_ =	sdelay $0x1  }
0x99: {  	s4 =	simm.s32 $_scs_section_size  }
0x9a: {  	s5 =	simm.s32 $_size__tile_overlayer_lowered;
	s6 =	simm.s32 $_tile_overlayer_lowered  }
0x9b: {  	s22 =	simm.s32 $0x1BFF;
	s21 =	sshll.u32 s6, $0x1;
	s3 =	sadd.s32 s4, s19  }
0x9c: {  	s7 =	simm.s32 $0x0;
	s20 =	sshll.u32 s5, $0x1;
	s5 =	sadd.s32 s21, s3  }
0x9d: {  	[timem:s7], [sflag:s22] =	dma.local [hbm:s5], s20  }
0x9e: {  	_ =	swait.ge [sflag:s22], s20  }
0x9f: {  	s4 =	ssub.s32 $0x0, s20;
	[sflag:s22] =	ssyncset.done $0x0  }
0xa0: {  	[sflag:s22] =	ssyncadd.s32 s4;
	_ =	sdelay $0x1  }
0xa1: {  	s23 =	simm.s32 $0x1B8B  }
0xa2: {  	_ =	swait.ge [sflag:s23], $0x1  }
0xa3: {  	[sflag:s23] =	ssyncset.done $0x0  }
0xa4: {  	s25 =	simm.s32 $0x1B8E;
	s24 =	sld [smem:$0x3FFE];
	[sflag:s23] =	ssyncadd.s32 $0xFFFFFFFF  }
0xa5: {  	s26 =	simm.s32 $execute0_lowered;
	[smem:$0x3FD2] =	sst s25  }
0xa6: {  	s5 =	sshll.u32 s26, $0x1;
	_ =	strace $0x80000052;
	[dreg:$0x1] =	wrdreg $0xFFFFFFFF  }
0xa7: {  	s28 =	simm.s32 $_size_execute0_lowered;
	s3 =	sadd.s32 s3, s5;
	[dreg:$0x0] =	wrdreg $0x0  }
0xa8: {  	s5 =	sshll.u32 s28, $0x1;
	[dreg:$0x2] =	wrdreg s3  }
0xa9: {  	[dreg:$0x3] =	wrdreg s5  }
0xaa: {  	[dreg:$0x4] =	wrdreg $0xC0  }
0xab: {  	_ =	task [dreg:s7], $0x5FFFF  }
0xac: {  	[dreg:$0x1] =	wrdreg $0xFFFFFFFF  }
0xad: {  	[dreg:$0x0] =	wrdreg $0x60  }
0xae: {  	[dreg:$0x2] =	wrdreg s24  }
0xaf: {  	[dreg:$0x3] =	wrdreg s2  }
0xb0: {  	[dreg:$0x4] =	wrdreg $0x41000  }
0xb1: {  	[dreg:$0x5] =	wrdreg $0x9  }
0xb2: {  	_ =	task.clear_ibuf [dreg:s7], $0x6FFFF;
	_ =	strace $0x90000052  }
0xb3: {  	s29 =	simm.s32 $0x9;
	_ =	strace $0x80000054  }
0xb4: {  	_ =	swait.ge [sflag:s29], $0x1  }
0xb5: {  	[sflag:s29] =	ssyncadd.s32 $0xFFFFFFFF  }
0xb6: {  	_ =	strace $0x90000054  }
0xb7: {  	_ =	sfence  }
0xb8: {  	s30 =	sld [smem:$0x0];
	_ =	sdelay $0x2  }
0xb9: {  	s31 =	sshll.u32 s1, $0xD;
	s1 =	sshrl.u32 s1, $0x2  }
0xba: {  	s3 =	sand.u32 $0x4000, s31;
	s1 =	sadd.s32 s1, s30  }
0xbb: {  	s0 =	sor.u32 s3, s0;
	s1 =	sshll.u32 s1, $0x11  }
0xbc: {  	s0 =	sor.u32 s1, s0  }
0xbd: {  	s0 =	sadd.s32 $0x8F2B, s0  }
0xbe: {  	[sflag:s0] =	ssyncadd.remote.s32 $0x1  }
0xbf: {  	_ =	sfence.sel $0xFFFF  }
0xc0: {  	[dreg:$0x0] =	wrdreg $0xFFFFFFFF;
	(pc) =	sbr.abs _section_cstart, $3  }
0xc1: {  	[dreg:$0x1] =	wrdreg $0xFFFFFFFF  }
0xc2: {  	_ =	task.clear_ibuf [dreg:s7], $0x2FFFF;
	_ =	strace $0x9FFFFFFF  }
0xc3: {  	(tm) =	ssettm $0x7FFFFFFF  }
tec
execute0_lowered:
.L_overlay_start_1:
0x0: {  	(tag) =	ssettag $0x1  }
0x1: {  	s5 =	rddreg [dreg:$0x0]  }
0x2: {  	s8 =	rddreg [dreg:$0x1]  }
0x3: {  	s2 =	rddreg [dreg:$0x2]  }
0x4: {  	s0 =	rddreg [dreg:$0x3]  }
0x5: {  	s3 =	simm.s32 $0x0;
	s1 =	stileid.u32;
	s4 =	srdreg.scid  }
0x6: {  	s15 =	simm.s32 $0x1;
	s16 =	simm.s32 $0x0;
	s7 =	smul.u32 $0x2800, s1  }
0x7: {  	[smem:$0x7FF] =	sst s3;
	s6 =	sand.u32 $0x1, s4;
	s11 =	smul.u32 $0x9E0, s1  }
0x8: {  	s4 =	sadd.s32 $0x3A00, s5;
	s10 =	sadd.s32 $0x35E00, s5;
	s13 =	smul.u32 $0x50000, s1  }
0x9: {  	s30 =	sshll.u32 s1, $0x6;
	_ =	strace $0x80000053;
	s9 =	smul.u32 $0x28000, s6  }
0xa: {  	s12 =	ssub.s32 $0x2, s6;
	p0 =	seq.s32 s6, $0x1;
	s29 =	smul.u32 $0x4F0, s6  }
0xb: {  	s14 =	sadd.s32 s11, s5;
	s26 =	sshrl.u32 s12, $0x1;
	s28 =	sshrl.u32 s13, $0x2  }
0xc: {  	s13 =	smov.u32 s4;
	s11 =	sadd.s32 s11, s8;
	s8 =	sor.u32 $0x1C02, s30  }
0xd: {  	s9 =	sadd.s32 s7, s9;
	s13 =	smov.u32 @p0 s10;
	s31 =	sadd.s32 s29, s14  }
0xe: {  	s10 =	sadd.s32 s29, s11;
	s14 =	simm.s32 $0x100;
	s5 =	sadd.s32 s9, s5  }
0xf: {  	s9 =	ssub.s32 s12, s26;
	s12 =	sadd.s32 s28, s2;
	s7 =	sadd.s32 s13, s7  }
0x10: {  	s13 =	simm.s32 $0x80;
	s5 =	sadd.s32 $0x5DE00, s5;
	s6 =	smax.u32 s9, $0x1  }
0x11: {  	s9 =	sadd.s32 $0x2C000, s31;
	s11 =	sshrl.u32 s12, $0x3;
	s12 =	simm.s32 $0x2  }
.LBB2_1:
0x12: {  	[spmem:s11], [sflag:s8] =	dma.local [hbm:s7], $0x2800  }
0x13: {  	_ =	swait.ge [sflag:s12], $0x2800  }
0x14: {  	[sflag:s12] =	ssyncset.done $0x0  }
0x15: {  	[sflag:s12] =	ssyncadd.s32 $0xFFFFD800  }
0x16: {  	s17 =	sadd.s32 $0x0, s10;
	[bflag:$0x0] =	sbarrier.arrive $0xFFFF  }
0x17: {  	[tilespmem:s3], [sflag:$0x2] =	stream.linear.gather [hbm4b:s17+s3], $0x80, $0x38;
	[tilespmem:$0x18100] =	vst v63  }
0x18: {  	_ =	swait.ge [sflag:s12], $0x80  }
0x19: {  	[sflag:s12] =	ssyncset.done $0x0  }
0x1a: {  	s31 =	sadd.s32 $0x0, s9;
	[sflag:s12] =	ssyncadd.s32 $0xFFFFFF80  }
0x1b: {  	[tilespmem:s13], [sflag:$0x2] =	stream.linear.gather [hbm4b:s31+s3], $0x80, $0x38;
	[tilespmem:$0x18100] =	vst v63  }
0x1c: {  	_ =	swait.ge [sflag:s12], $0x80  }
0x1d: {  	[sflag:s12] =	ssyncset.done $0x0  }
0x1e: {  	[sflag:s12] =	ssyncadd.s32 $0xFFFFFF80  }
0x1f: {  	[tilespmem:s14], [sflag:$0x1] =	stream.indirect.gather [hbm4b:s4+s13], $0x80, s3, s13, $0xb8;
	[tilespmem:$0x18100] =	vst v63  }
0x20: {  	_ =	swait.ge [sflag:s15], $0x4000  }
0x21: {  	[sflag:s15] =	ssyncset.done $0x0  }
0x22: {  	[sflag:s15] =	ssyncadd.s32 $0xFFFFC000  }
0x23: {  	[spmem:s2] =	stream.indirect.scatter.add.f32 [tilespmem:s14], [sflag:$0x2], $0x80, s13, s13, $0xb8;
	[tilespmem:$0x18100] =	vst v63  }
0x24: {  	_ =	swait.ge [sflag:s12], $0x4000  }
0x25: {  	s18 =	simm.s32 $0x20;
	s17 =	simm.s32 $0x10;
	[sflag:s12] =	ssyncset.done $0x0  }
.LBB2_2:
0x26: {  	s19 =	sadd.s32 s17, s10  }
0x27: {  	[sflag:s12] =	ssyncadd.s32 $0xFFFFC000;
	s20 =	smov.u32 s18;
	s21 =	sadd.s32 $0x10, s18  }
0x28: {  	[tilespmem:s3], [sflag:$0x2] =	stream.linear.gather [hbm4b:s19+s3], $0x80, $0x38;
	[tilespmem:$0x18100] =	vst v63  }
0x29: {  	p0 =	sne.s32 s18, $0x4E0;
	_ =	swait.ge [sflag:s12], $0x80  }
0x2a: {  	[sflag:s12] =	ssyncset.done $0x0  }
0x2b: {  	s18 =	sadd.s32 s17, s9;
	s17 =	smov.u32 s20;
	[sflag:s12] =	ssyncadd.s32 $0xFFFFFF80  }
0x2c: {  	[tilespmem:s13], [sflag:$0x2] =	stream.linear.gather [hbm4b:s18+s3], $0x80, $0x38;
	[tilespmem:$0x18100] =	vst v63  }
0x2d: {  	_ =	swait.ge [sflag:s12], $0x80  }
0x2e: {  	[sflag:s12] =	ssyncset.done $0x0  }
0x2f: {  	[sflag:s12] =	ssyncadd.s32 $0xFFFFFF80  }
0x30: {  	[tilespmem:s14], [sflag:$0x1] =	stream.indirect.gather [hbm4b:s4+s13], $0x80, s3, s13, $0xb8;
	[tilespmem:$0x18100] =	vst v63  }
0x31: {  	_ =	swait.ge [sflag:s15], $0x4000  }
.Ltmp0:
0x32: {  	[sflag:s15] =	ssyncset.done $0x0;
	(pc) =	sbr.rel @p0 .LBB2_2-.Ltmp0, $4  }
0x33: {  	[sflag:s15] =	ssyncadd.s32 $0xFFFFC000  }
0x34: {  	[spmem:s2] =	stream.indirect.scatter.add.f32 [tilespmem:s14], [sflag:$0x2], $0x80, s13, s13, $0xb8;
	[tilespmem:$0x18100] =	vst v63  }
0x35: {  	_ =	swait.ge [sflag:s12], $0x4000  }
0x36: {  	s18 =	smov.u32 s21;
	[sflag:s12] =	ssyncset.done $0x0  }
0x37: {  	s18 =	sadd.s32 s17, s10;
	[sflag:s12] =	ssyncadd.s32 $0xFFFFC000  }
0x38: {  	[tilespmem:s3], [sflag:$0x2] =	stream.linear.gather [hbm4b:s18+s3], $0x80, $0x38;
	[tilespmem:$0x18100] =	vst v63  }
0x39: {  	_ =	swait.ge [sflag:s12], $0x80  }
0x3a: {  	[sflag:s12] =	ssyncset.done $0x0  }
0x3b: {  	s31 =	sadd.s32 s17, s9;
	[sflag:s12] =	ssyncadd.s32 $0xFFFFFF80  }
0x3c: {  	[tilespmem:s13], [sflag:$0x2] =	stream.linear.gather [hbm4b:s31+s3], $0x80, $0x38;
	[tilespmem:$0x18100] =	vst v63  }
0x3d: {  	_ =	swait.ge [sflag:s12], $0x80  }
0x3e: {  	[sflag:s12] =	ssyncset.done $0x0  }
0x3f: {  	[sflag:s12] =	ssyncadd.s32 $0xFFFFFF80  }
0x40: {  	[tilespmem:s14], [sflag:$0x1] =	stream.indirect.gather [hbm4b:s4+s13], $0x80, s3, s13, $0xb8;
	[tilespmem:$0x18100] =	vst v63  }
0x41: {  	_ =	swait.ge [sflag:s15], $0x4000  }
0x42: {  	[sflag:s15] =	ssyncset.done $0x0  }
0x43: {  	[sflag:s15] =	ssyncadd.s32 $0xFFFFC000  }
0x44: {  	[spmem:s2] =	stream.indirect.scatter.add.f32 [tilespmem:s14], [sflag:$0x2], $0x80, s13, s13, $0xb8;
	[tilespmem:$0x18100] =	vst v63  }
0x45: {  	_ =	swait.ge [sflag:s12], $0x4000  }
0x46: {  	s16 =	sadd.s32 $0x1, s16;
	[sflag:s12] =	ssyncset.done $0x0  }
0x47: {  	p0 =	sne.s32 s16, s6;
	[sflag:s12] =	ssyncadd.s32 $0xFFFFC000  }
.Ltmp1:
0x48: {  	[bflag:$0x0] =	sbarrier.arrive $0xFFFF;
	(pc) =	sbr.rel @p0 .LBB2_1-.Ltmp1, $4  }
0x49: {  	[hbm:s5], [sflag:s8] =	dma.local [spmem:s11], $0x2800  }
0x4a: {  	_ =	swait.ge [sflag:s12], $0x2800  }
0x4b: {  	[sflag:s12] =	ssyncset.done $0x0  }
0x4c: {  	[sflag:s12] =	ssyncadd.s32 $0xFFFFD800  }
0x4d: {  	_ =	sfence.sel $0x180000  }
0x4e: {  	[bflag:$0x0] =	sbarrier.arrive $0xFFFF  }
0x4f: {  	p0 =	sne.s32 s1, $0x0;
	_ =	strace $0x90000053  }
0x50: {  	s0 =	sadd.s32 @!p0 $0x100000, s0;
	[bflag:$0x2] =	sbarrier.arrive $0xFFFF  }
0x51: {  	[sflag:s0] =	ssyncadd.tile.s32 @!p0 $0x1;
	_ =	shalt  }
.Lfunc_end2:
_tile_overlayer_lowered:
.L_overlay_start_2:
0x52: {  	(tag) =	ssettag $0x2  }
0x53: {  	s0 =	rddreg [dreg:$0x0];
	s2 =	stileid.u32  }
0x54: {  	s1 =	rddreg [dreg:$0x1];
	p0 =	sne.s32 s2, $0x0  }
0x55: {  	s3 =	rddreg [dreg:$0x2];
	[bflag:$0x3] =	sbarrier.arrive $0xFFFF;
	s2 =	simm.s32 @!p0 $0x1C02  }
0x56: {  	[timem:s3], [sflag:s2] =	dma.local @!p0 [hbm:s0], s1  }
0x57: {  	s0 =	simm.s32 @!p0 $0x2  }
0x58: {  	_ =	swait.ge @!p0 [sflag:s0], s1  }
0x59: {  	s1 =	ssub.s32 @!p0 $0x0, s1;
	[sflag:s0] =	ssyncset.done @!p0 $0x0  }
0x5a: {  	[sflag:s0] =	ssyncadd.s32 @!p0 s1  }
0x5b: {  	[bflag:$0x3] =	sbarrier.arrive $0xFFFF  }
0x5c: {  	_ =	shalt  }

// kernel: kernel.28.cloned.1.call-start
scs
__scs_entry_jumppad:
0x0: {  	(pc) =	sbr.rel $0x88, $3  }
0x1: {  	(tag) =	ssettag $0x0;
	lr =	simm.s32 $0x1  }
0x2: {  	[smem:$0x3F98] =	sst lr;
	_ =	strace $0xD0000000  }
0x3: {  	_ = 	snop  }
0x4: {  	_ = 	snop  }
0x5: {  	_ = 	snop  }
0x6: {  	_ = 	snop  }
0x7: {  	_ = 	snop  }
__scs_overlays_trampoline_lowered:
0x8: {  	[smem:$0x3FA7] =	sst s0  }
0x9: {  	[smem:$0x3FA8] =	sst s1  }
0xa: {  	[smem:$0x3FA9] =	sst s2  }
0xb: {  	[smem:$0x3FAA] =	sst s3  }
0xc: {  	[smem:$0x3FAB] =	sst s4  }
0xd: {  	[smem:$0x3FAC] =	sst s5  }
0xe: {  	[smem:$0x3FAD] =	sst s6  }
0xf: {  	[smem:$0x3FAE] =	sst s7  }
0x10: {  	[smem:$0x3FAF] =	sst s8  }
0x11: {  	[smem:$0x3FB0] =	sst s9;
	s0 =	simm.s32 @!p0 $0x0  }
0x12: {  	s1 =	sld [smem:$0x3F96];
	s0 =	simm.s32 @p0 $0x1  }
0x13: {  	[smem:$0x3FB1] =	sst s0;
	s0 =	simm.s32 @!p1 $0x0  }
0x14: {  	s2 =	sld [smem:$0x3F95];
	s0 =	simm.s32 @p1 $0x1  }
0x15: {  	[smem:$0x3FB2] =	sst s0;
	s0 =	simm.s32 @!p2 $0x0  }
0x16: {  	s3 =	sld [smem:$0x3FDB];
	s0 =	simm.s32 @p2 $0x1  }
0x17: {  	s4 =	simm.s32 $0x1BF5;
	[smem:$0x3FB4] =	sst s0  }
0x18: {  	s0 =	sld [smem:$0x3F97];
	_ =	swait.ge [sflag:s4], $0x0  }
0x19: {  	s7 =	sld [smem:$0x3F98]  }
0x1a: {  	s8 =	sadd.s32 $0xFFFFE003, lr  }
0x1b: {  	s9 =	sadd.s32 $0xFFFFFEF7, lr;
	s5 =	simm.s32 $0xFFFFFFFF;
	p2 =	slt.u32 s8, $0xFFFFF086  }
0x1c: {  	p1 =	slt.u32 s9, $0xF7A;
	s5 =	simm.s32 @!p2 $0x0  }
0x1d: {  	s5 =	simm.s32 @p1 $0x1;
	p0 =	seq.s32 s7, s2  }
0x1e: {  	s7 =	smul.u32 @!p0 $0xF7A, s2;
	p2 =	seq.s32 @!p0 s5, $0x0  }
0x1f: {  	s9 =	smul.u32 $0xF7A, s1;
	s8 =	simm.s32 @!p0 $0x1BF5;
	p2 =	por !p2, p0  }
0x20: {  	[sflag:s8] =	ssyncset.s32 @!p0 $0xFFFFF086;
	s6 =	sadd.s32 @!p0 s3, s7;
	s7 =	simm.s32 @!p0 $0x108  }
0x21: {  	s3 =	sadd.s32 s3, s9;
	s6 =	sadd.s32 @!p0 $0x88, s6;
	s7 =	simm.s32 @p2 $0x1082  }
0x22: {  	[simem:s7], [sflag:s8] =	dma.local @!p0 [hbm:s6], $0xF7A  }
0x23: {  	s9 =	sor.u32 $0xD0000000, s2;
	s6 =	simm.s32 $0x108;
	_ =	swait.ge @!p0 [sflag:s8], $0x0  }
0x24: {  	s3 =	sadd.s32 $0x88, s3;
	s6 =	simm.s32 @!p1 $0x1082;
	[sflag:s4] =	ssyncset.s32 $0xFFFFF086  }
0x25: {  	[simem:s6], [sflag:s4] =	dma.local [hbm:s3], $0xF7A  }
0x26: {  	[smem:$0x3F98] =	sst s1;
	(tag) =	ssettag s2;
	_ =	strace s9  }
0x27: {  	s1 =	sld [smem:$0x3FA8]  }
0x28: {  	s2 =	sld [smem:$0x3FA9]  }
0x29: {  	s4 =	sld [smem:$0x3FAB]  }
0x2a: {  	p0 =	seq.s32 s5, $0x0;
	s5 =	sld [smem:$0x3FAC]  }
0x2b: {  	s6 =	sld [smem:$0x3FAD]  }
0x2c: {  	s7 =	sld [smem:$0x3FAE]  }
0x2d: {  	s3 =	simm.s32 $0x108;
	s8 =	sld [smem:$0x3FAF]  }
0x2e: {  	s3 =	simm.s32 @!p0 $0x1082;
	s9 =	sld [smem:$0x3FB0]  }
0x2f: {  	lr =	sadd.s32 s0, s3;
	s0 =	sld [smem:$0x3FA7]  }
0x30: {  	s3 =	sld [smem:$0x3FAA]  }
0x31: {  	[smem:$0x3FB3] =	sst s10  }
0x32: {  	s10 =	sld [smem:$0x3FB1];
	_ =	sdelay $0x3  }
0x33: {  	p0 =	seq.s32 s10, $0x1;
	s10 =	sld [smem:$0x3FB3];
	_ =	sdelay $0x3  }
0x34: {  	[smem:$0x3FB3] =	sst s10  }
0x35: {  	s10 =	sld [smem:$0x3FB2];
	_ =	sdelay $0x3  }
0x36: {  	p1 =	seq.s32 s10, $0x1;
	s10 =	sld [smem:$0x3FB3];
	_ =	sdelay $0x3  }
0x37: {  	[smem:$0x3FB3] =	sst s10  }
0x38: {  	s10 =	sld [smem:$0x3FB4]  }
0x39: {  	_ = 	snop;
	(pc) =	sbr.ind lr, $3  }
0x3a: {  	_ = 	snop  }
0x3b: {  	_ = 	snop  }
0x3c: {  	p2 =	seq.s32 s10, $0x1;
	s10 =	sld [smem:$0x3FB3]  }
0x3d: {  	_ =	shalt  }
0x3e: {  	_ =	shalt  }
0x3f: {  	_ =	shalt  }
0x40: {  	_ =	shalt  }
0x41: {  	_ =	shalt  }
0x42: {  	_ =	shalt  }
0x43: {  	_ =	shalt  }
0x44: {  	_ =	shalt  }
0x45: {  	_ =	shalt  }
0x46: {  	_ =	shalt  }
0x47: {  	_ =	shalt  }
0x48: {  	_ =	shalt  }
0x49: {  	_ =	shalt  }
0x4a: {  	_ =	shalt  }
0x4b: {  	_ =	shalt  }
0x4c: {  	_ =	shalt  }
0x4d: {  	_ =	shalt  }
0x4e: {  	_ =	shalt  }
0x4f: {  	_ =	shalt  }
0x50: {  	_ =	shalt  }
0x51: {  	_ =	shalt  }
0x52: {  	_ =	shalt  }
0x53: {  	_ =	shalt  }
0x54: {  	_ =	shalt  }
0x55: {  	_ =	shalt  }
0x56: {  	_ =	shalt  }
0x57: {  	_ =	shalt  }
0x58: {  	_ =	shalt  }
0x59: {  	_ =	shalt  }
0x5a: {  	_ =	shalt  }
0x5b: {  	_ =	shalt  }
0x5c: {  	_ =	shalt  }
0x5d: {  	_ =	shalt  }
0x5e: {  	_ =	shalt  }
0x5f: {  	_ =	shalt  }
0x60: {  	_ =	shalt  }
0x61: {  	_ =	shalt  }
0x62: {  	_ =	shalt  }
0x63: {  	_ =	shalt  }
0x64: {  	_ =	shalt  }
0x65: {  	_ =	shalt  }
0x66: {  	_ =	shalt  }
0x67: {  	_ =	shalt  }
0x68: {  	_ =	shalt  }
0x69: {  	_ =	shalt  }
0x6a: {  	_ =	shalt  }
0x6b: {  	_ =	shalt  }
0x6c: {  	_ =	shalt  }
0x6d: {  	_ =	shalt  }
0x6e: {  	_ =	shalt  }
0x6f: {  	_ =	shalt  }
0x70: {  	_ =	shalt  }
0x71: {  	_ =	shalt  }
0x72: {  	_ =	shalt  }
0x73: {  	_ =	shalt  }
0x74: {  	_ =	shalt  }
0x75: {  	_ =	shalt  }
0x76: {  	_ =	shalt  }
0x77: {  	_ =	shalt  }
0x78: {  	_ =	shalt  }
0x79: {  	_ =	shalt  }
0x7a: {  	_ =	shalt  }
0x7b: {  	_ =	shalt  }
0x7c: {  	_ =	shalt  }
0x7d: {  	_ =	shalt  }
0x7e: {  	_ =	shalt  }
0x7f: {  	_ =	shalt  }
0x80: {  	_ =	shalt  }
0x81: {  	_ =	shalt  }
0x82: {  	_ =	shalt  }
0x83: {  	_ =	shalt  }
0x84: {  	_ =	shalt  }
0x85: {  	_ =	shalt  }
0x86: {  	_ =	shalt  }
0x87: {  	_ =	shalt  }
.Lfunc_end0:
.L_simem_size_0:
called_computation.5_lowered:
.L_overlay_start_0:
0x88: {  	s2 =	sld [smem:$0x3FD9]  }
0x89: {  	s3 =	sld [smem:$0x3FFE];
	_ =	sdelay $0x1  }
0x8a: {  	s1 =	srdreg.scid  }
0x8b: {  	s0 =	sand.u32 $0x1, s1  }
0x8c: {  	s17 =	sshll.u32 s0, $0xA;
	s2 =	sadd.s32 s3, s2  }
0x8d: {  	s2 =	sadd.s32 s2, s17  }
0x8e: {  	[smem:$0x3FBF] =	sst s2  }
0x8f: {  	_ = 	snop  }
0x90: {  	s2 =	sld [smem:$0x3FD0];
	(tm) =	ssettm $0x1  }
0x91: {  	s18 =	sld [smem:$0x3FFB];
	_ =	sdelay $0x3  }
0x92: {  	_ =	strace s18  }
0x93: {  	s3 =	sld [smem:$0x3FFC];
	_ =	sdelay $0x3  }
0x94: {  	_ =	strace s3  }
0x95: {  	s3 =	sld [smem:$0x3FFD];
	_ =	sdelay $0x3  }
0x96: {  	_ =	strace s3  }
0x97: {  	_ =	strace $0x8FFFFFFF  }
0x98: {  	s19 =	sld [smem:$0x3FDB];
	_ =	sdelay $0x1  }
0x99: {  	s4 =	simm.s32 $_scs_section_size  }
0x9a: {  	s5 =	simm.s32 $_size__tile_overlayer_lowered;
	s6 =	simm.s32 $_tile_overlayer_lowered  }
0x9b: {  	s22 =	simm.s32 $0x1BFF;
	s21 =	sshll.u32 s6, $0x1;
	s3 =	sadd.s32 s4, s19  }
0x9c: {  	s7 =	simm.s32 $0x0;
	s20 =	sshll.u32 s5, $0x1;
	s5 =	sadd.s32 s21, s3  }
0x9d: {  	[timem:s7], [sflag:s22] =	dma.local [hbm:s5], s20  }
0x9e: {  	_ =	swait.ge [sflag:s22], s20  }
0x9f: {  	s4 =	ssub.s32 $0x0, s20;
	[sflag:s22] =	ssyncset.done $0x0  }
0xa0: {  	[sflag:s22] =	ssyncadd.s32 s4;
	_ =	sdelay $0x1  }
0xa1: {  	s23 =	simm.s32 $0x1B8B  }
0xa2: {  	_ =	swait.ge [sflag:s23], $0x1  }
0xa3: {  	[sflag:s23] =	ssyncset.done $0x0  }
0xa4: {  	s25 =	simm.s32 $0x1B8E;
	s24 =	sld [smem:$0x3FFE];
	[sflag:s23] =	ssyncadd.s32 $0xFFFFFFFF  }
0xa5: {  	s26 =	simm.s32 $execute0_lowered;
	[smem:$0x3FD2] =	sst s25  }
0xa6: {  	s5 =	sshll.u32 s26, $0x1;
	_ =	strace $0x80000055;
	[dreg:$0x1] =	wrdreg $0xFFFFFFFF  }
0xa7: {  	s28 =	simm.s32 $_size_execute0_lowered;
	s3 =	sadd.s32 s3, s5;
	[dreg:$0x0] =	wrdreg $0x0  }
0xa8: {  	s5 =	sshll.u32 s28, $0x1;
	[dreg:$0x2] =	wrdreg s3  }
0xa9: {  	[dreg:$0x3] =	wrdreg s5  }
0xaa: {  	[dreg:$0x4] =	wrdreg $0xC0  }
0xab: {  	_ =	task [dreg:s7], $0x5FFFF  }
0xac: {  	[dreg:$0x1] =	wrdreg $0xFFFFFFFF  }
0xad: {  	[dreg:$0x0] =	wrdreg $0x60  }
0xae: {  	[dreg:$0x2] =	wrdreg s24  }
0xaf: {  	[dreg:$0x3] =	wrdreg s2  }
0xb0: {  	[dreg:$0x4] =	wrdreg $0x41000  }
0xb1: {  	[dreg:$0x5] =	wrdreg $0x9  }
0xb2: {  	_ =	task.clear_ibuf [dreg:s7], $0x6FFFF;
	_ =	strace $0x90000055  }
0xb3: {  	s29 =	simm.s32 $0x9;
	_ =	strace $0x80000057  }
0xb4: {  	_ =	swait.ge [sflag:s29], $0x1  }
0xb5: {  	[sflag:s29] =	ssyncadd.s32 $0xFFFFFFFF  }
0xb6: {  	_ =	strace $0x90000057  }
0xb7: {  	_ =	sfence  }
0xb8: {  	s30 =	sld [smem:$0x0];
	_ =	sdelay $0x2  }
0xb9: {  	s31 =	sshll.u32 s1, $0xD;
	s1 =	sshrl.u32 s1, $0x2  }
0xba: {  	s3 =	sand.u32 $0x4000, s31;
	s1 =	sadd.s32 s1, s30  }
0xbb: {  	s0 =	sor.u32 s3, s0;
	s1 =	sshll.u32 s1, $0x11  }
0xbc: {  	s0 =	sor.u32 s1, s0  }
0xbd: {  	s0 =	sadd.s32 $0x8F2B, s0  }
0xbe: {  	[sflag:s0] =	ssyncadd.remote.s32 $0x1  }
0xbf: {  	_ =	sfence.sel $0xFFFF  }
0xc0: {  	[dreg:$0x0] =	wrdreg $0xFFFFFFFF;
	(pc) =	sbr.abs _section_cstart, $3  }
0xc1: {  	[dreg:$0x1] =	wrdreg $0xFFFFFFFF  }
0xc2: {  	_ =	task.clear_ibuf [dreg:s7], $0x2FFFF;
	_ =	strace $0x9FFFFFFF  }
0xc3: {  	(tm) =	ssettm $0x7FFFFFFF  }
tec
execute0_lowered:
.L_overlay_start_1:
0x0: {  	(tag) =	ssettag $0x1  }
0x1: {  	s5 =	rddreg [dreg:$0x0]  }
0x2: {  	s8 =	rddreg [dreg:$0x1]  }
0x3: {  	s2 =	rddreg [dreg:$0x2]  }
0x4: {  	s0 =	rddreg [dreg:$0x3]  }
0x5: {  	s3 =	simm.s32 $0x0;
	s1 =	stileid.u32;
	s4 =	srdreg.scid  }
0x6: {  	s15 =	simm.s32 $0x1;
	s16 =	simm.s32 $0x0;
	s7 =	smul.u32 $0x2800, s1  }
0x7: {  	[smem:$0x7FF] =	sst s3;
	s6 =	sand.u32 $0x1, s4;
	s11 =	smul.u32 $0x9E0, s1  }
0x8: {  	s4 =	sadd.s32 $0x3A00, s5;
	s10 =	sadd.s32 $0x35E00, s5;
	s13 =	smul.u32 $0x50000, s1  }
0x9: {  	s30 =	sshll.u32 s1, $0x6;
	_ =	strace $0x80000056;
	s9 =	smul.u32 $0x28000, s6  }
0xa: {  	s12 =	ssub.s32 $0x2, s6;
	p0 =	seq.s32 s6, $0x1;
	s29 =	smul.u32 $0x4F0, s6  }
0xb: {  	s14 =	sadd.s32 s11, s5;
	s26 =	sshrl.u32 s12, $0x1;
	s28 =	sshrl.u32 s13, $0x2  }
0xc: {  	s13 =	smov.u32 s4;
	s11 =	sadd.s32 s11, s8;
	s8 =	sor.u32 $0x1C02, s30  }
0xd: {  	s9 =	sadd.s32 s7, s9;
	s13 =	smov.u32 @p0 s10;
	s31 =	sadd.s32 s29, s14  }
0xe: {  	s10 =	sadd.s32 s29, s11;
	s14 =	simm.s32 $0x100;
	s5 =	sadd.s32 s9, s5  }
0xf: {  	s9 =	ssub.s32 s12, s26;
	s12 =	sadd.s32 s28, s2;
	s7 =	sadd.s32 s13, s7  }
0x10: {  	s13 =	simm.s32 $0x80;
	s5 =	sadd.s32 $0x5DE00, s5;
	s6 =	smax.u32 s9, $0x1  }
0x11: {  	s9 =	sadd.s32 $0x2C000, s31;
	s11 =	sshrl.u32 s12, $0x3;
	s12 =	simm.s32 $0x2  }
.LBB2_1:
0x12: {  	[spmem:s11], [sflag:s8] =	dma.local [hbm:s7], $0x2800  }
0x13: {  	_ =	swait.ge [sflag:s12], $0x2800  }
0x14: {  	[sflag:s12] =	ssyncset.done $0x0  }
0x15: {  	[sflag:s12] =	ssyncadd.s32 $0xFFFFD800  }
0x16: {  	s17 =	sadd.s32 $0x0, s10;
	[bflag:$0x0] =	sbarrier.arrive $0xFFFF  }
0x17: {  	[tilespmem:s3], [sflag:$0x2] =	stream.linear.gather [hbm4b:s17+s3], $0x80, $0x38;
	[tilespmem:$0x18100] =	vst v63  }
0x18: {  	_ =	swait.ge [sflag:s12], $0x80  }
0x19: {  	[sflag:s12] =	ssyncset.done $0x0  }
0x1a: {  	s31 =	sadd.s32 $0x0, s9;
	[sflag:s12] =	ssyncadd.s32 $0xFFFFFF80  }
0x1b: {  	[tilespmem:s13], [sflag:$0x2] =	stream.linear.gather [hbm4b:s31+s3], $0x80, $0x38;
	[tilespmem:$0x18100] =	vst v63  }
0x1c: {  	_ =	swait.ge [sflag:s12], $0x80  }
0x1d: {  	[sflag:s12] =	ssyncset.done $0x0  }
0x1e: {  	[sflag:s12] =	ssyncadd.s32 $0xFFFFFF80  }
0x1f: {  	[tilespmem:s14], [sflag:$0x1] =	stream.indirect.gather [hbm4b:s4+s13], $0x80, s3, s13, $0xb8;
	[tilespmem:$0x18100] =	vst v63  }
0x20: {  	_ =	swait.ge [sflag:s15], $0x4000  }
0x21: {  	[sflag:s15] =	ssyncset.done $0x0  }
0x22: {  	[sflag:s15] =	ssyncadd.s32 $0xFFFFC000  }
0x23: {  	[spmem:s2] =	stream.indirect.scatter.add.f32 [tilespmem:s14], [sflag:$0x2], $0x80, s13, s13, $0xb8;
	[tilespmem:$0x18100] =	vst v63  }
0x24: {  	_ =	swait.ge [sflag:s12], $0x4000  }
0x25: {  	s18 =	simm.s32 $0x20;
	s17 =	simm.s32 $0x10;
	[sflag:s12] =	ssyncset.done $0x0  }
.LBB2_2:
0x26: {  	s19 =	sadd.s32 s17, s10  }
0x27: {  	[sflag:s12] =	ssyncadd.s32 $0xFFFFC000;
	s20 =	smov.u32 s18;
	s21 =	sadd.s32 $0x10, s18  }
0x28: {  	[tilespmem:s3], [sflag:$0x2] =	stream.linear.gather [hbm4b:s19+s3], $0x80, $0x38;
	[tilespmem:$0x18100] =	vst v63  }
0x29: {  	p0 =	sne.s32 s18, $0x4E0;
	_ =	swait.ge [sflag:s12], $0x80  }
0x2a: {  	[sflag:s12] =	ssyncset.done $0x0  }
0x2b: {  	s18 =	sadd.s32 s17, s9;
	s17 =	smov.u32 s20;
	[sflag:s12] =	ssyncadd.s32 $0xFFFFFF80  }
0x2c: {  	[tilespmem:s13], [sflag:$0x2] =	stream.linear.gather [hbm4b:s18+s3], $0x80, $0x38;
	[tilespmem:$0x18100] =	vst v63  }
0x2d: {  	_ =	swait.ge [sflag:s12], $0x80  }
0x2e: {  	[sflag:s12] =	ssyncset.done $0x0  }
0x2f: {  	[sflag:s12] =	ssyncadd.s32 $0xFFFFFF80  }
0x30: {  	[tilespmem:s14], [sflag:$0x1] =	stream.indirect.gather [hbm4b:s4+s13], $0x80, s3, s13, $0xb8;
	[tilespmem:$0x18100] =	vst v63  }
0x31: {  	_ =	swait.ge [sflag:s15], $0x4000  }
.Ltmp0:
0x32: {  	[sflag:s15] =	ssyncset.done $0x0;
	(pc) =	sbr.rel @p0 .LBB2_2-.Ltmp0, $4  }
0x33: {  	[sflag:s15] =	ssyncadd.s32 $0xFFFFC000  }
0x34: {  	[spmem:s2] =	stream.indirect.scatter.add.f32 [tilespmem:s14], [sflag:$0x2], $0x80, s13, s13, $0xb8;
	[tilespmem:$0x18100] =	vst v63  }
0x35: {  	_ =	swait.ge [sflag:s12], $0x4000  }
0x36: {  	s18 =	smov.u32 s21;
	[sflag:s12] =	ssyncset.done $0x0  }
0x37: {  	s18 =	sadd.s32 s17, s10;
	[sflag:s12] =	ssyncadd.s32 $0xFFFFC000  }
0x38: {  	[tilespmem:s3], [sflag:$0x2] =	stream.linear.gather [hbm4b:s18+s3], $0x80, $0x38;
	[tilespmem:$0x18100] =	vst v63  }
0x39: {  	_ =	swait.ge [sflag:s12], $0x80  }
0x3a: {  	[sflag:s12] =	ssyncset.done $0x0  }
0x3b: {  	s31 =	sadd.s32 s17, s9;
	[sflag:s12] =	ssyncadd.s32 $0xFFFFFF80  }
0x3c: {  	[tilespmem:s13], [sflag:$0x2] =	stream.linear.gather [hbm4b:s31+s3], $0x80, $0x38;
	[tilespmem:$0x18100] =	vst v63  }
0x3d: {  	_ =	swait.ge [sflag:s12], $0x80  }
0x3e: {  	[sflag:s12] =	ssyncset.done $0x0  }
0x3f: {  	[sflag:s12] =	ssyncadd.s32 $0xFFFFFF80  }
0x40: {  	[tilespmem:s14], [sflag:$0x1] =	stream.indirect.gather [hbm4b:s4+s13], $0x80, s3, s13, $0xb8;
	[tilespmem:$0x18100] =	vst v63  }
0x41: {  	_ =	swait.ge [sflag:s15], $0x4000  }
0x42: {  	[sflag:s15] =	ssyncset.done $0x0  }
0x43: {  	[sflag:s15] =	ssyncadd.s32 $0xFFFFC000  }
0x44: {  	[spmem:s2] =	stream.indirect.scatter.add.f32 [tilespmem:s14], [sflag:$0x2], $0x80, s13, s13, $0xb8;
	[tilespmem:$0x18100] =	vst v63  }
0x45: {  	_ =	swait.ge [sflag:s12], $0x4000  }
0x46: {  	s16 =	sadd.s32 $0x1, s16;
	[sflag:s12] =	ssyncset.done $0x0  }
0x47: {  	p0 =	sne.s32 s16, s6;
	[sflag:s12] =	ssyncadd.s32 $0xFFFFC000  }
.Ltmp1:
0x48: {  	[bflag:$0x0] =	sbarrier.arrive $0xFFFF;
	(pc) =	sbr.rel @p0 .LBB2_1-.Ltmp1, $4  }
0x49: {  	[hbm:s5], [sflag:s8] =	dma.local [spmem:s11], $0x2800  }
0x4a: {  	_ =	swait.ge [sflag:s12], $0x2800  }
0x4b: {  	[sflag:s12] =	ssyncset.done $0x0  }
0x4c: {  	[sflag:s12] =	ssyncadd.s32 $0xFFFFD800  }
0x4d: {  	_ =	sfence.sel $0x180000  }
0x4e: {  	[bflag:$0x0] =	sbarrier.arrive $0xFFFF  }
0x4f: {  	p0 =	sne.s32 s1, $0x0;
	_ =	strace $0x90000056  }
0x50: {  	s0 =	sadd.s32 @!p0 $0x100000, s0;
	[bflag:$0x2] =	sbarrier.arrive $0xFFFF  }
0x51: {  	[sflag:s0] =	ssyncadd.tile.s32 @!p0 $0x1;
	_ =	shalt  }
.Lfunc_end2:
_tile_overlayer_lowered:
.L_overlay_start_2:
0x52: {  	(tag) =	ssettag $0x2  }
0x53: {  	s0 =	rddreg [dreg:$0x0];
	s2 =	stileid.u32  }
0x54: {  	s1 =	rddreg [dreg:$0x1];
	p0 =	sne.s32 s2, $0x0  }
0x55: {  	s3 =	rddreg [dreg:$0x2];
	[bflag:$0x3] =	sbarrier.arrive $0xFFFF;
	s2 =	simm.s32 @!p0 $0x1C02  }
0x56: {  	[timem:s3], [sflag:s2] =	dma.local @!p0 [hbm:s0], s1  }
0x57: {  	s0 =	simm.s32 @!p0 $0x2  }
0x58: {  	_ =	swait.ge @!p0 [sflag:s0], s1  }
0x59: {  	s1 =	ssub.s32 @!p0 $0x0, s1;
	[sflag:s0] =	ssyncset.done @!p0 $0x0  }
0x5a: {  	[sflag:s0] =	ssyncadd.s32 @!p0 s1  }
0x5b: {  	[bflag:$0x3] =	sbarrier.arrive $0xFFFF  }
0x5c: {  	_ =	shalt  }

</sc_bundles>
